<compile_context>
chip_gen: v7x
topology: tpu7x:2x2x1
jax: 0.10.2.dev20260603
libtpu: 0.0.44.dev20260713+nightly
codegen_flags: <defaults>
</compile_context>

<pallas_src>
import jax
import jax.numpy as jnp
from jax import lax
from jax.experimental import pallas as pl
from jax.experimental.pallas import tpu as pltpu
from jax.experimental.pallas import tpu_sc as plsc

_FREQ_MASK_PARAM = 27
_TIME_MASK_PARAM = 100
_N_FREQ_MASKS = 2
_N_TIME_MASKS = 2
_TIME_MASK_RATIO = 0.05

_CHUNK = 120
_NSLOT = 2
_NW = 32


def _sc_body(x_hbm, fk_hbm, tk_hbm, o_hbm, in_buf, out_buf, fk_v, tk_v,
             in_sem, out_sem):
    B, T, F = x_hbm.shape
    nv = F // 16
    nchunks = T // _CHUNK
    wid = lax.axis_index("s") * 2 + lax.axis_index("c")
    per_w = B // _NW

    def in_copy(b, ci, sl):
        return pltpu.make_async_copy(
            x_hbm.at[b, pl.ds(ci * _CHUNK, _CHUNK)], in_buf.at[sl],
            in_sem.at[sl])

    def out_copy(b, ci, sl):
        return pltpu.make_async_copy(
            out_buf.at[sl], o_hbm.at[b, pl.ds(ci * _CHUNK, _CHUNK)],
            out_sem.at[sl])

    for i in range(per_w):
        b = wid * per_w + i
        pltpu.sync_copy(fk_hbm.at[b], fk_v)
        pltpu.sync_copy(tk_hbm.at[b], tk_v)
        fks = [fk_v[0, pl.ds(j * 16, 16)] for j in range(nv)]

        for sl in range(_NSLOT):
            in_copy(b, sl, sl).start()

        def chunk_step(ci, carry, b=b, fks=fks):
            sl = lax.rem(ci, _NSLOT)
            in_copy(b, ci, sl).wait()

            @pl.when(ci >= _NSLOT)
            def _():
                out_copy(b, ci - _NSLOT, sl).wait()

            def grp_step(g, carry2, sl=sl, fks=fks):
                r8 = g * 8
                for k in range(8):
                    tf = tk_v[ci * (_CHUNK // 8) + g, pl.ds(k * 16, 16)]
                    for j in range(nv):
                        v = in_buf[sl, r8 + k, pl.ds(j * 16, 16)]
                        out_buf[sl, r8 + k, pl.ds(j * 16, 16)] = v * fks[j] * tf
                return carry2

            lax.fori_loop(0, _CHUNK // 8, grp_step, 0)
            out_copy(b, ci, sl).start()

            @pl.when(ci + _NSLOT < nchunks)
            def _():
                in_copy(b, ci + _NSLOT, sl).start()

            return carry

        lax.fori_loop(0, nchunks, chunk_step, 0)
        for ci in range(nchunks - _NSLOT, nchunks):
            out_copy(b, ci, ci % _NSLOT).wait()


def _keep_factors(B, T, F):
    key = jax.random.key(42)
    col = jnp.arange(F, dtype=jnp.int32)[None, :]
    fkeep = jnp.ones((B, F), jnp.float32)
    for _ in range(_N_FREQ_MASKS):
        key, k1, k2 = jax.random.split(key, 3)
        f = jax.random.randint(k1, (B,), 0, _FREQ_MASK_PARAM + 1)
        f0 = jax.random.randint(k2, (B,), 0, max(1, F - _FREQ_MASK_PARAM))
        fkeep = fkeep * ((col < f0[:, None]) | (col >= (f0 + f)[:, None]))
    t_max = _TIME_MASK_PARAM
    if _TIME_MASK_RATIO is not None:
        t_max = min(t_max, int(_TIME_MASK_RATIO * T))
    row = jnp.arange(T, dtype=jnp.int32)[None, :]
    tkeep = jnp.ones((B, T), jnp.float32)
    for _ in range(_N_TIME_MASKS):
        key, k1, k2 = jax.random.split(key, 3)
        t = jax.random.randint(k1, (B,), 0, max(1, t_max + 1))
        t0 = jax.random.randint(k2, (B,), 0, max(1, T - t_max))
        tkeep = tkeep * ((row < t0[:, None]) | (row >= (t0 + t)[:, None]))
    return fkeep, tkeep


def kernel(x):
    B, T, F = x.shape
    fkeep, tkeep = _keep_factors(B, T, F)
    mesh = plsc.VectorSubcoreMesh(core_axis_name="c", subcore_axis_name="s")
    run = pl.kernel(
        _sc_body,
        out_type=jax.ShapeDtypeStruct((B, T, F), x.dtype),
        mesh=mesh,
        scratch_types=[
            pltpu.VMEM((_NSLOT, _CHUNK, F), jnp.float32),
            pltpu.VMEM((_NSLOT, _CHUNK, F), jnp.float32),
            pltpu.VMEM((1, F), jnp.float32),
            pltpu.VMEM((T // 8, 128), jnp.float32),
            pltpu.SemaphoreType.DMA((_NSLOT,)),
            pltpu.SemaphoreType.DMA((_NSLOT,)),
        ],
    )
    tk128 = jnp.repeat(tkeep.reshape(B, T // 8, 8), 16, axis=2)
    return run(x, fkeep[:, None, :], tk128)

# --- scband reference (transcript-rebuilt; emitter-appended) ---
"""Pipeline reference for scband-spec-augment-22746146799618 (READ-ONLY COPY).

The authoritative reference and input builder live on the scoring server;
editing this copy changes nothing except your own understanding.
"""

import jax, jax.numpy as jnp
import numpy as np

FREQ_MASK_PARAM = 27
TIME_MASK_PARAM = 100
N_FREQ_MASKS = 2
N_TIME_MASKS = 2
TIME_MASK_RATIO = 0.05


def setup_inputs(seed: int = 0) -> dict:
    key = jax.random.key(seed)
    x = jax.random.normal(key, (64, 3000, 80), dtype=jnp.float32)
    return {"x": x}


def reference(x):
    # SpecAugment in training mode: n_freq_masks frequency masks and
    # n_time_masks time masks per sample, with per-sample random widths/offsets.
    B, T, F = x.shape
    key = jax.random.key(42)
    # frequency masks: mask columns [f0, f0+f) along the mel axis
    freq_idx = jnp.arange(F)[None, :]  # (1, F)
    for _ in range(N_FREQ_MASKS):
        key, k1, k2 = jax.random.split(key, 3)
        f = jax.random.randint(k1, (B,), 0, FREQ_MASK_PARAM + 1)
        f0 = jax.random.randint(k2, (B,), 0, max(1, F - FREQ_MASK_PARAM))
        mask = (freq_idx >= f0[:, None]) & (freq_idx < (f0 + f)[:, None])  # (B, F)
        x = jnp.where(mask[:, None, :], jnp.float32(0.0), x)
    # time masks: mask rows [t0, t0+t) along the frame axis
    t_max = TIME_MASK_PARAM
    if TIME_MASK_RATIO is not None:
        t_max = min(t_max, int(TIME_MASK_RATIO * T))
    time_idx = jnp.arange(T)[None, :]  # (1, T)
    for _ in range(N_TIME_MASKS):
        key, k1, k2 = jax.random.split(key, 3)
        t = jax.random.randint(k1, (B,), 0, max(1, t_max + 1))
        t0 = jax.random.randint(k2, (B,), 0, max(1, T - t_max))
        mask = (time_idx >= t0[:, None]) & (time_idx < (t0 + t)[:, None])  # (B, T)
        x = jnp.where(mask[:, :, None], jnp.float32(0.0), x)
    return x

if __name__ == "__main__":
    import jax
    _d = setup_inputs()
    print(jax.jit(kernel)(*tuple(_d.values())))

</pallas_src>

<mosaic_0001>
#map = affine_map<(d0, d1) -> (0, 0, 0)>
module attributes {stable_mosaic.version = 14 : i64} {
  func.func @_sc_body(%arg0: i32, %arg1: i32, %arg2: memref<64x3000x80xf32, #tpu.memory_space<hbm>>, %arg3: memref<64x1x80xf32, #tpu.memory_space<hbm>>, %arg4: memref<64x375x128xf32, #tpu.memory_space<hbm>>, %arg5: memref<64x3000x80xf32, #tpu.memory_space<hbm>>, %arg6: memref<2x120x80xf32, #tpu.memory_space<vmem>>, %arg7: memref<2x120x80xf32, #tpu.memory_space<vmem>>, %arg8: memref<1x80xf32, #tpu.memory_space<vmem>>, %arg9: memref<375x128xf32, #tpu.memory_space<vmem>>, %arg10: memref<2x!tpu.dma_semaphore, #tpu.memory_space<semaphore_mem>>, %arg11: memref<2x!tpu.dma_semaphore, #tpu.memory_space<semaphore_mem>>) attributes {dimension_semantics = [#tpu.dimension_semantics<core_parallel>, #tpu.dimension_semantics<subcore_parallel>], iteration_bounds = array<i64: 2, 16>, scalar_prefetch = 0 : i64, scratch_operands = 6 : i64, tpu.core_type = #tpu.core_type<sc_vector_subcore>, window_params = [{transform_indices = #map}, {transform_indices = #map}, {transform_indices = #map}, {transform_indices = #map}]} {
    %mul3A = arith.constant 2 : i32
    %mul3A_0 = arith.muli %arg1, %mul3A : i32
    %add3A = arith.addi %mul3A_0, %arg0 : i32
    %mul3A_1 = arith.constant 2 : i32
    %mul3A_2 = arith.muli %add3A, %mul3A_1 : i32
    %add3A_3 = arith.constant 0 : i32
    %add3A_4 = arith.addi %mul3A_2, %add3A_3 : i32
    "tpu.region"() ({
      %run_scoped3A = tpu.sem_alloc : memref<!tpu.dma_semaphore, #tpu.memory_space<semaphore_mem>>
      %dma_start3A_227 = arith.constant 0 : i32
      %dma_start3A_228 = arith.constant 0 : i32
      %dma_start3A_229 = tpu.memref_slice %arg3[%add3A_4, %dma_start3A_227, %dma_start3A_228] : memref<64x1x80xf32, #tpu.memory_space<hbm>> -> memref<1x1x80xf32, #tpu.memory_space<hbm>>
      %dma_start3A_230 = tpu.memref_squeeze %dma_start3A_229 : memref<1x1x80xf32, #tpu.memory_space<hbm>> -> memref<1x80xf32, #tpu.memory_space<hbm>>
      %dma_start3A_231 = arith.constant 0 : i32
      %dma_start3A_232 = arith.constant 0 : i32
      %dma_start3A_233 = tpu.memref_slice %arg3[%add3A_4, %dma_start3A_231, %dma_start3A_232] : memref<64x1x80xf32, #tpu.memory_space<hbm>> -> memref<1x1x80xf32, #tpu.memory_space<hbm>>
      %dma_start3A_234 = tpu.memref_squeeze %dma_start3A_233 : memref<1x1x80xf32, #tpu.memory_space<hbm>> -> memref<1x80xf32, #tpu.memory_space<hbm>>
      tpu.enqueue_dma source(%dma_start3A_234 : memref<1x80xf32, #tpu.memory_space<hbm>>) target(%arg8 : memref<1x80xf32, #tpu.memory_space<vmem>>) target_semaphore(%run_scoped3A : memref<!tpu.dma_semaphore, #tpu.memory_space<semaphore_mem>>)
      %dma_wait3A_235 = arith.constant 0 : i32
      %dma_wait3A_236 = arith.constant 0 : i32
      %dma_wait3A_237 = tpu.memref_slice %arg3[%add3A_4, %dma_wait3A_235, %dma_wait3A_236] : memref<64x1x80xf32, #tpu.memory_space<hbm>> -> memref<1x1x80xf32, #tpu.memory_space<hbm>>
      %dma_wait3A_238 = tpu.memref_squeeze %dma_wait3A_237 : memref<1x1x80xf32, #tpu.memory_space<hbm>> -> memref<1x80xf32, #tpu.memory_space<hbm>>
      %dma_wait3A_239 = arith.constant 0 : i32
      %dma_wait3A_240 = arith.constant 0 : i32
      %dma_wait3A_241 = tpu.memref_slice %arg3[%add3A_4, %dma_wait3A_239, %dma_wait3A_240] : memref<64x1x80xf32, #tpu.memory_space<hbm>> -> memref<1x1x80xf32, #tpu.memory_space<hbm>>
      %dma_wait3A_242 = tpu.memref_squeeze %dma_wait3A_241 : memref<1x1x80xf32, #tpu.memory_space<hbm>> -> memref<1x80xf32, #tpu.memory_space<hbm>>
      tpu.wait_dma2 semaphore(%run_scoped3A : memref<!tpu.dma_semaphore, #tpu.memory_space<semaphore_mem>>) src(%dma_wait3A_242 : memref<1x80xf32, #tpu.memory_space<hbm>>) dst(%arg8 : memref<1x80xf32, #tpu.memory_space<vmem>>)
      tpu.yield
    }) : () -> ()
    "tpu.region"() ({
      %run_scoped3A = tpu.sem_alloc : memref<!tpu.dma_semaphore, #tpu.memory_space<semaphore_mem>>
      %dma_start3A_227 = arith.constant 0 : i32
      %dma_start3A_228 = arith.constant 0 : i32
      %dma_start3A_229 = tpu.memref_slice %arg4[%add3A_4, %dma_start3A_227, %dma_start3A_228] : memref<64x375x128xf32, #tpu.memory_space<hbm>> -> memref<1x375x128xf32, #tpu.memory_space<hbm>>
      %dma_start3A_230 = tpu.memref_squeeze %dma_start3A_229 : memref<1x375x128xf32, #tpu.memory_space<hbm>> -> memref<375x128xf32, #tpu.memory_space<hbm>>
      %dma_start3A_231 = arith.constant 0 : i32
      %dma_start3A_232 = arith.constant 0 : i32
      %dma_start3A_233 = tpu.memref_slice %arg4[%add3A_4, %dma_start3A_231, %dma_start3A_232] : memref<64x375x128xf32, #tpu.memory_space<hbm>> -> memref<1x375x128xf32, #tpu.memory_space<hbm>>
      %dma_start3A_234 = tpu.memref_squeeze %dma_start3A_233 : memref<1x375x128xf32, #tpu.memory_space<hbm>> -> memref<375x128xf32, #tpu.memory_space<hbm>>
      tpu.enqueue_dma source(%dma_start3A_234 : memref<375x128xf32, #tpu.memory_space<hbm>>) target(%arg9 : memref<375x128xf32, #tpu.memory_space<vmem>>) target_semaphore(%run_scoped3A : memref<!tpu.dma_semaphore, #tpu.memory_space<semaphore_mem>>)
      %dma_wait3A_235 = arith.constant 0 : i32
      %dma_wait3A_236 = arith.constant 0 : i32
      %dma_wait3A_237 = tpu.memref_slice %arg4[%add3A_4, %dma_wait3A_235, %dma_wait3A_236] : memref<64x375x128xf32, #tpu.memory_space<hbm>> -> memref<1x375x128xf32, #tpu.memory_space<hbm>>
      %dma_wait3A_238 = tpu.memref_squeeze %dma_wait3A_237 : memref<1x375x128xf32, #tpu.memory_space<hbm>> -> memref<375x128xf32, #tpu.memory_space<hbm>>
      %dma_wait3A_239 = arith.constant 0 : i32
      %dma_wait3A_240 = arith.constant 0 : i32
      %dma_wait3A_241 = tpu.memref_slice %arg4[%add3A_4, %dma_wait3A_239, %dma_wait3A_240] : memref<64x375x128xf32, #tpu.memory_space<hbm>> -> memref<1x375x128xf32, #tpu.memory_space<hbm>>
      %dma_wait3A_242 = tpu.memref_squeeze %dma_wait3A_241 : memref<1x375x128xf32, #tpu.memory_space<hbm>> -> memref<375x128xf32, #tpu.memory_space<hbm>>
      tpu.wait_dma2 semaphore(%run_scoped3A : memref<!tpu.dma_semaphore, #tpu.memory_space<semaphore_mem>>) src(%dma_wait3A_242 : memref<375x128xf32, #tpu.memory_space<hbm>>) dst(%arg9 : memref<375x128xf32, #tpu.memory_space<vmem>>)
      tpu.yield
    }) : () -> ()
    %get3A = arith.constant 0 : i32
    %get3A_5 = arith.index_cast %get3A : i32 to index
    %get3A_6 = arith.constant 0 : index
    %get3A_7 = tpu.vector_load %arg8[%get3A_5, %get3A_6] {strides = array<i32>} : memref<1x80xf32, #tpu.memory_space<vmem>>, vector<1x16xf32>,
    %get3A_8 = vector.shape_cast %get3A_7 : vector<1x16xf32> to vector<16xf32>
    %get3A_9 = arith.constant 0 : i32
    %get3A_10 = arith.index_cast %get3A_9 : i32 to index
    %get3A_11 = arith.constant 16 : index
    %get3A_12 = tpu.vector_load %arg8[%get3A_10, %get3A_11] {strides = array<i32>} : memref<1x80xf32, #tpu.memory_space<vmem>>, vector<1x16xf32>,
    %get3A_13 = vector.shape_cast %get3A_12 : vector<1x16xf32> to vector<16xf32>
    %get3A_14 = arith.constant 0 : i32
    %get3A_15 = arith.index_cast %get3A_14 : i32 to index
    %get3A_16 = arith.constant 32 : index
    %get3A_17 = tpu.vector_load %arg8[%get3A_15, %get3A_16] {strides = array<i32>} : memref<1x80xf32, #tpu.memory_space<vmem>>, vector<1x16xf32>,
    %get3A_18 = vector.shape_cast %get3A_17 : vector<1x16xf32> to vector<16xf32>
    %get3A_19 = arith.constant 0 : i32
    %get3A_20 = arith.index_cast %get3A_19 : i32 to index
    %get3A_21 = arith.constant 48 : index
    %get3A_22 = tpu.vector_load %arg8[%get3A_20, %get3A_21] {strides = array<i32>} : memref<1x80xf32, #tpu.memory_space<vmem>>, vector<1x16xf32>,
    %get3A_23 = vector.shape_cast %get3A_22 : vector<1x16xf32> to vector<16xf32>
    %get3A_24 = arith.constant 0 : i32
    %get3A_25 = arith.index_cast %get3A_24 : i32 to index
    %get3A_26 = arith.constant 64 : index
    %get3A_27 = tpu.vector_load %arg8[%get3A_25, %get3A_26] {strides = array<i32>} : memref<1x80xf32, #tpu.memory_space<vmem>>, vector<1x16xf32>,
    %get3A_28 = vector.shape_cast %get3A_27 : vector<1x16xf32> to vector<16xf32>
    %dma_start3A = arith.constant 0 : i32
    %dma_start3A_29 = arith.constant 0 : i32
    %dma_start3A_30 = arith.constant 0 : i32
    %dma_start3A_31 = arith.constant 0 : i32
    %dma_start3A_32 = tpu.memref_slice %arg6[%dma_start3A, %dma_start3A_30, %dma_start3A_31] : memref<2x120x80xf32, #tpu.memory_space<vmem>> -> memref<1x120x80xf32, #tpu.memory_space<vmem>>
    %dma_start3A_33 = tpu.memref_squeeze %dma_start3A_32 : memref<1x120x80xf32, #tpu.memory_space<vmem>> -> memref<120x80xf32, #tpu.memory_space<vmem>>
    %dma_start3A_34 = arith.constant 0 : i32
    %dma_start3A_35 = arith.constant 0 : i32
    %dma_start3A_36 = tpu.memref_slice %arg2[%add3A_4, %dma_start3A_34, %dma_start3A_35] : memref<64x3000x80xf32, #tpu.memory_space<hbm>> -> memref<1x120x80xf32, #tpu.memory_space<hbm>>
    %dma_start3A_37 = tpu.memref_squeeze %dma_start3A_36 : memref<1x120x80xf32, #tpu.memory_space<hbm>> -> memref<120x80xf32, #tpu.memory_space<hbm>>
    %dma_start3A_38 = tpu.memref_slice %arg10[%dma_start3A_29] : memref<2x!tpu.dma_semaphore, #tpu.memory_space<semaphore_mem>> -> memref<1x!tpu.dma_semaphore, #tpu.memory_space<semaphore_mem>>
    %dma_start3A_39 = tpu.memref_squeeze %dma_start3A_38 : memref<1x!tpu.dma_semaphore, #tpu.memory_space<semaphore_mem>> -> memref<!tpu.dma_semaphore, #tpu.memory_space<semaphore_mem>>
    %dma_start3A_40 = arith.constant 0 : i32
    %dma_start3A_41 = arith.constant 0 : i32
    %dma_start3A_42 = tpu.memref_slice %arg6[%dma_start3A, %dma_start3A_40, %dma_start3A_41] : memref<2x120x80xf32, #tpu.memory_space<vmem>> -> memref<1x120x80xf32, #tpu.memory_space<vmem>>
    %dma_start3A_43 = tpu.memref_squeeze %dma_start3A_42 : memref<1x120x80xf32, #tpu.memory_space<vmem>> -> memref<120x80xf32, #tpu.memory_space<vmem>>
    %dma_start3A_44 = arith.constant 0 : i32
    %dma_start3A_45 = arith.constant 0 : i32
    %dma_start3A_46 = tpu.memref_slice %arg2[%add3A_4, %dma_start3A_44, %dma_start3A_45] : memref<64x3000x80xf32, #tpu.memory_space<hbm>> -> memref<1x120x80xf32, #tpu.memory_space<hbm>>
    %dma_start3A_47 = tpu.memref_squeeze %dma_start3A_46 : memref<1x120x80xf32, #tpu.memory_space<hbm>> -> memref<120x80xf32, #tpu.memory_space<hbm>>
    tpu.enqueue_dma source(%dma_start3A_47 : memref<120x80xf32, #tpu.memory_space<hbm>>) target(%dma_start3A_43 : memref<120x80xf32, #tpu.memory_space<vmem>>) target_semaphore(%dma_start3A_39 : memref<!tpu.dma_semaphore, #tpu.memory_space<semaphore_mem>>)
    %dma_start3A_48 = arith.constant 1 : i32
    %dma_start3A_49 = arith.constant 1 : i32
    %dma_start3A_50 = arith.constant 0 : i32
    %dma_start3A_51 = arith.constant 0 : i32
    %dma_start3A_52 = tpu.memref_slice %arg6[%dma_start3A_48, %dma_start3A_50, %dma_start3A_51] : memref<2x120x80xf32, #tpu.memory_space<vmem>> -> memref<1x120x80xf32, #tpu.memory_space<vmem>>
    %dma_start3A_53 = tpu.memref_squeeze %dma_start3A_52 : memref<1x120x80xf32, #tpu.memory_space<vmem>> -> memref<120x80xf32, #tpu.memory_space<vmem>>
    %dma_start3A_54 = arith.constant 120 : i32
    %dma_start3A_55 = arith.constant 0 : i32
    %dma_start3A_56 = tpu.memref_slice %arg2[%add3A_4, %dma_start3A_54, %dma_start3A_55] : memref<64x3000x80xf32, #tpu.memory_space<hbm>> -> memref<1x120x80xf32, #tpu.memory_space<hbm>>
    %dma_start3A_57 = tpu.memref_squeeze %dma_start3A_56 : memref<1x120x80xf32, #tpu.memory_space<hbm>> -> memref<120x80xf32, #tpu.memory_space<hbm>>
    %dma_start3A_58 = tpu.memref_slice %arg10[%dma_start3A_49] : memref<2x!tpu.dma_semaphore, #tpu.memory_space<semaphore_mem>> -> memref<1x!tpu.dma_semaphore, #tpu.memory_space<semaphore_mem>>
    %dma_start3A_59 = tpu.memref_squeeze %dma_start3A_58 : memref<1x!tpu.dma_semaphore, #tpu.memory_space<semaphore_mem>> -> memref<!tpu.dma_semaphore, #tpu.memory_space<semaphore_mem>>
    %dma_start3A_60 = arith.constant 0 : i32
    %dma_start3A_61 = arith.constant 0 : i32
    %dma_start3A_62 = tpu.memref_slice %arg6[%dma_start3A_48, %dma_start3A_60, %dma_start3A_61] : memref<2x120x80xf32, #tpu.memory_space<vmem>> -> memref<1x120x80xf32, #tpu.memory_space<vmem>>
    %dma_start3A_63 = tpu.memref_squeeze %dma_start3A_62 : memref<1x120x80xf32, #tpu.memory_space<vmem>> -> memref<120x80xf32, #tpu.memory_space<vmem>>
    %dma_start3A_64 = arith.constant 120 : i32
    %dma_start3A_65 = arith.constant 0 : i32
    %dma_start3A_66 = tpu.memref_slice %arg2[%add3A_4, %dma_start3A_64, %dma_start3A_65] : memref<64x3000x80xf32, #tpu.memory_space<hbm>> -> memref<1x120x80xf32, #tpu.memory_space<hbm>>
    %dma_start3A_67 = tpu.memref_squeeze %dma_start3A_66 : memref<1x120x80xf32, #tpu.memory_space<hbm>> -> memref<120x80xf32, #tpu.memory_space<hbm>>
    tpu.enqueue_dma source(%dma_start3A_67 : memref<120x80xf32, #tpu.memory_space<hbm>>) target(%dma_start3A_63 : memref<120x80xf32, #tpu.memory_space<vmem>>) target_semaphore(%dma_start3A_59 : memref<!tpu.dma_semaphore, #tpu.memory_space<semaphore_mem>>)
    %scan3A = arith.constant 0 : i32
    %scan3A_68 = arith.constant 0 : i32
    %scan3A_69 = arith.constant 25 : i32
    %scan3A_70 = arith.addi %scan3A_68, %scan3A_69 : i32
    %scan3A_71 = arith.constant 1 : i32
    scf.for %scan3A_227 = %scan3A_68 to %scan3A_70 step %scan3A_71  : i32 {
      %rem3A = arith.constant 2 : i32
      %rem3A_228 = arith.remsi %scan3A_227, %rem3A : i32
      %mul3A_229 = arith.constant 120 : i32
      %mul3A_230 = arith.muli %scan3A_227, %mul3A_229 : i32
      %dma_wait3A_231 = arith.constant 0 : i32
      %dma_wait3A_232 = arith.constant 0 : i32
      %dma_wait3A_233 = tpu.memref_slice %arg6[%rem3A_228, %dma_wait3A_231, %dma_wait3A_232] : memref<2x120x80xf32, #tpu.memory_space<vmem>> -> memref<1x120x80xf32, #tpu.memory_space<vmem>>
      %dma_wait3A_234 = tpu.memref_squeeze %dma_wait3A_233 : memref<1x120x80xf32, #tpu.memory_space<vmem>> -> memref<120x80xf32, #tpu.memory_space<vmem>>
      %dma_wait3A_235 = arith.constant 0 : i32
      %dma_wait3A_236 = tpu.memref_slice %arg2[%add3A_4, %mul3A_230, %dma_wait3A_235] : memref<64x3000x80xf32, #tpu.memory_space<hbm>> -> memref<1x120x80xf32, #tpu.memory_space<hbm>>
      %dma_wait3A_237 = tpu.memref_squeeze %dma_wait3A_236 : memref<1x120x80xf32, #tpu.memory_space<hbm>> -> memref<120x80xf32, #tpu.memory_space<hbm>>
      %dma_wait3A_238 = tpu.memref_slice %arg10[%rem3A_228] : memref<2x!tpu.dma_semaphore, #tpu.memory_space<semaphore_mem>> -> memref<1x!tpu.dma_semaphore, #tpu.memory_space<semaphore_mem>>
      %dma_wait3A_239 = tpu.memref_squeeze %dma_wait3A_238 : memref<1x!tpu.dma_semaphore, #tpu.memory_space<semaphore_mem>> -> memref<!tpu.dma_semaphore, #tpu.memory_space<semaphore_mem>>
      %dma_wait3A_240 = arith.constant 0 : i32
      %dma_wait3A_241 = arith.constant 0 : i32
      %dma_wait3A_242 = tpu.memref_slice %arg6[%rem3A_228, %dma_wait3A_240, %dma_wait3A_241] : memref<2x120x80xf32, #tpu.memory_space<vmem>> -> memref<1x120x80xf32, #tpu.memory_space<vmem>>
      %dma_wait3A_243 = tpu.memref_squeeze %dma_wait3A_242 : memref<1x120x80xf32, #tpu.memory_space<vmem>> -> memref<120x80xf32, #tpu.memory_space<vmem>>
      %dma_wait3A_244 = arith.constant 0 : i32
      %dma_wait3A_245 = tpu.memref_slice %arg2[%add3A_4, %mul3A_230, %dma_wait3A_244] : memref<64x3000x80xf32, #tpu.memory_space<hbm>> -> memref<1x120x80xf32, #tpu.memory_space<hbm>>
      %dma_wait3A_246 = tpu.memref_squeeze %dma_wait3A_245 : memref<1x120x80xf32, #tpu.memory_space<hbm>> -> memref<120x80xf32, #tpu.memory_space<hbm>>
      tpu.wait_dma2 semaphore(%dma_wait3A_239 : memref<!tpu.dma_semaphore, #tpu.memory_space<semaphore_mem>>) src(%dma_wait3A_246 : memref<120x80xf32, #tpu.memory_space<hbm>>) dst(%dma_wait3A_243 : memref<120x80xf32, #tpu.memory_space<vmem>>)
      %ge3A = arith.constant 2 : i32
      %ge3A_247 = arith.cmpi sge, %scan3A_227, %ge3A : i32
      %convert_element_type3A = arith.extui %ge3A_247 : i1 to i32
      %cond3A = arith.constant 0 : i32
      %cond3A_248 = arith.cmpi ne, %convert_element_type3A, %cond3A : i32
      scf.if %cond3A_248 {
        %sub3A = arith.constant 2 : i32
        %sub3A_279 = arith.subi %scan3A_227, %sub3A : i32
        %mul3A_280 = arith.constant 120 : i32
        %mul3A_281 = arith.muli %sub3A_279, %mul3A_280 : i32
        %dma_wait3A_282 = arith.constant 0 : i32
        %dma_wait3A_283 = arith.constant 0 : i32
        %dma_wait3A_284 = tpu.memref_slice %arg7[%rem3A_228, %dma_wait3A_282, %dma_wait3A_283] : memref<2x120x80xf32, #tpu.memory_space<vmem>> -> memref<1x120x80xf32, #tpu.memory_space<vmem>>
        %dma_wait3A_285 = tpu.memref_squeeze %dma_wait3A_284 : memref<1x120x80xf32, #tpu.memory_space<vmem>> -> memref<120x80xf32, #tpu.memory_space<vmem>>
        %dma_wait3A_286 = arith.constant 0 : i32
        %dma_wait3A_287 = tpu.memref_slice %arg5[%add3A_4, %mul3A_281, %dma_wait3A_286] : memref<64x3000x80xf32, #tpu.memory_space<hbm>> -> memref<1x120x80xf32, #tpu.memory_space<hbm>>
        %dma_wait3A_288 = tpu.memref_squeeze %dma_wait3A_287 : memref<1x120x80xf32, #tpu.memory_space<hbm>> -> memref<120x80xf32, #tpu.memory_space<hbm>>
        %dma_wait3A_289 = tpu.memref_slice %arg11[%rem3A_228] : memref<2x!tpu.dma_semaphore, #tpu.memory_space<semaphore_mem>> -> memref<1x!tpu.dma_semaphore, #tpu.memory_space<semaphore_mem>>
        %dma_wait3A_290 = tpu.memref_squeeze %dma_wait3A_289 : memref<1x!tpu.dma_semaphore, #tpu.memory_space<semaphore_mem>> -> memref<!tpu.dma_semaphore, #tpu.memory_space<semaphore_mem>>
        %dma_wait3A_291 = arith.constant 0 : i32
        %dma_wait3A_292 = tpu.memref_slice %arg5[%add3A_4, %mul3A_281, %dma_wait3A_291] : memref<64x3000x80xf32, #tpu.memory_space<hbm>> -> memref<1x120x80xf32, #tpu.memory_space<hbm>>
        %dma_wait3A_293 = tpu.memref_squeeze %dma_wait3A_292 : memref<1x120x80xf32, #tpu.memory_space<hbm>> -> memref<120x80xf32, #tpu.memory_space<hbm>>
        %dma_wait3A_294 = arith.constant 0 : i32
        %dma_wait3A_295 = arith.constant 0 : i32
        %dma_wait3A_296 = tpu.memref_slice %arg7[%rem3A_228, %dma_wait3A_294, %dma_wait3A_295] : memref<2x120x80xf32, #tpu.memory_space<vmem>> -> memref<1x120x80xf32, #tpu.memory_space<vmem>>
        %dma_wait3A_297 = tpu.memref_squeeze %dma_wait3A_296 : memref<1x120x80xf32, #tpu.memory_space<vmem>> -> memref<120x80xf32, #tpu.memory_space<vmem>>
        tpu.wait_dma2 semaphore(%dma_wait3A_290 : memref<!tpu.dma_semaphore, #tpu.memory_space<semaphore_mem>>) src(%dma_wait3A_297 : memref<120x80xf32, #tpu.memory_space<vmem>>) dst(%dma_wait3A_293 : memref<120x80xf32, #tpu.memory_space<hbm>>)
      } else {
      }
      %scan3A_249 = arith.constant 0 : i32
      %scan3A_250 = arith.constant 0 : i32
      %scan3A_251 = arith.constant 15 : i32
      %scan3A_252 = arith.addi %scan3A_250, %scan3A_251 : i32
      %scan3A_253 = arith.constant 1 : i32
      scf.for %scan3A_279 = %scan3A_250 to %scan3A_252 step %scan3A_253  : i32 {
        %mul3A_280 = arith.constant 8 : i32
        %mul3A_281 = arith.muli %scan3A_279, %mul3A_280 : i32
        %mul3A_282 = arith.constant 15 : i32
        %mul3A_283 = arith.muli %scan3A_227, %mul3A_282 : i32
        %add3A_284 = arith.addi %mul3A_283, %scan3A_279 : i32
        %get3A_285 = arith.index_cast %add3A_284 : i32 to index
        %get3A_286 = arith.constant 0 : index
        %get3A_287 = tpu.vector_load %arg9[%get3A_285, %get3A_286] {strides = array<i32>} : memref<375x128xf32, #tpu.memory_space<vmem>>, vector<1x16xf32>,
        %get3A_288 = vector.shape_cast %get3A_287 : vector<1x16xf32> to vector<16xf32>
        %add3A_289 = arith.constant 0 : i32
        %add3A_290 = arith.addi %mul3A_281, %add3A_289 : i32
        %get3A_291 = arith.index_cast %rem3A_228 : i32 to index
        %get3A_292 = arith.index_cast %add3A_290 : i32 to index
        %get3A_293 = arith.constant 0 : index
        %get3A_294 = tpu.vector_load %arg6[%get3A_291, %get3A_292, %get3A_293] {strides = array<i32>} : memref<2x120x80xf32, #tpu.memory_space<vmem>>, vector<1x1x16xf32>,
        %get3A_295 = vector.shape_cast %get3A_294 : vector<1x1x16xf32> to vector<16xf32>
        %mul3A_296 = arith.mulf %get3A_295, %get3A_8 : vector<16xf32>
        %mul3A_297 = arith.mulf %mul3A_296, %get3A_288 : vector<16xf32>
        %add3A_298 = arith.constant 0 : i32
        %add3A_299 = arith.addi %mul3A_281, %add3A_298 : i32
        %swap3A = arith.index_cast %rem3A_228 : i32 to index
        %swap3A_300 = arith.index_cast %add3A_299 : i32 to index
        %swap3A_301 = arith.constant 0 : index
        %swap3A_302 = tpu.vector_load %arg7[%swap3A, %swap3A_300, %swap3A_301] {strides = array<i32>} : memref<2x120x80xf32, #tpu.memory_space<vmem>>, vector<1x1x16xf32>,
        %swap3A_303 = vector.shape_cast %swap3A_302 : vector<1x1x16xf32> to vector<16xf32>
        %swap3A_304 = vector.shape_cast %mul3A_297 : vector<16xf32> to vector<1x1x16xf32>
        tpu.vector_store %arg7[%swap3A, %swap3A_300, %swap3A_301], %swap3A_304 {strides = array<i32>} : memref<2x120x80xf32, #tpu.memory_space<vmem>>, vector<1x1x16xf32>,
        %add3A_305 = arith.constant 0 : i32
        %add3A_306 = arith.addi %mul3A_281, %add3A_305 : i32
        %get3A_307 = arith.index_cast %rem3A_228 : i32 to index
        %get3A_308 = arith.index_cast %add3A_306 : i32 to index
        %get3A_309 = arith.constant 16 : index
        %get3A_310 = tpu.vector_load %arg6[%get3A_307, %get3A_308, %get3A_309] {strides = array<i32>} : memref<2x120x80xf32, #tpu.memory_space<vmem>>, vector<1x1x16xf32>,
        %get3A_311 = vector.shape_cast %get3A_310 : vector<1x1x16xf32> to vector<16xf32>
        %mul3A_312 = arith.mulf %get3A_311, %get3A_13 : vector<16xf32>
        %mul3A_313 = arith.mulf %mul3A_312, %get3A_288 : vector<16xf32>
        %add3A_314 = arith.constant 0 : i32
        %add3A_315 = arith.addi %mul3A_281, %add3A_314 : i32
        %swap3A_316 = arith.index_cast %rem3A_228 : i32 to index
        %swap3A_317 = arith.index_cast %add3A_315 : i32 to index
        %swap3A_318 = arith.constant 16 : index
        %swap3A_319 = tpu.vector_load %arg7[%swap3A_316, %swap3A_317, %swap3A_318] {strides = array<i32>} : memref<2x120x80xf32, #tpu.memory_space<vmem>>, vector<1x1x16xf32>,
        %swap3A_320 = vector.shape_cast %swap3A_319 : vector<1x1x16xf32> to vector<16xf32>
        %swap3A_321 = vector.shape_cast %mul3A_313 : vector<16xf32> to vector<1x1x16xf32>
        tpu.vector_store %arg7[%swap3A_316, %swap3A_317, %swap3A_318], %swap3A_321 {strides = array<i32>} : memref<2x120x80xf32, #tpu.memory_space<vmem>>, vector<1x1x16xf32>,
        %add3A_322 = arith.constant 0 : i32
        %add3A_323 = arith.addi %mul3A_281, %add3A_322 : i32
        %get3A_324 = arith.index_cast %rem3A_228 : i32 to index
        %get3A_325 = arith.index_cast %add3A_323 : i32 to index
        %get3A_326 = arith.constant 32 : index
        %get3A_327 = tpu.vector_load %arg6[%get3A_324, %get3A_325, %get3A_326] {strides = array<i32>} : memref<2x120x80xf32, #tpu.memory_space<vmem>>, vector<1x1x16xf32>,
        %get3A_328 = vector.shape_cast %get3A_327 : vector<1x1x16xf32> to vector<16xf32>
        %mul3A_329 = arith.mulf %get3A_328, %get3A_18 : vector<16xf32>
        %mul3A_330 = arith.mulf %mul3A_329, %get3A_288 : vector<16xf32>
        %add3A_331 = arith.constant 0 : i32
        %add3A_332 = arith.addi %mul3A_281, %add3A_331 : i32
        %swap3A_333 = arith.index_cast %rem3A_228 : i32 to index
        %swap3A_334 = arith.index_cast %add3A_332 : i32 to index
        %swap3A_335 = arith.constant 32 : index
        %swap3A_336 = tpu.vector_load %arg7[%swap3A_333, %swap3A_334, %swap3A_335] {strides = array<i32>} : memref<2x120x80xf32, #tpu.memory_space<vmem>>, vector<1x1x16xf32>,
        %swap3A_337 = vector.shape_cast %swap3A_336 : vector<1x1x16xf32> to vector<16xf32>
        %swap3A_338 = vector.shape_cast %mul3A_330 : vector<16xf32> to vector<1x1x16xf32>
        tpu.vector_store %arg7[%swap3A_333, %swap3A_334, %swap3A_335], %swap3A_338 {strides = array<i32>} : memref<2x120x80xf32, #tpu.memory_space<vmem>>, vector<1x1x16xf32>,
        %add3A_339 = arith.constant 0 : i32
        %add3A_340 = arith.addi %mul3A_281, %add3A_339 : i32
        %get3A_341 = arith.index_cast %rem3A_228 : i32 to index
        %get3A_342 = arith.index_cast %add3A_340 : i32 to index
        %get3A_343 = arith.constant 48 : index
        %get3A_344 = tpu.vector_load %arg6[%get3A_341, %get3A_342, %get3A_343] {strides = array<i32>} : memref<2x120x80xf32, #tpu.memory_space<vmem>>, vector<1x1x16xf32>,
        %get3A_345 = vector.shape_cast %get3A_344 : vector<1x1x16xf32> to vector<16xf32>
        %mul3A_346 = arith.mulf %get3A_345, %get3A_23 : vector<16xf32>
        %mul3A_347 = arith.mulf %mul3A_346, %get3A_288 : vector<16xf32>
        %add3A_348 = arith.constant 0 : i32
        %add3A_349 = arith.addi %mul3A_281, %add3A_348 : i32
        %swap3A_350 = arith.index_cast %rem3A_228 : i32 to index
        %swap3A_351 = arith.index_cast %add3A_349 : i32 to index
        %swap3A_352 = arith.constant 48 : index
        %swap3A_353 = tpu.vector_load %arg7[%swap3A_350, %swap3A_351, %swap3A_352] {strides = array<i32>} : memref<2x120x80xf32, #tpu.memory_space<vmem>>, vector<1x1x16xf32>,
        %swap3A_354 = vector.shape_cast %swap3A_353 : vector<1x1x16xf32> to vector<16xf32>
        %swap3A_355 = vector.shape_cast %mul3A_347 : vector<16xf32> to vector<1x1x16xf32>
        tpu.vector_store %arg7[%swap3A_350, %swap3A_351, %swap3A_352], %swap3A_355 {strides = array<i32>} : memref<2x120x80xf32, #tpu.memory_space<vmem>>, vector<1x1x16xf32>,
        %add3A_356 = arith.constant 0 : i32
        %add3A_357 = arith.addi %mul3A_281, %add3A_356 : i32
        %get3A_358 = arith.index_cast %rem3A_228 : i32 to index
        %get3A_359 = arith.index_cast %add3A_357 : i32 to index
        %get3A_360 = arith.constant 64 : index
        %get3A_361 = tpu.vector_load %arg6[%get3A_358, %get3A_359, %get3A_360] {strides = array<i32>} : memref<2x120x80xf32, #tpu.memory_space<vmem>>, vector<1x1x16xf32>,
        %get3A_362 = vector.shape_cast %get3A_361 : vector<1x1x16xf32> to vector<16xf32>
        %mul3A_363 = arith.mulf %get3A_362, %get3A_28 : vector<16xf32>
        %mul3A_364 = arith.mulf %mul3A_363, %get3A_288 : vector<16xf32>
        %add3A_365 = arith.constant 0 : i32
        %add3A_366 = arith.addi %mul3A_281, %add3A_365 : i32
        %swap3A_367 = arith.index_cast %rem3A_228 : i32 to index
        %swap3A_368 = arith.index_cast %add3A_366 : i32 to index
        %swap3A_369 = arith.constant 64 : index
        %swap3A_370 = tpu.vector_load %arg7[%swap3A_367, %swap3A_368, %swap3A_369] {strides = array<i32>} : memref<2x120x80xf32, #tpu.memory_space<vmem>>, vector<1x1x16xf32>,
        %swap3A_371 = vector.shape_cast %swap3A_370 : vector<1x1x16xf32> to vector<16xf32>
        %swap3A_372 = vector.shape_cast %mul3A_364 : vector<16xf32> to vector<1x1x16xf32>
        tpu.vector_store %arg7[%swap3A_367, %swap3A_368, %swap3A_369], %swap3A_372 {strides = array<i32>} : memref<2x120x80xf32, #tpu.memory_space<vmem>>, vector<1x1x16xf32>,
        %mul3A_373 = arith.constant 15 : i32
        %mul3A_374 = arith.muli %scan3A_227, %mul3A_373 : i32
        %add3A_375 = arith.addi %mul3A_374, %scan3A_279 : i32
        %get3A_376 = arith.index_cast %add3A_375 : i32 to index
        %get3A_377 = arith.constant 16 : index
        %get3A_378 = tpu.vector_load %arg9[%get3A_376, %get3A_377] {strides = array<i32>} : memref<375x128xf32, #tpu.memory_space<vmem>>, vector<1x16xf32>,
        %get3A_379 = vector.shape_cast %get3A_378 : vector<1x16xf32> to vector<16xf32>
        %add3A_380 = arith.constant 1 : i32
        %add3A_381 = arith.addi %mul3A_281, %add3A_380 : i32
        %get3A_382 = arith.index_cast %rem3A_228 : i32 to index
        %get3A_383 = arith.index_cast %add3A_381 : i32 to index
        %get3A_384 = arith.constant 0 : index
        %get3A_385 = tpu.vector_load %arg6[%get3A_382, %get3A_383, %get3A_384] {strides = array<i32>} : memref<2x120x80xf32, #tpu.memory_space<vmem>>, vector<1x1x16xf32>,
        %get3A_386 = vector.shape_cast %get3A_385 : vector<1x1x16xf32> to vector<16xf32>
        %mul3A_387 = arith.mulf %get3A_386, %get3A_8 : vector<16xf32>
        %mul3A_388 = arith.mulf %mul3A_387, %get3A_379 : vector<16xf32>
        %add3A_389 = arith.constant 1 : i32
        %add3A_390 = arith.addi %mul3A_281, %add3A_389 : i32
        %swap3A_391 = arith.index_cast %rem3A_228 : i32 to index
        %swap3A_392 = arith.index_cast %add3A_390 : i32 to index
        %swap3A_393 = arith.constant 0 : index
        %swap3A_394 = tpu.vector_load %arg7[%swap3A_391, %swap3A_392, %swap3A_393] {strides = array<i32>} : memref<2x120x80xf32, #tpu.memory_space<vmem>>, vector<1x1x16xf32>,
        %swap3A_395 = vector.shape_cast %swap3A_394 : vector<1x1x16xf32> to vector<16xf32>
        %swap3A_396 = vector.shape_cast %mul3A_388 : vector<16xf32> to vector<1x1x16xf32>
        tpu.vector_store %arg7[%swap3A_391, %swap3A_392, %swap3A_393], %swap3A_396 {strides = array<i32>} : memref<2x120x80xf32, #tpu.memory_space<vmem>>, vector<1x1x16xf32>,
        %add3A_397 = arith.constant 1 : i32
        %add3A_398 = arith.addi %mul3A_281, %add3A_397 : i32
        %get3A_399 = arith.index_cast %rem3A_228 : i32 to index
        %get3A_400 = arith.index_cast %add3A_398 : i32 to index
        %get3A_401 = arith.constant 16 : index
        %get3A_402 = tpu.vector_load %arg6[%get3A_399, %get3A_400, %get3A_401] {strides = array<i32>} : memref<2x120x80xf32, #tpu.memory_space<vmem>>, vector<1x1x16xf32>,
        %get3A_403 = vector.shape_cast %get3A_402 : vector<1x1x16xf32> to vector<16xf32>
        %mul3A_404 = arith.mulf %get3A_403, %get3A_13 : vector<16xf32>
        %mul3A_405 = arith.mulf %mul3A_404, %get3A_379 : vector<16xf32>
        %add3A_406 = arith.constant 1 : i32
        %add3A_407 = arith.addi %mul3A_281, %add3A_406 : i32
        %swap3A_408 = arith.index_cast %rem3A_228 : i32 to index
        %swap3A_409 = arith.index_cast %add3A_407 : i32 to index
        %swap3A_410 = arith.constant 16 : index
        %swap3A_411 = tpu.vector_load %arg7[%swap3A_408, %swap3A_409, %swap3A_410] {strides = array<i32>} : memref<2x120x80xf32, #tpu.memory_space<vmem>>, vector<1x1x16xf32>,
        %swap3A_412 = vector.shape_cast %swap3A_411 : vector<1x1x16xf32> to vector<16xf32>
        %swap3A_413 = vector.shape_cast %mul3A_405 : vector<16xf32> to vector<1x1x16xf32>
        tpu.vector_store %arg7[%swap3A_408, %swap3A_409, %swap3A_410], %swap3A_413 {strides = array<i32>} : memref<2x120x80xf32, #tpu.memory_space<vmem>>, vector<1x1x16xf32>,
        %add3A_414 = arith.constant 1 : i32
        %add3A_415 = arith.addi %mul3A_281, %add3A_414 : i32
        %get3A_416 = arith.index_cast %rem3A_228 : i32 to index
        %get3A_417 = arith.index_cast %add3A_415 : i32 to index
        %get3A_418 = arith.constant 32 : index
        %get3A_419 = tpu.vector_load %arg6[%get3A_416, %get3A_417, %get3A_418] {strides = array<i32>} : memref<2x120x80xf32, #tpu.memory_space<vmem>>, vector<1x1x16xf32>,
        %get3A_420 = vector.shape_cast %get3A_419 : vector<1x1x16xf32> to vector<16xf32>
        %mul3A_421 = arith.mulf %get3A_420, %get3A_18 : vector<16xf32>
        %mul3A_422 = arith.mulf %mul3A_421, %get3A_379 : vector<16xf32>
        %add3A_423 = arith.constant 1 : i32
        %add3A_424 = arith.addi %mul3A_281, %add3A_423 : i32
        %swap3A_425 = arith.index_cast %rem3A_228 : i32 to index
        %swap3A_426 = arith.index_cast %add3A_424 : i32 to index
        %swap3A_427 = arith.constant 32 : index
        %swap3A_428 = tpu.vector_load %arg7[%swap3A_425, %swap3A_426, %swap3A_427] {strides = array<i32>} : memref<2x120x80xf32, #tpu.memory_space<vmem>>, vector<1x1x16xf32>,
        %swap3A_429 = vector.shape_cast %swap3A_428 : vector<1x1x16xf32> to vector<16xf32>
        %swap3A_430 = vector.shape_cast %mul3A_422 : vector<16xf32> to vector<1x1x16xf32>
        tpu.vector_store %arg7[%swap3A_425, %swap3A_426, %swap3A_427], %swap3A_430 {strides = array<i32>} : memref<2x120x80xf32, #tpu.memory_space<vmem>>, vector<1x1x16xf32>,
        %add3A_431 = arith.constant 1 : i32
        %add3A_432 = arith.addi %mul3A_281, %add3A_431 : i32
        %get3A_433 = arith.index_cast %rem3A_228 : i32 to index
        %get3A_434 = arith.index_cast %add3A_432 : i32 to index
        %get3A_435 = arith.constant 48 : index
        %get3A_436 = tpu.vector_load %arg6[%get3A_433, %get3A_434, %get3A_435] {strides = array<i32>} : memref<2x120x80xf32, #tpu.memory_space<vmem>>, vector<1x1x16xf32>,
        %get3A_437 = vector.shape_cast %get3A_436 : vector<1x1x16xf32> to vector<16xf32>
        %mul3A_438 = arith.mulf %get3A_437, %get3A_23 : vector<16xf32>
        %mul3A_439 = arith.mulf %mul3A_438, %get3A_379 : vector<16xf32>
        %add3A_440 = arith.constant 1 : i32
        %add3A_441 = arith.addi %mul3A_281, %add3A_440 : i32
        %swap3A_442 = arith.index_cast %rem3A_228 : i32 to index
        %swap3A_443 = arith.index_cast %add3A_441 : i32 to index
        %swap3A_444 = arith.constant 48 : index
        %swap3A_445 = tpu.vector_load %arg7[%swap3A_442, %swap3A_443, %swap3A_444] {strides = array<i32>} : memref<2x120x80xf32, #tpu.memory_space<vmem>>, vector<1x1x16xf32>,
        %swap3A_446 = vector.shape_cast %swap3A_445 : vector<1x1x16xf32> to vector<16xf32>
        %swap3A_447 = vector.shape_cast %mul3A_439 : vector<16xf32> to vector<1x1x16xf32>
        tpu.vector_store %arg7[%swap3A_442, %swap3A_443, %swap3A_444], %swap3A_447 {strides = array<i32>} : memref<2x120x80xf32, #tpu.memory_space<vmem>>, vector<1x1x16xf32>,
        %add3A_448 = arith.constant 1 : i32
        %add3A_449 = arith.addi %mul3A_281, %add3A_448 : i32
        %get3A_450 = arith.index_cast %rem3A_228 : i32 to index
        %get3A_451 = arith.index_cast %add3A_449 : i32 to index
        %get3A_452 = arith.constant 64 : index
        %get3A_453 = tpu.vector_load %arg6[%get3A_450, %get3A_451, %get3A_452] {strides = array<i32>} : memref<2x120x80xf32, #tpu.memory_space<vmem>>, vector<1x1x16xf32>,
        %get3A_454 = vector.shape_cast %get3A_453 : vector<1x1x16xf32> to vector<16xf32>
        %mul3A_455 = arith.mulf %get3A_454, %get3A_28 : vector<16xf32>
        %mul3A_456 = arith.mulf %mul3A_455, %get3A_379 : vector<16xf32>
        %add3A_457 = arith.constant 1 : i32
        %add3A_458 = arith.addi %mul3A_281, %add3A_457 : i32
        %swap3A_459 = arith.index_cast %rem3A_228 : i32 to index
        %swap3A_460 = arith.index_cast %add3A_458 : i32 to index
        %swap3A_461 = arith.constant 64 : index
        %swap3A_462 = tpu.vector_load %arg7[%swap3A_459, %swap3A_460, %swap3A_461] {strides = array<i32>} : memref<2x120x80xf32, #tpu.memory_space<vmem>>, vector<1x1x16xf32>,
        %swap3A_463 = vector.shape_cast %swap3A_462 : vector<1x1x16xf32> to vector<16xf32>
        %swap3A_464 = vector.shape_cast %mul3A_456 : vector<16xf32> to vector<1x1x16xf32>
        tpu.vector_store %arg7[%swap3A_459, %swap3A_460, %swap3A_461], %swap3A_464 {strides = array<i32>} : memref<2x120x80xf32, #tpu.memory_space<vmem>>, vector<1x1x16xf32>,
        %mul3A_465 = arith.constant 15 : i32
        %mul3A_466 = arith.muli %scan3A_227, %mul3A_465 : i32
        %add3A_467 = arith.addi %mul3A_466, %scan3A_279 : i32
        %get3A_468 = arith.index_cast %add3A_467 : i32 to index
        %get3A_469 = arith.constant 32 : index
        %get3A_470 = tpu.vector_load %arg9[%get3A_468, %get3A_469] {strides = array<i32>} : memref<375x128xf32, #tpu.memory_space<vmem>>, vector<1x16xf32>,
        %get3A_471 = vector.shape_cast %get3A_470 : vector<1x16xf32> to vector<16xf32>
        %add3A_472 = arith.constant 2 : i32
        %add3A_473 = arith.addi %mul3A_281, %add3A_472 : i32
        %get3A_474 = arith.index_cast %rem3A_228 : i32 to index
        %get3A_475 = arith.index_cast %add3A_473 : i32 to index
        %get3A_476 = arith.constant 0 : index
        %get3A_477 = tpu.vector_load %arg6[%get3A_474, %get3A_475, %get3A_476] {strides = array<i32>} : memref<2x120x80xf32, #tpu.memory_space<vmem>>, vector<1x1x16xf32>,
        %get3A_478 = vector.shape_cast %get3A_477 : vector<1x1x16xf32> to vector<16xf32>
        %mul3A_479 = arith.mulf %get3A_478, %get3A_8 : vector<16xf32>
        %mul3A_480 = arith.mulf %mul3A_479, %get3A_471 : vector<16xf32>
        %add3A_481 = arith.constant 2 : i32
        %add3A_482 = arith.addi %mul3A_281, %add3A_481 : i32
        %swap3A_483 = arith.index_cast %rem3A_228 : i32 to index
        %swap3A_484 = arith.index_cast %add3A_482 : i32 to index
        %swap3A_485 = arith.constant 0 : index
        %swap3A_486 = tpu.vector_load %arg7[%swap3A_483, %swap3A_484, %swap3A_485] {strides = array<i32>} : memref<2x120x80xf32, #tpu.memory_space<vmem>>, vector<1x1x16xf32>,
        %swap3A_487 = vector.shape_cast %swap3A_486 : vector<1x1x16xf32> to vector<16xf32>
        %swap3A_488 = vector.shape_cast %mul3A_480 : vector<16xf32> to vector<1x1x16xf32>
        tpu.vector_store %arg7[%swap3A_483, %swap3A_484, %swap3A_485], %swap3A_488 {strides = array<i32>} : memref<2x120x80xf32, #tpu.memory_space<vmem>>, vector<1x1x16xf32>,
        %add3A_489 = arith.constant 2 : i32
        %add3A_490 = arith.addi %mul3A_281, %add3A_489 : i32
        %get3A_491 = arith.index_cast %rem3A_228 : i32 to index
        %get3A_492 = arith.index_cast %add3A_490 : i32 to index
        %get3A_493 = arith.constant 16 : index
        %get3A_494 = tpu.vector_load %arg6[%get3A_491, %get3A_492, %get3A_493] {strides = array<i32>} : memref<2x120x80xf32, #tpu.memory_space<vmem>>, vector<1x1x16xf32>,
        %get3A_495 = vector.shape_cast %get3A_494 : vector<1x1x16xf32> to vector<16xf32>
        %mul3A_496 = arith.mulf %get3A_495, %get3A_13 : vector<16xf32>
        %mul3A_497 = arith.mulf %mul3A_496, %get3A_471 : vector<16xf32>
        %add3A_498 = arith.constant 2 : i32
        %add3A_499 = arith.addi %mul3A_281, %add3A_498 : i32
        %swap3A_500 = arith.index_cast %rem3A_228 : i32 to index
        %swap3A_501 = arith.index_cast %add3A_499 : i32 to index
        %swap3A_502 = arith.constant 16 : index
        %swap3A_503 = tpu.vector_load %arg7[%swap3A_500, %swap3A_501, %swap3A_502] {strides = array<i32>} : memref<2x120x80xf32, #tpu.memory_space<vmem>>, vector<1x1x16xf32>,
        %swap3A_504 = vector.shape_cast %swap3A_503 : vector<1x1x16xf32> to vector<16xf32>
        %swap3A_505 = vector.shape_cast %mul3A_497 : vector<16xf32> to vector<1x1x16xf32>
        tpu.vector_store %arg7[%swap3A_500, %swap3A_501, %swap3A_502], %swap3A_505 {strides = array<i32>} : memref<2x120x80xf32, #tpu.memory_space<vmem>>, vector<1x1x16xf32>,
        %add3A_506 = arith.constant 2 : i32
        %add3A_507 = arith.addi %mul3A_281, %add3A_506 : i32
        %get3A_508 = arith.index_cast %rem3A_228 : i32 to index
        %get3A_509 = arith.index_cast %add3A_507 : i32 to index
        %get3A_510 = arith.constant 32 : index
        %get3A_511 = tpu.vector_load %arg6[%get3A_508, %get3A_509, %get3A_510] {strides = array<i32>} : memref<2x120x80xf32, #tpu.memory_space<vmem>>, vector<1x1x16xf32>,
        %get3A_512 = vector.shape_cast %get3A_511 : vector<1x1x16xf32> to vector<16xf32>
        %mul3A_513 = arith.mulf %get3A_512, %get3A_18 : vector<16xf32>
        %mul3A_514 = arith.mulf %mul3A_513, %get3A_471 : vector<16xf32>
        %add3A_515 = arith.constant 2 : i32
        %add3A_516 = arith.addi %mul3A_281, %add3A_515 : i32
        %swap3A_517 = arith.index_cast %rem3A_228 : i32 to index
        %swap3A_518 = arith.index_cast %add3A_516 : i32 to index
        %swap3A_519 = arith.constant 32 : index
        %swap3A_520 = tpu.vector_load %arg7[%swap3A_517, %swap3A_518, %swap3A_519] {strides = array<i32>} : memref<2x120x80xf32, #tpu.memory_space<vmem>>, vector<1x1x16xf32>,
        %swap3A_521 = vector.shape_cast %swap3A_520 : vector<1x1x16xf32> to vector<16xf32>
        %swap3A_522 = vector.shape_cast %mul3A_514 : vector<16xf32> to vector<1x1x16xf32>
        tpu.vector_store %arg7[%swap3A_517, %swap3A_518, %swap3A_519], %swap3A_522 {strides = array<i32>} : memref<2x120x80xf32, #tpu.memory_space<vmem>>, vector<1x1x16xf32>,
        %add3A_523 = arith.constant 2 : i32
        %add3A_524 = arith.addi %mul3A_281, %add3A_523 : i32
        %get3A_525 = arith.index_cast %rem3A_228 : i32 to index
        %get3A_526 = arith.index_cast %add3A_524 : i32 to index
        %get3A_527 = arith.constant 48 : index
        %get3A_528 = tpu.vector_load %arg6[%get3A_525, %get3A_526, %get3A_527] {strides = array<i32>} : memref<2x120x80xf32, #tpu.memory_space<vmem>>, vector<1x1x16xf32>,
        %get3A_529 = vector.shape_cast %get3A_528 : vector<1x1x16xf32> to vector<16xf32>
        %mul3A_530 = arith.mulf %get3A_529, %get3A_23 : vector<16xf32>
        %mul3A_531 = arith.mulf %mul3A_530, %get3A_471 : vector<16xf32>
        %add3A_532 = arith.constant 2 : i32
        %add3A_533 = arith.addi %mul3A_281, %add3A_532 : i32
        %swap3A_534 = arith.index_cast %rem3A_228 : i32 to index
        %swap3A_535 = arith.index_cast %add3A_533 : i32 to index
        %swap3A_536 = arith.constant 48 : index
        %swap3A_537 = tpu.vector_load %arg7[%swap3A_534, %swap3A_535, %swap3A_536] {strides = array<i32>} : memref<2x120x80xf32, #tpu.memory_space<vmem>>, vector<1x1x16xf32>,
        %swap3A_538 = vector.shape_cast %swap3A_537 : vector<1x1x16xf32> to vector<16xf32>
        %swap3A_539 = vector.shape_cast %mul3A_531 : vector<16xf32> to vector<1x1x16xf32>
        tpu.vector_store %arg7[%swap3A_534, %swap3A_535, %swap3A_536], %swap3A_539 {strides = array<i32>} : memref<2x120x80xf32, #tpu.memory_space<vmem>>, vector<1x1x16xf32>,
        %add3A_540 = arith.constant 2 : i32
        %add3A_541 = arith.addi %mul3A_281, %add3A_540 : i32
        %get3A_542 = arith.index_cast %rem3A_228 : i32 to index
        %get3A_543 = arith.index_cast %add3A_541 : i32 to index
        %get3A_544 = arith.constant 64 : index
        %get3A_545 = tpu.vector_load %arg6[%get3A_542, %get3A_543, %get3A_544] {strides = array<i32>} : memref<2x120x80xf32, #tpu.memory_space<vmem>>, vector<1x1x16xf32>,
        %get3A_546 = vector.shape_cast %get3A_545 : vector<1x1x16xf32> to vector<16xf32>
        %mul3A_547 = arith.mulf %get3A_546, %get3A_28 : vector<16xf32>
        %mul3A_548 = arith.mulf %mul3A_547, %get3A_471 : vector<16xf32>
        %add3A_549 = arith.constant 2 : i32
        %add3A_550 = arith.addi %mul3A_281, %add3A_549 : i32
        %swap3A_551 = arith.index_cast %rem3A_228 : i32 to index
        %swap3A_552 = arith.index_cast %add3A_550 : i32 to index
        %swap3A_553 = arith.constant 64 : index
        %swap3A_554 = tpu.vector_load %arg7[%swap3A_551, %swap3A_552, %swap3A_553] {strides = array<i32>} : memref<2x120x80xf32, #tpu.memory_space<vmem>>, vector<1x1x16xf32>,
        %swap3A_555 = vector.shape_cast %swap3A_554 : vector<1x1x16xf32> to vector<16xf32>
        %swap3A_556 = vector.shape_cast %mul3A_548 : vector<16xf32> to vector<1x1x16xf32>
        tpu.vector_store %arg7[%swap3A_551, %swap3A_552, %swap3A_553], %swap3A_556 {strides = array<i32>} : memref<2x120x80xf32, #tpu.memory_space<vmem>>, vector<1x1x16xf32>,
        %mul3A_557 = arith.constant 15 : i32
        %mul3A_558 = arith.muli %scan3A_227, %mul3A_557 : i32
        %add3A_559 = arith.addi %mul3A_558, %scan3A_279 : i32
        %get3A_560 = arith.index_cast %add3A_559 : i32 to index
        %get3A_561 = arith.constant 48 : index
        %get3A_562 = tpu.vector_load %arg9[%get3A_560, %get3A_561] {strides = array<i32>} : memref<375x128xf32, #tpu.memory_space<vmem>>, vector<1x16xf32>,
        %get3A_563 = vector.shape_cast %get3A_562 : vector<1x16xf32> to vector<16xf32>
        %add3A_564 = arith.constant 3 : i32
        %add3A_565 = arith.addi %mul3A_281, %add3A_564 : i32
        %get3A_566 = arith.index_cast %rem3A_228 : i32 to index
        %get3A_567 = arith.index_cast %add3A_565 : i32 to index
        %get3A_568 = arith.constant 0 : index
        %get3A_569 = tpu.vector_load %arg6[%get3A_566, %get3A_567, %get3A_568] {strides = array<i32>} : memref<2x120x80xf32, #tpu.memory_space<vmem>>, vector<1x1x16xf32>,
        %get3A_570 = vector.shape_cast %get3A_569 : vector<1x1x16xf32> to vector<16xf32>
        %mul3A_571 = arith.mulf %get3A_570, %get3A_8 : vector<16xf32>
        %mul3A_572 = arith.mulf %mul3A_571, %get3A_563 : vector<16xf32>
        %add3A_573 = arith.constant 3 : i32
        %add3A_574 = arith.addi %mul3A_281, %add3A_573 : i32
        %swap3A_575 = arith.index_cast %rem3A_228 : i32 to index
        %swap3A_576 = arith.index_cast %add3A_574 : i32 to index
        %swap3A_577 = arith.constant 0 : index
        %swap3A_578 = tpu.vector_load %arg7[%swap3A_575, %swap3A_576, %swap3A_577] {strides = array<i32>} : memref<2x120x80xf32, #tpu.memory_space<vmem>>, vector<1x1x16xf32>,
        %swap3A_579 = vector.shape_cast %swap3A_578 : vector<1x1x16xf32> to vector<16xf32>
        %swap3A_580 = vector.shape_cast %mul3A_572 : vector<16xf32> to vector<1x1x16xf32>
        tpu.vector_store %arg7[%swap3A_575, %swap3A_576, %swap3A_577], %swap3A_580 {strides = array<i32>} : memref<2x120x80xf32, #tpu.memory_space<vmem>>, vector<1x1x16xf32>,
        %add3A_581 = arith.constant 3 : i32
        %add3A_582 = arith.addi %mul3A_281, %add3A_581 : i32
        %get3A_583 = arith.index_cast %rem3A_228 : i32 to index
        %get3A_584 = arith.index_cast %add3A_582 : i32 to index
        %get3A_585 = arith.constant 16 : index
        %get3A_586 = tpu.vector_load %arg6[%get3A_583, %get3A_584, %get3A_585] {strides = array<i32>} : memref<2x120x80xf32, #tpu.memory_space<vmem>>, vector<1x1x16xf32>,
        %get3A_587 = vector.shape_cast %get3A_586 : vector<1x1x16xf32> to vector<16xf32>
        %mul3A_588 = arith.mulf %get3A_587, %get3A_13 : vector<16xf32>
        %mul3A_589 = arith.mulf %mul3A_588, %get3A_563 : vector<16xf32>
        %add3A_590 = arith.constant 3 : i32
        %add3A_591 = arith.addi %mul3A_281, %add3A_590 : i32
        %swap3A_592 = arith.index_cast %rem3A_228 : i32 to index
        %swap3A_593 = arith.index_cast %add3A_591 : i32 to index
        %swap3A_594 = arith.constant 16 : index
        %swap3A_595 = tpu.vector_load %arg7[%swap3A_592, %swap3A_593, %swap3A_594] {strides = array<i32>} : memref<2x120x80xf32, #tpu.memory_space<vmem>>, vector<1x1x16xf32>,
        %swap3A_596 = vector.shape_cast %swap3A_595 : vector<1x1x16xf32> to vector<16xf32>
        %swap3A_597 = vector.shape_cast %mul3A_589 : vector<16xf32> to vector<1x1x16xf32>
        tpu.vector_store %arg7[%swap3A_592, %swap3A_593, %swap3A_594], %swap3A_597 {strides = array<i32>} : memref<2x120x80xf32, #tpu.memory_space<vmem>>, vector<1x1x16xf32>,
        %add3A_598 = arith.constant 3 : i32
        %add3A_599 = arith.addi %mul3A_281, %add3A_598 : i32
        %get3A_600 = arith.index_cast %rem3A_228 : i32 to index
        %get3A_601 = arith.index_cast %add3A_599 : i32 to index
        %get3A_602 = arith.constant 32 : index
        %get3A_603 = tpu.vector_load %arg6[%get3A_600, %get3A_601, %get3A_602] {strides = array<i32>} : memref<2x120x80xf32, #tpu.memory_space<vmem>>, vector<1x1x16xf32>,
        %get3A_604 = vector.shape_cast %get3A_603 : vector<1x1x16xf32> to vector<16xf32>
        %mul3A_605 = arith.mulf %get3A_604, %get3A_18 : vector<16xf32>
        %mul3A_606 = arith.mulf %mul3A_605, %get3A_563 : vector<16xf32>
        %add3A_607 = arith.constant 3 : i32
        %add3A_608 = arith.addi %mul3A_281, %add3A_607 : i32
        %swap3A_609 = arith.index_cast %rem3A_228 : i32 to index
        %swap3A_610 = arith.index_cast %add3A_608 : i32 to index
        %swap3A_611 = arith.constant 32 : index
        %swap3A_612 = tpu.vector_load %arg7[%swap3A_609, %swap3A_610, %swap3A_611] {strides = array<i32>} : memref<2x120x80xf32, #tpu.memory_space<vmem>>, vector<1x1x16xf32>,
        %swap3A_613 = vector.shape_cast %swap3A_612 : vector<1x1x16xf32> to vector<16xf32>
        %swap3A_614 = vector.shape_cast %mul3A_606 : vector<16xf32> to vector<1x1x16xf32>
        tpu.vector_store %arg7[%swap3A_609, %swap3A_610, %swap3A_611], %swap3A_614 {strides = array<i32>} : memref<2x120x80xf32, #tpu.memory_space<vmem>>, vector<1x1x16xf32>,
        %add3A_615 = arith.constant 3 : i32
        %add3A_616 = arith.addi %mul3A_281, %add3A_615 : i32
        %get3A_617 = arith.index_cast %rem3A_228 : i32 to index
        %get3A_618 = arith.index_cast %add3A_616 : i32 to index
        %get3A_619 = arith.constant 48 : index
        %get3A_620 = tpu.vector_load %arg6[%get3A_617, %get3A_618, %get3A_619] {strides = array<i32>} : memref<2x120x80xf32, #tpu.memory_space<vmem>>, vector<1x1x16xf32>,
        %get3A_621 = vector.shape_cast %get3A_620 : vector<1x1x16xf32> to vector<16xf32>
        %mul3A_622 = arith.mulf %get3A_621, %get3A_23 : vector<16xf32>
        %mul3A_623 = arith.mulf %mul3A_622, %get3A_563 : vector<16xf32>
        %add3A_624 = arith.constant 3 : i32
        %add3A_625 = arith.addi %mul3A_281, %add3A_624 : i32
        %swap3A_626 = arith.index_cast %rem3A_228 : i32 to index
        %swap3A_627 = arith.index_cast %add3A_625 : i32 to index
        %swap3A_628 = arith.constant 48 : index
        %swap3A_629 = tpu.vector_load %arg7[%swap3A_626, %swap3A_627, %swap3A_628] {strides = array<i32>} : memref<2x120x80xf32, #tpu.memory_space<vmem>>, vector<1x1x16xf32>,
        %swap3A_630 = vector.shape_cast %swap3A_629 : vector<1x1x16xf32> to vector<16xf32>
        %swap3A_631 = vector.shape_cast %mul3A_623 : vector<16xf32> to vector<1x1x16xf32>
        tpu.vector_store %arg7[%swap3A_626, %swap3A_627, %swap3A_628], %swap3A_631 {strides = array<i32>} : memref<2x120x80xf32, #tpu.memory_space<vmem>>, vector<1x1x16xf32>,
        %add3A_632 = arith.constant 3 : i32
        %add3A_633 = arith.addi %mul3A_281, %add3A_632 : i32
        %get3A_634 = arith.index_cast %rem3A_228 : i32 to index
        %get3A_635 = arith.index_cast %add3A_633 : i32 to index
        %get3A_636 = arith.constant 64 : index
        %get3A_637 = tpu.vector_load %arg6[%get3A_634, %get3A_635, %get3A_636] {strides = array<i32>} : memref<2x120x80xf32, #tpu.memory_space<vmem>>, vector<1x1x16xf32>,
        %get3A_638 = vector.shape_cast %get3A_637 : vector<1x1x16xf32> to vector<16xf32>
        %mul3A_639 = arith.mulf %get3A_638, %get3A_28 : vector<16xf32>
        %mul3A_640 = arith.mulf %mul3A_639, %get3A_563 : vector<16xf32>
        %add3A_641 = arith.constant 3 : i32
        %add3A_642 = arith.addi %mul3A_281, %add3A_641 : i32
        %swap3A_643 = arith.index_cast %rem3A_228 : i32 to index
        %swap3A_644 = arith.index_cast %add3A_642 : i32 to index
        %swap3A_645 = arith.constant 64 : index
        %swap3A_646 = tpu.vector_load %arg7[%swap3A_643, %swap3A_644, %swap3A_645] {strides = array<i32>} : memref<2x120x80xf32, #tpu.memory_space<vmem>>, vector<1x1x16xf32>,
        %swap3A_647 = vector.shape_cast %swap3A_646 : vector<1x1x16xf32> to vector<16xf32>
        %swap3A_648 = vector.shape_cast %mul3A_640 : vector<16xf32> to vector<1x1x16xf32>
        tpu.vector_store %arg7[%swap3A_643, %swap3A_644, %swap3A_645], %swap3A_648 {strides = array<i32>} : memref<2x120x80xf32, #tpu.memory_space<vmem>>, vector<1x1x16xf32>,
        %mul3A_649 = arith.constant 15 : i32
        %mul3A_650 = arith.muli %scan3A_227, %mul3A_649 : i32
        %add3A_651 = arith.addi %mul3A_650, %scan3A_279 : i32
        %get3A_652 = arith.index_cast %add3A_651 : i32 to index
        %get3A_653 = arith.constant 64 : index
        %get3A_654 = tpu.vector_load %arg9[%get3A_652, %get3A_653] {strides = array<i32>} : memref<375x128xf32, #tpu.memory_space<vmem>>, vector<1x16xf32>,
        %get3A_655 = vector.shape_cast %get3A_654 : vector<1x16xf32> to vector<16xf32>
        %add3A_656 = arith.constant 4 : i32
        %add3A_657 = arith.addi %mul3A_281, %add3A_656 : i32
        %get3A_658 = arith.index_cast %rem3A_228 : i32 to index
        %get3A_659 = arith.index_cast %add3A_657 : i32 to index
        %get3A_660 = arith.constant 0 : index
        %get3A_661 = tpu.vector_load %arg6[%get3A_658, %get3A_659, %get3A_660] {strides = array<i32>} : memref<2x120x80xf32, #tpu.memory_space<vmem>>, vector<1x1x16xf32>,
        %get3A_662 = vector.shape_cast %get3A_661 : vector<1x1x16xf32> to vector<16xf32>
        %mul3A_663 = arith.mulf %get3A_662, %get3A_8 : vector<16xf32>
        %mul3A_664 = arith.mulf %mul3A_663, %get3A_655 : vector<16xf32>
        %add3A_665 = arith.constant 4 : i32
        %add3A_666 = arith.addi %mul3A_281, %add3A_665 : i32
        %swap3A_667 = arith.index_cast %rem3A_228 : i32 to index
        %swap3A_668 = arith.index_cast %add3A_666 : i32 to index
        %swap3A_669 = arith.constant 0 : index
        %swap3A_670 = tpu.vector_load %arg7[%swap3A_667, %swap3A_668, %swap3A_669] {strides = array<i32>} : memref<2x120x80xf32, #tpu.memory_space<vmem>>, vector<1x1x16xf32>,
        %swap3A_671 = vector.shape_cast %swap3A_670 : vector<1x1x16xf32> to vector<16xf32>
        %swap3A_672 = vector.shape_cast %mul3A_664 : vector<16xf32> to vector<1x1x16xf32>
        tpu.vector_store %arg7[%swap3A_667, %swap3A_668, %swap3A_669], %swap3A_672 {strides = array<i32>} : memref<2x120x80xf32, #tpu.memory_space<vmem>>, vector<1x1x16xf32>,
        %add3A_673 = arith.constant 4 : i32
        %add3A_674 = arith.addi %mul3A_281, %add3A_673 : i32
        %get3A_675 = arith.index_cast %rem3A_228 : i32 to index
        %get3A_676 = arith.index_cast %add3A_674 : i32 to index
        %get3A_677 = arith.constant 16 : index
        %get3A_678 = tpu.vector_load %arg6[%get3A_675, %get3A_676, %get3A_677] {strides = array<i32>} : memref<2x120x80xf32, #tpu.memory_space<vmem>>, vector<1x1x16xf32>,
        %get3A_679 = vector.shape_cast %get3A_678 : vector<1x1x16xf32> to vector<16xf32>
        %mul3A_680 = arith.mulf %get3A_679, %get3A_13 : vector<16xf32>
        %mul3A_681 = arith.mulf %mul3A_680, %get3A_655 : vector<16xf32>
        %add3A_682 = arith.constant 4 : i32
        %add3A_683 = arith.addi %mul3A_281, %add3A_682 : i32
        %swap3A_684 = arith.index_cast %rem3A_228 : i32 to index
        %swap3A_685 = arith.index_cast %add3A_683 : i32 to index
        %swap3A_686 = arith.constant 16 : index
        %swap3A_687 = tpu.vector_load %arg7[%swap3A_684, %swap3A_685, %swap3A_686] {strides = array<i32>} : memref<2x120x80xf32, #tpu.memory_space<vmem>>, vector<1x1x16xf32>,
        %swap3A_688 = vector.shape_cast %swap3A_687 : vector<1x1x16xf32> to vector<16xf32>
        %swap3A_689 = vector.shape_cast %mul3A_681 : vector<16xf32> to vector<1x1x16xf32>
        tpu.vector_store %arg7[%swap3A_684, %swap3A_685, %swap3A_686], %swap3A_689 {strides = array<i32>} : memref<2x120x80xf32, #tpu.memory_space<vmem>>, vector<1x1x16xf32>,
        %add3A_690 = arith.constant 4 : i32
        %add3A_691 = arith.addi %mul3A_281, %add3A_690 : i32
        %get3A_692 = arith.index_cast %rem3A_228 : i32 to index
        %get3A_693 = arith.index_cast %add3A_691 : i32 to index
        %get3A_694 = arith.constant 32 : index
        %get3A_695 = tpu.vector_load %arg6[%get3A_692, %get3A_693, %get3A_694] {strides = array<i32>} : memref<2x120x80xf32, #tpu.memory_space<vmem>>, vector<1x1x16xf32>,
        %get3A_696 = vector.shape_cast %get3A_695 : vector<1x1x16xf32> to vector<16xf32>
        %mul3A_697 = arith.mulf %get3A_696, %get3A_18 : vector<16xf32>
        %mul3A_698 = arith.mulf %mul3A_697, %get3A_655 : vector<16xf32>
        %add3A_699 = arith.constant 4 : i32
        %add3A_700 = arith.addi %mul3A_281, %add3A_699 : i32
        %swap3A_701 = arith.index_cast %rem3A_228 : i32 to index
        %swap3A_702 = arith.index_cast %add3A_700 : i32 to index
        %swap3A_703 = arith.constant 32 : index
        %swap3A_704 = tpu.vector_load %arg7[%swap3A_701, %swap3A_702, %swap3A_703] {strides = array<i32>} : memref<2x120x80xf32, #tpu.memory_space<vmem>>, vector<1x1x16xf32>,
        %swap3A_705 = vector.shape_cast %swap3A_704 : vector<1x1x16xf32> to vector<16xf32>
        %swap3A_706 = vector.shape_cast %mul3A_698 : vector<16xf32> to vector<1x1x16xf32>
        tpu.vector_store %arg7[%swap3A_701, %swap3A_702, %swap3A_703], %swap3A_706 {strides = array<i32>} : memref<2x120x80xf32, #tpu.memory_space<vmem>>, vector<1x1x16xf32>,
        %add3A_707 = arith.constant 4 : i32
        %add3A_708 = arith.addi %mul3A_281, %add3A_707 : i32
        %get3A_709 = arith.index_cast %rem3A_228 : i32 to index
        %get3A_710 = arith.index_cast %add3A_708 : i32 to index
        %get3A_711 = arith.constant 48 : index
        %get3A_712 = tpu.vector_load %arg6[%get3A_709, %get3A_710, %get3A_711] {strides = array<i32>} : memref<2x120x80xf32, #tpu.memory_space<vmem>>, vector<1x1x16xf32>,
        %get3A_713 = vector.shape_cast %get3A_712 : vector<1x1x16xf32> to vector<16xf32>
        %mul3A_714 = arith.mulf %get3A_713, %get3A_23 : vector<16xf32>
        %mul3A_715 = arith.mulf %mul3A_714, %get3A_655 : vector<16xf32>
        %add3A_716 = arith.constant 4 : i32
        %add3A_717 = arith.addi %mul3A_281, %add3A_716 : i32
        %swap3A_718 = arith.index_cast %rem3A_228 : i32 to index
        %swap3A_719 = arith.index_cast %add3A_717 : i32 to index
        %swap3A_720 = arith.constant 48 : index
        %swap3A_721 = tpu.vector_load %arg7[%swap3A_718, %swap3A_719, %swap3A_720] {strides = array<i32>} : memref<2x120x80xf32, #tpu.memory_space<vmem>>, vector<1x1x16xf32>,
        %swap3A_722 = vector.shape_cast %swap3A_721 : vector<1x1x16xf32> to vector<16xf32>
        %swap3A_723 = vector.shape_cast %mul3A_715 : vector<16xf32> to vector<1x1x16xf32>
        tpu.vector_store %arg7[%swap3A_718, %swap3A_719, %swap3A_720], %swap3A_723 {strides = array<i32>} : memref<2x120x80xf32, #tpu.memory_space<vmem>>, vector<1x1x16xf32>,
        %add3A_724 = arith.constant 4 : i32
        %add3A_725 = arith.addi %mul3A_281, %add3A_724 : i32
        %get3A_726 = arith.index_cast %rem3A_228 : i32 to index
        %get3A_727 = arith.index_cast %add3A_725 : i32 to index
        %get3A_728 = arith.constant 64 : index
        %get3A_729 = tpu.vector_load %arg6[%get3A_726, %get3A_727, %get3A_728] {strides = array<i32>} : memref<2x120x80xf32, #tpu.memory_space<vmem>>, vector<1x1x16xf32>,
        %get3A_730 = vector.shape_cast %get3A_729 : vector<1x1x16xf32> to vector<16xf32>
        %mul3A_731 = arith.mulf %get3A_730, %get3A_28 : vector<16xf32>
        %mul3A_732 = arith.mulf %mul3A_731, %get3A_655 : vector<16xf32>
        %add3A_733 = arith.constant 4 : i32
        %add3A_734 = arith.addi %mul3A_281, %add3A_733 : i32
        %swap3A_735 = arith.index_cast %rem3A_228 : i32 to index
        %swap3A_736 = arith.index_cast %add3A_734 : i32 to index
        %swap3A_737 = arith.constant 64 : index
        %swap3A_738 = tpu.vector_load %arg7[%swap3A_735, %swap3A_736, %swap3A_737] {strides = array<i32>} : memref<2x120x80xf32, #tpu.memory_space<vmem>>, vector<1x1x16xf32>,
        %swap3A_739 = vector.shape_cast %swap3A_738 : vector<1x1x16xf32> to vector<16xf32>
        %swap3A_740 = vector.shape_cast %mul3A_732 : vector<16xf32> to vector<1x1x16xf32>
        tpu.vector_store %arg7[%swap3A_735, %swap3A_736, %swap3A_737], %swap3A_740 {strides = array<i32>} : memref<2x120x80xf32, #tpu.memory_space<vmem>>, vector<1x1x16xf32>,
        %mul3A_741 = arith.constant 15 : i32
        %mul3A_742 = arith.muli %scan3A_227, %mul3A_741 : i32
        %add3A_743 = arith.addi %mul3A_742, %scan3A_279 : i32
        %get3A_744 = arith.index_cast %add3A_743 : i32 to index
        %get3A_745 = arith.constant 80 : index
        %get3A_746 = tpu.vector_load %arg9[%get3A_744, %get3A_745] {strides = array<i32>} : memref<375x128xf32, #tpu.memory_space<vmem>>, vector<1x16xf32>,
        %get3A_747 = vector.shape_cast %get3A_746 : vector<1x16xf32> to vector<16xf32>
        %add3A_748 = arith.constant 5 : i32
        %add3A_749 = arith.addi %mul3A_281, %add3A_748 : i32
        %get3A_750 = arith.index_cast %rem3A_228 : i32 to index
        %get3A_751 = arith.index_cast %add3A_749 : i32 to index
        %get3A_752 = arith.constant 0 : index
        %get3A_753 = tpu.vector_load %arg6[%get3A_750, %get3A_751, %get3A_752] {strides = array<i32>} : memref<2x120x80xf32, #tpu.memory_space<vmem>>, vector<1x1x16xf32>,
        %get3A_754 = vector.shape_cast %get3A_753 : vector<1x1x16xf32> to vector<16xf32>
        %mul3A_755 = arith.mulf %get3A_754, %get3A_8 : vector<16xf32>
        %mul3A_756 = arith.mulf %mul3A_755, %get3A_747 : vector<16xf32>
        %add3A_757 = arith.constant 5 : i32
        %add3A_758 = arith.addi %mul3A_281, %add3A_757 : i32
        %swap3A_759 = arith.index_cast %rem3A_228 : i32 to index
        %swap3A_760 = arith.index_cast %add3A_758 : i32 to index
        %swap3A_761 = arith.constant 0 : index
        %swap3A_762 = tpu.vector_load %arg7[%swap3A_759, %swap3A_760, %swap3A_761] {strides = array<i32>} : memref<2x120x80xf32, #tpu.memory_space<vmem>>, vector<1x1x16xf32>,
        %swap3A_763 = vector.shape_cast %swap3A_762 : vector<1x1x16xf32> to vector<16xf32>
        %swap3A_764 = vector.shape_cast %mul3A_756 : vector<16xf32> to vector<1x1x16xf32>
        tpu.vector_store %arg7[%swap3A_759, %swap3A_760, %swap3A_761], %swap3A_764 {strides = array<i32>} : memref<2x120x80xf32, #tpu.memory_space<vmem>>, vector<1x1x16xf32>,
        %add3A_765 = arith.constant 5 : i32
        %add3A_766 = arith.addi %mul3A_281, %add3A_765 : i32
        %get3A_767 = arith.index_cast %rem3A_228 : i32 to index
        %get3A_768 = arith.index_cast %add3A_766 : i32 to index
        %get3A_769 = arith.constant 16 : index
        %get3A_770 = tpu.vector_load %arg6[%get3A_767, %get3A_768, %get3A_769] {strides = array<i32>} : memref<2x120x80xf32, #tpu.memory_space<vmem>>, vector<1x1x16xf32>,
        %get3A_771 = vector.shape_cast %get3A_770 : vector<1x1x16xf32> to vector<16xf32>
        %mul3A_772 = arith.mulf %get3A_771, %get3A_13 : vector<16xf32>
        %mul3A_773 = arith.mulf %mul3A_772, %get3A_747 : vector<16xf32>
        %add3A_774 = arith.constant 5 : i32
        %add3A_775 = arith.addi %mul3A_281, %add3A_774 : i32
        %swap3A_776 = arith.index_cast %rem3A_228 : i32 to index
        %swap3A_777 = arith.index_cast %add3A_775 : i32 to index
        %swap3A_778 = arith.constant 16 : index
        %swap3A_779 = tpu.vector_load %arg7[%swap3A_776, %swap3A_777, %swap3A_778] {strides = array<i32>} : memref<2x120x80xf32, #tpu.memory_space<vmem>>, vector<1x1x16xf32>,
        %swap3A_780 = vector.shape_cast %swap3A_779 : vector<1x1x16xf32> to vector<16xf32>
        %swap3A_781 = vector.shape_cast %mul3A_773 : vector<16xf32> to vector<1x1x16xf32>
        tpu.vector_store %arg7[%swap3A_776, %swap3A_777, %swap3A_778], %swap3A_781 {strides = array<i32>} : memref<2x120x80xf32, #tpu.memory_space<vmem>>, vector<1x1x16xf32>,
        %add3A_782 = arith.constant 5 : i32
        %add3A_783 = arith.addi %mul3A_281, %add3A_782 : i32
        %get3A_784 = arith.index_cast %rem3A_228 : i32 to index
        %get3A_785 = arith.index_cast %add3A_783 : i32 to index
        %get3A_786 = arith.constant 32 : index
        %get3A_787 = tpu.vector_load %arg6[%get3A_784, %get3A_785, %get3A_786] {strides = array<i32>} : memref<2x120x80xf32, #tpu.memory_space<vmem>>, vector<1x1x16xf32>,
        %get3A_788 = vector.shape_cast %get3A_787 : vector<1x1x16xf32> to vector<16xf32>
        %mul3A_789 = arith.mulf %get3A_788, %get3A_18 : vector<16xf32>
        %mul3A_790 = arith.mulf %mul3A_789, %get3A_747 : vector<16xf32>
        %add3A_791 = arith.constant 5 : i32
        %add3A_792 = arith.addi %mul3A_281, %add3A_791 : i32
        %swap3A_793 = arith.index_cast %rem3A_228 : i32 to index
        %swap3A_794 = arith.index_cast %add3A_792 : i32 to index
        %swap3A_795 = arith.constant 32 : index
        %swap3A_796 = tpu.vector_load %arg7[%swap3A_793, %swap3A_794, %swap3A_795] {strides = array<i32>} : memref<2x120x80xf32, #tpu.memory_space<vmem>>, vector<1x1x16xf32>,
        %swap3A_797 = vector.shape_cast %swap3A_796 : vector<1x1x16xf32> to vector<16xf32>
        %swap3A_798 = vector.shape_cast %mul3A_790 : vector<16xf32> to vector<1x1x16xf32>
        tpu.vector_store %arg7[%swap3A_793, %swap3A_794, %swap3A_795], %swap3A_798 {strides = array<i32>} : memref<2x120x80xf32, #tpu.memory_space<vmem>>, vector<1x1x16xf32>,
        %add3A_799 = arith.constant 5 : i32
        %add3A_800 = arith.addi %mul3A_281, %add3A_799 : i32
        %get3A_801 = arith.index_cast %rem3A_228 : i32 to index
        %get3A_802 = arith.index_cast %add3A_800 : i32 to index
        %get3A_803 = arith.constant 48 : index
        %get3A_804 = tpu.vector_load %arg6[%get3A_801, %get3A_802, %get3A_803] {strides = array<i32>} : memref<2x120x80xf32, #tpu.memory_space<vmem>>, vector<1x1x16xf32>,
        %get3A_805 = vector.shape_cast %get3A_804 : vector<1x1x16xf32> to vector<16xf32>
        %mul3A_806 = arith.mulf %get3A_805, %get3A_23 : vector<16xf32>
        %mul3A_807 = arith.mulf %mul3A_806, %get3A_747 : vector<16xf32>
        %add3A_808 = arith.constant 5 : i32
        %add3A_809 = arith.addi %mul3A_281, %add3A_808 : i32
        %swap3A_810 = arith.index_cast %rem3A_228 : i32 to index
        %swap3A_811 = arith.index_cast %add3A_809 : i32 to index
        %swap3A_812 = arith.constant 48 : index
        %swap3A_813 = tpu.vector_load %arg7[%swap3A_810, %swap3A_811, %swap3A_812] {strides = array<i32>} : memref<2x120x80xf32, #tpu.memory_space<vmem>>, vector<1x1x16xf32>,
        %swap3A_814 = vector.shape_cast %swap3A_813 : vector<1x1x16xf32> to vector<16xf32>
        %swap3A_815 = vector.shape_cast %mul3A_807 : vector<16xf32> to vector<1x1x16xf32>
        tpu.vector_store %arg7[%swap3A_810, %swap3A_811, %swap3A_812], %swap3A_815 {strides = array<i32>} : memref<2x120x80xf32, #tpu.memory_space<vmem>>, vector<1x1x16xf32>,
        %add3A_816 = arith.constant 5 : i32
        %add3A_817 = arith.addi %mul3A_281, %add3A_816 : i32
        %get3A_818 = arith.index_cast %rem3A_228 : i32 to index
        %get3A_819 = arith.index_cast %add3A_817 : i32 to index
        %get3A_820 = arith.constant 64 : index
        %get3A_821 = tpu.vector_load %arg6[%get3A_818, %get3A_819, %get3A_820] {strides = array<i32>} : memref<2x120x80xf32, #tpu.memory_space<vmem>>, vector<1x1x16xf32>,
        %get3A_822 = vector.shape_cast %get3A_821 : vector<1x1x16xf32> to vector<16xf32>
        %mul3A_823 = arith.mulf %get3A_822, %get3A_28 : vector<16xf32>
        %mul3A_824 = arith.mulf %mul3A_823, %get3A_747 : vector<16xf32>
        %add3A_825 = arith.constant 5 : i32
        %add3A_826 = arith.addi %mul3A_281, %add3A_825 : i32
        %swap3A_827 = arith.index_cast %rem3A_228 : i32 to index
        %swap3A_828 = arith.index_cast %add3A_826 : i32 to index
        %swap3A_829 = arith.constant 64 : index
        %swap3A_830 = tpu.vector_load %arg7[%swap3A_827, %swap3A_828, %swap3A_829] {strides = array<i32>} : memref<2x120x80xf32, #tpu.memory_space<vmem>>, vector<1x1x16xf32>,
        %swap3A_831 = vector.shape_cast %swap3A_830 : vector<1x1x16xf32> to vector<16xf32>
        %swap3A_832 = vector.shape_cast %mul3A_824 : vector<16xf32> to vector<1x1x16xf32>
        tpu.vector_store %arg7[%swap3A_827, %swap3A_828, %swap3A_829], %swap3A_832 {strides = array<i32>} : memref<2x120x80xf32, #tpu.memory_space<vmem>>, vector<1x1x16xf32>,
        %mul3A_833 = arith.constant 15 : i32
        %mul3A_834 = arith.muli %scan3A_227, %mul3A_833 : i32
        %add3A_835 = arith.addi %mul3A_834, %scan3A_279 : i32
        %get3A_836 = arith.index_cast %add3A_835 : i32 to index
        %get3A_837 = arith.constant 96 : index
        %get3A_838 = tpu.vector_load %arg9[%get3A_836, %get3A_837] {strides = array<i32>} : memref<375x128xf32, #tpu.memory_space<vmem>>, vector<1x16xf32>,
        %get3A_839 = vector.shape_cast %get3A_838 : vector<1x16xf32> to vector<16xf32>
        %add3A_840 = arith.constant 6 : i32
        %add3A_841 = arith.addi %mul3A_281, %add3A_840 : i32
        %get3A_842 = arith.index_cast %rem3A_228 : i32 to index
        %get3A_843 = arith.index_cast %add3A_841 : i32 to index
        %get3A_844 = arith.constant 0 : index
        %get3A_845 = tpu.vector_load %arg6[%get3A_842, %get3A_843, %get3A_844] {strides = array<i32>} : memref<2x120x80xf32, #tpu.memory_space<vmem>>, vector<1x1x16xf32>,
        %get3A_846 = vector.shape_cast %get3A_845 : vector<1x1x16xf32> to vector<16xf32>
        %mul3A_847 = arith.mulf %get3A_846, %get3A_8 : vector<16xf32>
        %mul3A_848 = arith.mulf %mul3A_847, %get3A_839 : vector<16xf32>
        %add3A_849 = arith.constant 6 : i32
        %add3A_850 = arith.addi %mul3A_281, %add3A_849 : i32
        %swap3A_851 = arith.index_cast %rem3A_228 : i32 to index
        %swap3A_852 = arith.index_cast %add3A_850 : i32 to index
        %swap3A_853 = arith.constant 0 : index
        %swap3A_854 = tpu.vector_load %arg7[%swap3A_851, %swap3A_852, %swap3A_853] {strides = array<i32>} : memref<2x120x80xf32, #tpu.memory_space<vmem>>, vector<1x1x16xf32>,
        %swap3A_855 = vector.shape_cast %swap3A_854 : vector<1x1x16xf32> to vector<16xf32>
        %swap3A_856 = vector.shape_cast %mul3A_848 : vector<16xf32> to vector<1x1x16xf32>
        tpu.vector_store %arg7[%swap3A_851, %swap3A_852, %swap3A_853], %swap3A_856 {strides = array<i32>} : memref<2x120x80xf32, #tpu.memory_space<vmem>>, vector<1x1x16xf32>,
        %add3A_857 = arith.constant 6 : i32
        %add3A_858 = arith.addi %mul3A_281, %add3A_857 : i32
        %get3A_859 = arith.index_cast %rem3A_228 : i32 to index
        %get3A_860 = arith.index_cast %add3A_858 : i32 to index
        %get3A_861 = arith.constant 16 : index
        %get3A_862 = tpu.vector_load %arg6[%get3A_859, %get3A_860, %get3A_861] {strides = array<i32>} : memref<2x120x80xf32, #tpu.memory_space<vmem>>, vector<1x1x16xf32>,
        %get3A_863 = vector.shape_cast %get3A_862 : vector<1x1x16xf32> to vector<16xf32>
        %mul3A_864 = arith.mulf %get3A_863, %get3A_13 : vector<16xf32>
        %mul3A_865 = arith.mulf %mul3A_864, %get3A_839 : vector<16xf32>
        %add3A_866 = arith.constant 6 : i32
        %add3A_867 = arith.addi %mul3A_281, %add3A_866 : i32
        %swap3A_868 = arith.index_cast %rem3A_228 : i32 to index
        %swap3A_869 = arith.index_cast %add3A_867 : i32 to index
        %swap3A_870 = arith.constant 16 : index
        %swap3A_871 = tpu.vector_load %arg7[%swap3A_868, %swap3A_869, %swap3A_870] {strides = array<i32>} : memref<2x120x80xf32, #tpu.memory_space<vmem>>, vector<1x1x16xf32>,
        %swap3A_872 = vector.shape_cast %swap3A_871 : vector<1x1x16xf32> to vector<16xf32>
        %swap3A_873 = vector.shape_cast %mul3A_865 : vector<16xf32> to vector<1x1x16xf32>
        tpu.vector_store %arg7[%swap3A_868, %swap3A_869, %swap3A_870], %swap3A_873 {strides = array<i32>} : memref<2x120x80xf32, #tpu.memory_space<vmem>>, vector<1x1x16xf32>,
        %add3A_874 = arith.constant 6 : i32
        %add3A_875 = arith.addi %mul3A_281, %add3A_874 : i32
        %get3A_876 = arith.index_cast %rem3A_228 : i32 to index
        %get3A_877 = arith.index_cast %add3A_875 : i32 to index
        %get3A_878 = arith.constant 32 : index
        %get3A_879 = tpu.vector_load %arg6[%get3A_876, %get3A_877, %get3A_878] {strides = array<i32>} : memref<2x120x80xf32, #tpu.memory_space<vmem>>, vector<1x1x16xf32>,
        %get3A_880 = vector.shape_cast %get3A_879 : vector<1x1x16xf32> to vector<16xf32>
        %mul3A_881 = arith.mulf %get3A_880, %get3A_18 : vector<16xf32>
        %mul3A_882 = arith.mulf %mul3A_881, %get3A_839 : vector<16xf32>
        %add3A_883 = arith.constant 6 : i32
        %add3A_884 = arith.addi %mul3A_281, %add3A_883 : i32
        %swap3A_885 = arith.index_cast %rem3A_228 : i32 to index
        %swap3A_886 = arith.index_cast %add3A_884 : i32 to index
        %swap3A_887 = arith.constant 32 : index
        %swap3A_888 = tpu.vector_load %arg7[%swap3A_885, %swap3A_886, %swap3A_887] {strides = array<i32>} : memref<2x120x80xf32, #tpu.memory_space<vmem>>, vector<1x1x16xf32>,
        %swap3A_889 = vector.shape_cast %swap3A_888 : vector<1x1x16xf32> to vector<16xf32>
        %swap3A_890 = vector.shape_cast %mul3A_882 : vector<16xf32> to vector<1x1x16xf32>
        tpu.vector_store %arg7[%swap3A_885, %swap3A_886, %swap3A_887], %swap3A_890 {strides = array<i32>} : memref<2x120x80xf32, #tpu.memory_space<vmem>>, vector<1x1x16xf32>,
        %add3A_891 = arith.constant 6 : i32
        %add3A_892 = arith.addi %mul3A_281, %add3A_891 : i32
        %get3A_893 = arith.index_cast %rem3A_228 : i32 to index
        %get3A_894 = arith.index_cast %add3A_892 : i32 to index
        %get3A_895 = arith.constant 48 : index
        %get3A_896 = tpu.vector_load %arg6[%get3A_893, %get3A_894, %get3A_895] {strides = array<i32>} : memref<2x120x80xf32, #tpu.memory_space<vmem>>, vector<1x1x16xf32>,
        %get3A_897 = vector.shape_cast %get3A_896 : vector<1x1x16xf32> to vector<16xf32>
        %mul3A_898 = arith.mulf %get3A_897, %get3A_23 : vector<16xf32>
        %mul3A_899 = arith.mulf %mul3A_898, %get3A_839 : vector<16xf32>
        %add3A_900 = arith.constant 6 : i32
        %add3A_901 = arith.addi %mul3A_281, %add3A_900 : i32
        %swap3A_902 = arith.index_cast %rem3A_228 : i32 to index
        %swap3A_903 = arith.index_cast %add3A_901 : i32 to index
        %swap3A_904 = arith.constant 48 : index
        %swap3A_905 = tpu.vector_load %arg7[%swap3A_902, %swap3A_903, %swap3A_904] {strides = array<i32>} : memref<2x120x80xf32, #tpu.memory_space<vmem>>, vector<1x1x16xf32>,
        %swap3A_906 = vector.shape_cast %swap3A_905 : vector<1x1x16xf32> to vector<16xf32>
        %swap3A_907 = vector.shape_cast %mul3A_899 : vector<16xf32> to vector<1x1x16xf32>
        tpu.vector_store %arg7[%swap3A_902, %swap3A_903, %swap3A_904], %swap3A_907 {strides = array<i32>} : memref<2x120x80xf32, #tpu.memory_space<vmem>>, vector<1x1x16xf32>,
        %add3A_908 = arith.constant 6 : i32
        %add3A_909 = arith.addi %mul3A_281, %add3A_908 : i32
        %get3A_910 = arith.index_cast %rem3A_228 : i32 to index
        %get3A_911 = arith.index_cast %add3A_909 : i32 to index
        %get3A_912 = arith.constant 64 : index
        %get3A_913 = tpu.vector_load %arg6[%get3A_910, %get3A_911, %get3A_912] {strides = array<i32>} : memref<2x120x80xf32, #tpu.memory_space<vmem>>, vector<1x1x16xf32>,
        %get3A_914 = vector.shape_cast %get3A_913 : vector<1x1x16xf32> to vector<16xf32>
        %mul3A_915 = arith.mulf %get3A_914, %get3A_28 : vector<16xf32>
        %mul3A_916 = arith.mulf %mul3A_915, %get3A_839 : vector<16xf32>
        %add3A_917 = arith.constant 6 : i32
        %add3A_918 = arith.addi %mul3A_281, %add3A_917 : i32
        %swap3A_919 = arith.index_cast %rem3A_228 : i32 to index
        %swap3A_920 = arith.index_cast %add3A_918 : i32 to index
        %swap3A_921 = arith.constant 64 : index
        %swap3A_922 = tpu.vector_load %arg7[%swap3A_919, %swap3A_920, %swap3A_921] {strides = array<i32>} : memref<2x120x80xf32, #tpu.memory_space<vmem>>, vector<1x1x16xf32>,
        %swap3A_923 = vector.shape_cast %swap3A_922 : vector<1x1x16xf32> to vector<16xf32>
        %swap3A_924 = vector.shape_cast %mul3A_916 : vector<16xf32> to vector<1x1x16xf32>
        tpu.vector_store %arg7[%swap3A_919, %swap3A_920, %swap3A_921], %swap3A_924 {strides = array<i32>} : memref<2x120x80xf32, #tpu.memory_space<vmem>>, vector<1x1x16xf32>,
        %mul3A_925 = arith.constant 15 : i32
        %mul3A_926 = arith.muli %scan3A_227, %mul3A_925 : i32
        %add3A_927 = arith.addi %mul3A_926, %scan3A_279 : i32
        %get3A_928 = arith.index_cast %add3A_927 : i32 to index
        %get3A_929 = arith.constant 112 : index
        %get3A_930 = tpu.vector_load %arg9[%get3A_928, %get3A_929] {strides = array<i32>} : memref<375x128xf32, #tpu.memory_space<vmem>>, vector<1x16xf32>,
        %get3A_931 = vector.shape_cast %get3A_930 : vector<1x16xf32> to vector<16xf32>
        %add3A_932 = arith.constant 7 : i32
        %add3A_933 = arith.addi %mul3A_281, %add3A_932 : i32
        %get3A_934 = arith.index_cast %rem3A_228 : i32 to index
        %get3A_935 = arith.index_cast %add3A_933 : i32 to index
        %get3A_936 = arith.constant 0 : index
        %get3A_937 = tpu.vector_load %arg6[%get3A_934, %get3A_935, %get3A_936] {strides = array<i32>} : memref<2x120x80xf32, #tpu.memory_space<vmem>>, vector<1x1x16xf32>,
        %get3A_938 = vector.shape_cast %get3A_937 : vector<1x1x16xf32> to vector<16xf32>
        %mul3A_939 = arith.mulf %get3A_938, %get3A_8 : vector<16xf32>
        %mul3A_940 = arith.mulf %mul3A_939, %get3A_931 : vector<16xf32>
        %add3A_941 = arith.constant 7 : i32
        %add3A_942 = arith.addi %mul3A_281, %add3A_941 : i32
        %swap3A_943 = arith.index_cast %rem3A_228 : i32 to index
        %swap3A_944 = arith.index_cast %add3A_942 : i32 to index
        %swap3A_945 = arith.constant 0 : index
        %swap3A_946 = tpu.vector_load %arg7[%swap3A_943, %swap3A_944, %swap3A_945] {strides = array<i32>} : memref<2x120x80xf32, #tpu.memory_space<vmem>>, vector<1x1x16xf32>,
        %swap3A_947 = vector.shape_cast %swap3A_946 : vector<1x1x16xf32> to vector<16xf32>
        %swap3A_948 = vector.shape_cast %mul3A_940 : vector<16xf32> to vector<1x1x16xf32>
        tpu.vector_store %arg7[%swap3A_943, %swap3A_944, %swap3A_945], %swap3A_948 {strides = array<i32>} : memref<2x120x80xf32, #tpu.memory_space<vmem>>, vector<1x1x16xf32>,
        %add3A_949 = arith.constant 7 : i32
        %add3A_950 = arith.addi %mul3A_281, %add3A_949 : i32
        %get3A_951 = arith.index_cast %rem3A_228 : i32 to index
        %get3A_952 = arith.index_cast %add3A_950 : i32 to index
        %get3A_953 = arith.constant 16 : index
        %get3A_954 = tpu.vector_load %arg6[%get3A_951, %get3A_952, %get3A_953] {strides = array<i32>} : memref<2x120x80xf32, #tpu.memory_space<vmem>>, vector<1x1x16xf32>,
        %get3A_955 = vector.shape_cast %get3A_954 : vector<1x1x16xf32> to vector<16xf32>
        %mul3A_956 = arith.mulf %get3A_955, %get3A_13 : vector<16xf32>
        %mul3A_957 = arith.mulf %mul3A_956, %get3A_931 : vector<16xf32>
        %add3A_958 = arith.constant 7 : i32
        %add3A_959 = arith.addi %mul3A_281, %add3A_958 : i32
        %swap3A_960 = arith.index_cast %rem3A_228 : i32 to index
        %swap3A_961 = arith.index_cast %add3A_959 : i32 to index
        %swap3A_962 = arith.constant 16 : index
        %swap3A_963 = tpu.vector_load %arg7[%swap3A_960, %swap3A_961, %swap3A_962] {strides = array<i32>} : memref<2x120x80xf32, #tpu.memory_space<vmem>>, vector<1x1x16xf32>,
        %swap3A_964 = vector.shape_cast %swap3A_963 : vector<1x1x16xf32> to vector<16xf32>
        %swap3A_965 = vector.shape_cast %mul3A_957 : vector<16xf32> to vector<1x1x16xf32>
        tpu.vector_store %arg7[%swap3A_960, %swap3A_961, %swap3A_962], %swap3A_965 {strides = array<i32>} : memref<2x120x80xf32, #tpu.memory_space<vmem>>, vector<1x1x16xf32>,
        %add3A_966 = arith.constant 7 : i32
        %add3A_967 = arith.addi %mul3A_281, %add3A_966 : i32
        %get3A_968 = arith.index_cast %rem3A_228 : i32 to index
        %get3A_969 = arith.index_cast %add3A_967 : i32 to index
        %get3A_970 = arith.constant 32 : index
        %get3A_971 = tpu.vector_load %arg6[%get3A_968, %get3A_969, %get3A_970] {strides = array<i32>} : memref<2x120x80xf32, #tpu.memory_space<vmem>>, vector<1x1x16xf32>,
        %get3A_972 = vector.shape_cast %get3A_971 : vector<1x1x16xf32> to vector<16xf32>
        %mul3A_973 = arith.mulf %get3A_972, %get3A_18 : vector<16xf32>
        %mul3A_974 = arith.mulf %mul3A_973, %get3A_931 : vector<16xf32>
        %add3A_975 = arith.constant 7 : i32
        %add3A_976 = arith.addi %mul3A_281, %add3A_975 : i32
        %swap3A_977 = arith.index_cast %rem3A_228 : i32 to index
        %swap3A_978 = arith.index_cast %add3A_976 : i32 to index
        %swap3A_979 = arith.constant 32 : index
        %swap3A_980 = tpu.vector_load %arg7[%swap3A_977, %swap3A_978, %swap3A_979] {strides = array<i32>} : memref<2x120x80xf32, #tpu.memory_space<vmem>>, vector<1x1x16xf32>,
        %swap3A_981 = vector.shape_cast %swap3A_980 : vector<1x1x16xf32> to vector<16xf32>
        %swap3A_982 = vector.shape_cast %mul3A_974 : vector<16xf32> to vector<1x1x16xf32>
        tpu.vector_store %arg7[%swap3A_977, %swap3A_978, %swap3A_979], %swap3A_982 {strides = array<i32>} : memref<2x120x80xf32, #tpu.memory_space<vmem>>, vector<1x1x16xf32>,
        %add3A_983 = arith.constant 7 : i32
        %add3A_984 = arith.addi %mul3A_281, %add3A_983 : i32
        %get3A_985 = arith.index_cast %rem3A_228 : i32 to index
        %get3A_986 = arith.index_cast %add3A_984 : i32 to index
        %get3A_987 = arith.constant 48 : index
        %get3A_988 = tpu.vector_load %arg6[%get3A_985, %get3A_986, %get3A_987] {strides = array<i32>} : memref<2x120x80xf32, #tpu.memory_space<vmem>>, vector<1x1x16xf32>,
        %get3A_989 = vector.shape_cast %get3A_988 : vector<1x1x16xf32> to vector<16xf32>
        %mul3A_990 = arith.mulf %get3A_989, %get3A_23 : vector<16xf32>
        %mul3A_991 = arith.mulf %mul3A_990, %get3A_931 : vector<16xf32>
        %add3A_992 = arith.constant 7 : i32
        %add3A_993 = arith.addi %mul3A_281, %add3A_992 : i32
        %swap3A_994 = arith.index_cast %rem3A_228 : i32 to index
        %swap3A_995 = arith.index_cast %add3A_993 : i32 to index
        %swap3A_996 = arith.constant 48 : index
        %swap3A_997 = tpu.vector_load %arg7[%swap3A_994, %swap3A_995, %swap3A_996] {strides = array<i32>} : memref<2x120x80xf32, #tpu.memory_space<vmem>>, vector<1x1x16xf32>,
        %swap3A_998 = vector.shape_cast %swap3A_997 : vector<1x1x16xf32> to vector<16xf32>
        %swap3A_999 = vector.shape_cast %mul3A_991 : vector<16xf32> to vector<1x1x16xf32>
        tpu.vector_store %arg7[%swap3A_994, %swap3A_995, %swap3A_996], %swap3A_999 {strides = array<i32>} : memref<2x120x80xf32, #tpu.memory_space<vmem>>, vector<1x1x16xf32>,
        %add3A_1000 = arith.constant 7 : i32
        %add3A_1001 = arith.addi %mul3A_281, %add3A_1000 : i32
        %get3A_1002 = arith.index_cast %rem3A_228 : i32 to index
        %get3A_1003 = arith.index_cast %add3A_1001 : i32 to index
        %get3A_1004 = arith.constant 64 : index
        %get3A_1005 = tpu.vector_load %arg6[%get3A_1002, %get3A_1003, %get3A_1004] {strides = array<i32>} : memref<2x120x80xf32, #tpu.memory_space<vmem>>, vector<1x1x16xf32>,
        %get3A_1006 = vector.shape_cast %get3A_1005 : vector<1x1x16xf32> to vector<16xf32>
        %mul3A_1007 = arith.mulf %get3A_1006, %get3A_28 : vector<16xf32>
        %mul3A_1008 = arith.mulf %mul3A_1007, %get3A_931 : vector<16xf32>
        %add3A_1009 = arith.constant 7 : i32
        %add3A_1010 = arith.addi %mul3A_281, %add3A_1009 : i32
        %swap3A_1011 = arith.index_cast %rem3A_228 : i32 to index
        %swap3A_1012 = arith.index_cast %add3A_1010 : i32 to index
        %swap3A_1013 = arith.constant 64 : index
        %swap3A_1014 = tpu.vector_load %arg7[%swap3A_1011, %swap3A_1012, %swap3A_1013] {strides = array<i32>} : memref<2x120x80xf32, #tpu.memory_space<vmem>>, vector<1x1x16xf32>,
        %swap3A_1015 = vector.shape_cast %swap3A_1014 : vector<1x1x16xf32> to vector<16xf32>
        %swap3A_1016 = vector.shape_cast %mul3A_1008 : vector<16xf32> to vector<1x1x16xf32>
        tpu.vector_store %arg7[%swap3A_1011, %swap3A_1012, %swap3A_1013], %swap3A_1016 {strides = array<i32>} : memref<2x120x80xf32, #tpu.memory_space<vmem>>, vector<1x1x16xf32>,
      }
      %scan3A_254 = arith.constant 15 : i32
      %mul3A_255 = arith.constant 120 : i32
      %mul3A_256 = arith.muli %scan3A_227, %mul3A_255 : i32
      %dma_start3A_257 = arith.constant 0 : i32
      %dma_start3A_258 = arith.constant 0 : i32
      %dma_start3A_259 = tpu.memref_slice %arg7[%rem3A_228, %dma_start3A_257, %dma_start3A_258] : memref<2x120x80xf32, #tpu.memory_space<vmem>> -> memref<1x120x80xf32, #tpu.memory_space<vmem>>
      %dma_start3A_260 = tpu.memref_squeeze %dma_start3A_259 : memref<1x120x80xf32, #tpu.memory_space<vmem>> -> memref<120x80xf32, #tpu.memory_space<vmem>>
      %dma_start3A_261 = arith.constant 0 : i32
      %dma_start3A_262 = tpu.memref_slice %arg5[%add3A_4, %mul3A_256, %dma_start3A_261] : memref<64x3000x80xf32, #tpu.memory_space<hbm>> -> memref<1x120x80xf32, #tpu.memory_space<hbm>>
      %dma_start3A_263 = tpu.memref_squeeze %dma_start3A_262 : memref<1x120x80xf32, #tpu.memory_space<hbm>> -> memref<120x80xf32, #tpu.memory_space<hbm>>
      %dma_start3A_264 = tpu.memref_slice %arg11[%rem3A_228] : memref<2x!tpu.dma_semaphore, #tpu.memory_space<semaphore_mem>> -> memref<1x!tpu.dma_semaphore, #tpu.memory_space<semaphore_mem>>
      %dma_start3A_265 = tpu.memref_squeeze %dma_start3A_264 : memref<1x!tpu.dma_semaphore, #tpu.memory_space<semaphore_mem>> -> memref<!tpu.dma_semaphore, #tpu.memory_space<semaphore_mem>>
      %dma_start3A_266 = arith.constant 0 : i32
      %dma_start3A_267 = tpu.memref_slice %arg5[%add3A_4, %mul3A_256, %dma_start3A_266] : memref<64x3000x80xf32, #tpu.memory_space<hbm>> -> memref<1x120x80xf32, #tpu.memory_space<hbm>>
      %dma_start3A_268 = tpu.memref_squeeze %dma_start3A_267 : memref<1x120x80xf32, #tpu.memory_space<hbm>> -> memref<120x80xf32, #tpu.memory_space<hbm>>
      %dma_start3A_269 = arith.constant 0 : i32
      %dma_start3A_270 = arith.constant 0 : i32
      %dma_start3A_271 = tpu.memref_slice %arg7[%rem3A_228, %dma_start3A_269, %dma_start3A_270] : memref<2x120x80xf32, #tpu.memory_space<vmem>> -> memref<1x120x80xf32, #tpu.memory_space<vmem>>
      %dma_start3A_272 = tpu.memref_squeeze %dma_start3A_271 : memref<1x120x80xf32, #tpu.memory_space<vmem>> -> memref<120x80xf32, #tpu.memory_space<vmem>>
      tpu.enqueue_dma source(%dma_start3A_272 : memref<120x80xf32, #tpu.memory_space<vmem>>) target(%dma_start3A_268 : memref<120x80xf32, #tpu.memory_space<hbm>>) target_semaphore(%dma_start3A_265 : memref<!tpu.dma_semaphore, #tpu.memory_space<semaphore_mem>>)
      %add3A_273 = arith.constant 2 : i32
      %add3A_274 = arith.addi %scan3A_227, %add3A_273 : i32
      %lt3A = arith.constant 25 : i32
      %lt3A_275 = arith.cmpi slt, %add3A_274, %lt3A : i32
      %convert_element_type3A_276 = arith.extui %lt3A_275 : i1 to i32
      %cond3A_277 = arith.constant 0 : i32
      %cond3A_278 = arith.cmpi ne, %convert_element_type3A_276, %cond3A_277 : i32
      scf.if %cond3A_278 {
        %add3A_279 = arith.constant 2 : i32
        %add3A_280 = arith.addi %scan3A_227, %add3A_279 : i32
        %mul3A_281 = arith.constant 120 : i32
        %mul3A_282 = arith.muli %add3A_280, %mul3A_281 : i32
        %dma_start3A_283 = arith.constant 0 : i32
        %dma_start3A_284 = arith.constant 0 : i32
        %dma_start3A_285 = tpu.memref_slice %arg6[%rem3A_228, %dma_start3A_283, %dma_start3A_284] : memref<2x120x80xf32, #tpu.memory_space<vmem>> -> memref<1x120x80xf32, #tpu.memory_space<vmem>>
        %dma_start3A_286 = tpu.memref_squeeze %dma_start3A_285 : memref<1x120x80xf32, #tpu.memory_space<vmem>> -> memref<120x80xf32, #tpu.memory_space<vmem>>
        %dma_start3A_287 = arith.constant 0 : i32
        %dma_start3A_288 = tpu.memref_slice %arg2[%add3A_4, %mul3A_282, %dma_start3A_287] : memref<64x3000x80xf32, #tpu.memory_space<hbm>> -> memref<1x120x80xf32, #tpu.memory_space<hbm>>
        %dma_start3A_289 = tpu.memref_squeeze %dma_start3A_288 : memref<1x120x80xf32, #tpu.memory_space<hbm>> -> memref<120x80xf32, #tpu.memory_space<hbm>>
        %dma_start3A_290 = tpu.memref_slice %arg10[%rem3A_228] : memref<2x!tpu.dma_semaphore, #tpu.memory_space<semaphore_mem>> -> memref<1x!tpu.dma_semaphore, #tpu.memory_space<semaphore_mem>>
        %dma_start3A_291 = tpu.memref_squeeze %dma_start3A_290 : memref<1x!tpu.dma_semaphore, #tpu.memory_space<semaphore_mem>> -> memref<!tpu.dma_semaphore, #tpu.memory_space<semaphore_mem>>
        %dma_start3A_292 = arith.constant 0 : i32
        %dma_start3A_293 = arith.constant 0 : i32
        %dma_start3A_294 = tpu.memref_slice %arg6[%rem3A_228, %dma_start3A_292, %dma_start3A_293] : memref<2x120x80xf32, #tpu.memory_space<vmem>> -> memref<1x120x80xf32, #tpu.memory_space<vmem>>
        %dma_start3A_295 = tpu.memref_squeeze %dma_start3A_294 : memref<1x120x80xf32, #tpu.memory_space<vmem>> -> memref<120x80xf32, #tpu.memory_space<vmem>>
        %dma_start3A_296 = arith.constant 0 : i32
        %dma_start3A_297 = tpu.memref_slice %arg2[%add3A_4, %mul3A_282, %dma_start3A_296] : memref<64x3000x80xf32, #tpu.memory_space<hbm>> -> memref<1x120x80xf32, #tpu.memory_space<hbm>>
        %dma_start3A_298 = tpu.memref_squeeze %dma_start3A_297 : memref<1x120x80xf32, #tpu.memory_space<hbm>> -> memref<120x80xf32, #tpu.memory_space<hbm>>
        tpu.enqueue_dma source(%dma_start3A_298 : memref<120x80xf32, #tpu.memory_space<hbm>>) target(%dma_start3A_295 : memref<120x80xf32, #tpu.memory_space<vmem>>) target_semaphore(%dma_start3A_291 : memref<!tpu.dma_semaphore, #tpu.memory_space<semaphore_mem>>)
      } else {
      }
    }
    %scan3A_72 = arith.constant 25 : i32
    %dma_wait3A = arith.constant 1 : i32
    %dma_wait3A_73 = arith.constant 1 : i32
    %dma_wait3A_74 = arith.constant 0 : i32
    %dma_wait3A_75 = arith.constant 0 : i32
    %dma_wait3A_76 = tpu.memref_slice %arg7[%dma_wait3A, %dma_wait3A_74, %dma_wait3A_75] : memref<2x120x80xf32, #tpu.memory_space<vmem>> -> memref<1x120x80xf32, #tpu.memory_space<vmem>>
    %dma_wait3A_77 = tpu.memref_squeeze %dma_wait3A_76 : memref<1x120x80xf32, #tpu.memory_space<vmem>> -> memref<120x80xf32, #tpu.memory_space<vmem>>
    %dma_wait3A_78 = arith.constant 2760 : i32
    %dma_wait3A_79 = arith.constant 0 : i32
    %dma_wait3A_80 = tpu.memref_slice %arg5[%add3A_4, %dma_wait3A_78, %dma_wait3A_79] : memref<64x3000x80xf32, #tpu.memory_space<hbm>> -> memref<1x120x80xf32, #tpu.memory_space<hbm>>
    %dma_wait3A_81 = tpu.memref_squeeze %dma_wait3A_80 : memref<1x120x80xf32, #tpu.memory_space<hbm>> -> memref<120x80xf32, #tpu.memory_space<hbm>>
    %dma_wait3A_82 = tpu.memref_slice %arg11[%dma_wait3A_73] : memref<2x!tpu.dma_semaphore, #tpu.memory_space<semaphore_mem>> -> memref<1x!tpu.dma_semaphore, #tpu.memory_space<semaphore_mem>>
    %dma_wait3A_83 = tpu.memref_squeeze %dma_wait3A_82 : memref<1x!tpu.dma_semaphore, #tpu.memory_space<semaphore_mem>> -> memref<!tpu.dma_semaphore, #tpu.memory_space<semaphore_mem>>
    %dma_wait3A_84 = arith.constant 2760 : i32
    %dma_wait3A_85 = arith.constant 0 : i32
    %dma_wait3A_86 = tpu.memref_slice %arg5[%add3A_4, %dma_wait3A_84, %dma_wait3A_85] : memref<64x3000x80xf32, #tpu.memory_space<hbm>> -> memref<1x120x80xf32, #tpu.memory_space<hbm>>
    %dma_wait3A_87 = tpu.memref_squeeze %dma_wait3A_86 : memref<1x120x80xf32, #tpu.memory_space<hbm>> -> memref<120x80xf32, #tpu.memory_space<hbm>>
    %dma_wait3A_88 = arith.constant 0 : i32
    %dma_wait3A_89 = arith.constant 0 : i32
    %dma_wait3A_90 = tpu.memref_slice %arg7[%dma_wait3A, %dma_wait3A_88, %dma_wait3A_89] : memref<2x120x80xf32, #tpu.memory_space<vmem>> -> memref<1x120x80xf32, #tpu.memory_space<vmem>>
    %dma_wait3A_91 = tpu.memref_squeeze %dma_wait3A_90 : memref<1x120x80xf32, #tpu.memory_space<vmem>> -> memref<120x80xf32, #tpu.memory_space<vmem>>
    tpu.wait_dma2 semaphore(%dma_wait3A_83 : memref<!tpu.dma_semaphore, #tpu.memory_space<semaphore_mem>>) src(%dma_wait3A_91 : memref<120x80xf32, #tpu.memory_space<vmem>>) dst(%dma_wait3A_87 : memref<120x80xf32, #tpu.memory_space<hbm>>)
    %dma_wait3A_92 = arith.constant 0 : i32
    %dma_wait3A_93 = arith.constant 0 : i32
    %dma_wait3A_94 = arith.constant 0 : i32
    %dma_wait3A_95 = arith.constant 0 : i32
    %dma_wait3A_96 = tpu.memref_slice %arg7[%dma_wait3A_92, %dma_wait3A_94, %dma_wait3A_95] : memref<2x120x80xf32, #tpu.memory_space<vmem>> -> memref<1x120x80xf32, #tpu.memory_space<vmem>>
    %dma_wait3A_97 = tpu.memref_squeeze %dma_wait3A_96 : memref<1x120x80xf32, #tpu.memory_space<vmem>> -> memref<120x80xf32, #tpu.memory_space<vmem>>
    %dma_wait3A_98 = arith.constant 2880 : i32
    %dma_wait3A_99 = arith.constant 0 : i32
    %dma_wait3A_100 = tpu.memref_slice %arg5[%add3A_4, %dma_wait3A_98, %dma_wait3A_99] : memref<64x3000x80xf32, #tpu.memory_space<hbm>> -> memref<1x120x80xf32, #tpu.memory_space<hbm>>
    %dma_wait3A_101 = tpu.memref_squeeze %dma_wait3A_100 : memref<1x120x80xf32, #tpu.memory_space<hbm>> -> memref<120x80xf32, #tpu.memory_space<hbm>>
    %dma_wait3A_102 = tpu.memref_slice %arg11[%dma_wait3A_93] : memref<2x!tpu.dma_semaphore, #tpu.memory_space<semaphore_mem>> -> memref<1x!tpu.dma_semaphore, #tpu.memory_space<semaphore_mem>>
    %dma_wait3A_103 = tpu.memref_squeeze %dma_wait3A_102 : memref<1x!tpu.dma_semaphore, #tpu.memory_space<semaphore_mem>> -> memref<!tpu.dma_semaphore, #tpu.memory_space<semaphore_mem>>
    %dma_wait3A_104 = arith.constant 2880 : i32
    %dma_wait3A_105 = arith.constant 0 : i32
    %dma_wait3A_106 = tpu.memref_slice %arg5[%add3A_4, %dma_wait3A_104, %dma_wait3A_105] : memref<64x3000x80xf32, #tpu.memory_space<hbm>> -> memref<1x120x80xf32, #tpu.memory_space<hbm>>
    %dma_wait3A_107 = tpu.memref_squeeze %dma_wait3A_106 : memref<1x120x80xf32, #tpu.memory_space<hbm>> -> memref<120x80xf32, #tpu.memory_space<hbm>>
    %dma_wait3A_108 = arith.constant 0 : i32
    %dma_wait3A_109 = arith.constant 0 : i32
    %dma_wait3A_110 = tpu.memref_slice %arg7[%dma_wait3A_92, %dma_wait3A_108, %dma_wait3A_109] : memref<2x120x80xf32, #tpu.memory_space<vmem>> -> memref<1x120x80xf32, #tpu.memory_space<vmem>>
    %dma_wait3A_111 = tpu.memref_squeeze %dma_wait3A_110 : memref<1x120x80xf32, #tpu.memory_space<vmem>> -> memref<120x80xf32, #tpu.memory_space<vmem>>
    tpu.wait_dma2 semaphore(%dma_wait3A_103 : memref<!tpu.dma_semaphore, #tpu.memory_space<semaphore_mem>>) src(%dma_wait3A_111 : memref<120x80xf32, #tpu.memory_space<vmem>>) dst(%dma_wait3A_107 : memref<120x80xf32, #tpu.memory_space<hbm>>)
    %mul3A_112 = arith.constant 2 : i32
    %mul3A_113 = arith.muli %add3A, %mul3A_112 : i32
    %add3A_114 = arith.constant 1 : i32
    %add3A_115 = arith.addi %mul3A_113, %add3A_114 : i32
    "tpu.region"() ({
      %run_scoped3A = tpu.sem_alloc : memref<!tpu.dma_semaphore, #tpu.memory_space<semaphore_mem>>
      %dma_start3A_227 = arith.constant 0 : i32
      %dma_start3A_228 = arith.constant 0 : i32
      %dma_start3A_229 = tpu.memref_slice %arg3[%add3A_115, %dma_start3A_227, %dma_start3A_228] : memref<64x1x80xf32, #tpu.memory_space<hbm>> -> memref<1x1x80xf32, #tpu.memory_space<hbm>>
      %dma_start3A_230 = tpu.memref_squeeze %dma_start3A_229 : memref<1x1x80xf32, #tpu.memory_space<hbm>> -> memref<1x80xf32, #tpu.memory_space<hbm>>
      %dma_start3A_231 = arith.constant 0 : i32
      %dma_start3A_232 = arith.constant 0 : i32
      %dma_start3A_233 = tpu.memref_slice %arg3[%add3A_115, %dma_start3A_231, %dma_start3A_232] : memref<64x1x80xf32, #tpu.memory_space<hbm>> -> memref<1x1x80xf32, #tpu.memory_space<hbm>>
      %dma_start3A_234 = tpu.memref_squeeze %dma_start3A_233 : memref<1x1x80xf32, #tpu.memory_space<hbm>> -> memref<1x80xf32, #tpu.memory_space<hbm>>
      tpu.enqueue_dma source(%dma_start3A_234 : memref<1x80xf32, #tpu.memory_space<hbm>>) target(%arg8 : memref<1x80xf32, #tpu.memory_space<vmem>>) target_semaphore(%run_scoped3A : memref<!tpu.dma_semaphore, #tpu.memory_space<semaphore_mem>>)
      %dma_wait3A_235 = arith.constant 0 : i32
      %dma_wait3A_236 = arith.constant 0 : i32
      %dma_wait3A_237 = tpu.memref_slice %arg3[%add3A_115, %dma_wait3A_235, %dma_wait3A_236] : memref<64x1x80xf32, #tpu.memory_space<hbm>> -> memref<1x1x80xf32, #tpu.memory_space<hbm>>
      %dma_wait3A_238 = tpu.memref_squeeze %dma_wait3A_237 : memref<1x1x80xf32, #tpu.memory_space<hbm>> -> memref<1x80xf32, #tpu.memory_space<hbm>>
      %dma_wait3A_239 = arith.constant 0 : i32
      %dma_wait3A_240 = arith.constant 0 : i32
      %dma_wait3A_241 = tpu.memref_slice %arg3[%add3A_115, %dma_wait3A_239, %dma_wait3A_240] : memref<64x1x80xf32, #tpu.memory_space<hbm>> -> memref<1x1x80xf32, #tpu.memory_space<hbm>>
      %dma_wait3A_242 = tpu.memref_squeeze %dma_wait3A_241 : memref<1x1x80xf32, #tpu.memory_space<hbm>> -> memref<1x80xf32, #tpu.memory_space<hbm>>
      tpu.wait_dma2 semaphore(%run_scoped3A : memref<!tpu.dma_semaphore, #tpu.memory_space<semaphore_mem>>) src(%dma_wait3A_242 : memref<1x80xf32, #tpu.memory_space<hbm>>) dst(%arg8 : memref<1x80xf32, #tpu.memory_space<vmem>>)
      tpu.yield
    }) : () -> ()
    "tpu.region"() ({
      %run_scoped3A = tpu.sem_alloc : memref<!tpu.dma_semaphore, #tpu.memory_space<semaphore_mem>>
      %dma_start3A_227 = arith.constant 0 : i32
      %dma_start3A_228 = arith.constant 0 : i32
      %dma_start3A_229 = tpu.memref_slice %arg4[%add3A_115, %dma_start3A_227, %dma_start3A_228] : memref<64x375x128xf32, #tpu.memory_space<hbm>> -> memref<1x375x128xf32, #tpu.memory_space<hbm>>
      %dma_start3A_230 = tpu.memref_squeeze %dma_start3A_229 : memref<1x375x128xf32, #tpu.memory_space<hbm>> -> memref<375x128xf32, #tpu.memory_space<hbm>>
      %dma_start3A_231 = arith.constant 0 : i32
      %dma_start3A_232 = arith.constant 0 : i32
      %dma_start3A_233 = tpu.memref_slice %arg4[%add3A_115, %dma_start3A_231, %dma_start3A_232] : memref<64x375x128xf32, #tpu.memory_space<hbm>> -> memref<1x375x128xf32, #tpu.memory_space<hbm>>
      %dma_start3A_234 = tpu.memref_squeeze %dma_start3A_233 : memref<1x375x128xf32, #tpu.memory_space<hbm>> -> memref<375x128xf32, #tpu.memory_space<hbm>>
      tpu.enqueue_dma source(%dma_start3A_234 : memref<375x128xf32, #tpu.memory_space<hbm>>) target(%arg9 : memref<375x128xf32, #tpu.memory_space<vmem>>) target_semaphore(%run_scoped3A : memref<!tpu.dma_semaphore, #tpu.memory_space<semaphore_mem>>)
      %dma_wait3A_235 = arith.constant 0 : i32
      %dma_wait3A_236 = arith.constant 0 : i32
      %dma_wait3A_237 = tpu.memref_slice %arg4[%add3A_115, %dma_wait3A_235, %dma_wait3A_236] : memref<64x375x128xf32, #tpu.memory_space<hbm>> -> memref<1x375x128xf32, #tpu.memory_space<hbm>>
      %dma_wait3A_238 = tpu.memref_squeeze %dma_wait3A_237 : memref<1x375x128xf32, #tpu.memory_space<hbm>> -> memref<375x128xf32, #tpu.memory_space<hbm>>
      %dma_wait3A_239 = arith.constant 0 : i32
      %dma_wait3A_240 = arith.constant 0 : i32
      %dma_wait3A_241 = tpu.memref_slice %arg4[%add3A_115, %dma_wait3A_239, %dma_wait3A_240] : memref<64x375x128xf32, #tpu.memory_space<hbm>> -> memref<1x375x128xf32, #tpu.memory_space<hbm>>
      %dma_wait3A_242 = tpu.memref_squeeze %dma_wait3A_241 : memref<1x375x128xf32, #tpu.memory_space<hbm>> -> memref<375x128xf32, #tpu.memory_space<hbm>>
      tpu.wait_dma2 semaphore(%run_scoped3A : memref<!tpu.dma_semaphore, #tpu.memory_space<semaphore_mem>>) src(%dma_wait3A_242 : memref<375x128xf32, #tpu.memory_space<hbm>>) dst(%arg9 : memref<375x128xf32, #tpu.memory_space<vmem>>)
      tpu.yield
    }) : () -> ()
    %get3A_116 = arith.constant 0 : i32
    %get3A_117 = arith.index_cast %get3A_116 : i32 to index
    %get3A_118 = arith.constant 0 : index
    %get3A_119 = tpu.vector_load %arg8[%get3A_117, %get3A_118] {strides = array<i32>} : memref<1x80xf32, #tpu.memory_space<vmem>>, vector<1x16xf32>,
    %get3A_120 = vector.shape_cast %get3A_119 : vector<1x16xf32> to vector<16xf32>
    %get3A_121 = arith.constant 0 : i32
    %get3A_122 = arith.index_cast %get3A_121 : i32 to index
    %get3A_123 = arith.constant 16 : index
    %get3A_124 = tpu.vector_load %arg8[%get3A_122, %get3A_123] {strides = array<i32>} : memref<1x80xf32, #tpu.memory_space<vmem>>, vector<1x16xf32>,
    %get3A_125 = vector.shape_cast %get3A_124 : vector<1x16xf32> to vector<16xf32>
    %get3A_126 = arith.constant 0 : i32
    %get3A_127 = arith.index_cast %get3A_126 : i32 to index
    %get3A_128 = arith.constant 32 : index
    %get3A_129 = tpu.vector_load %arg8[%get3A_127, %get3A_128] {strides = array<i32>} : memref<1x80xf32, #tpu.memory_space<vmem>>, vector<1x16xf32>,
    %get3A_130 = vector.shape_cast %get3A_129 : vector<1x16xf32> to vector<16xf32>
    %get3A_131 = arith.constant 0 : i32
    %get3A_132 = arith.index_cast %get3A_131 : i32 to index
    %get3A_133 = arith.constant 48 : index
    %get3A_134 = tpu.vector_load %arg8[%get3A_132, %get3A_133] {strides = array<i32>} : memref<1x80xf32, #tpu.memory_space<vmem>>, vector<1x16xf32>,
    %get3A_135 = vector.shape_cast %get3A_134 : vector<1x16xf32> to vector<16xf32>
    %get3A_136 = arith.constant 0 : i32
    %get3A_137 = arith.index_cast %get3A_136 : i32 to index
    %get3A_138 = arith.constant 64 : index
    %get3A_139 = tpu.vector_load %arg8[%get3A_137, %get3A_138] {strides = array<i32>} : memref<1x80xf32, #tpu.memory_space<vmem>>, vector<1x16xf32>,
    %get3A_140 = vector.shape_cast %get3A_139 : vector<1x16xf32> to vector<16xf32>
    %dma_start3A_141 = arith.constant 0 : i32
    %dma_start3A_142 = arith.constant 0 : i32
    %dma_start3A_143 = arith.constant 0 : i32
    %dma_start3A_144 = arith.constant 0 : i32
    %dma_start3A_145 = tpu.memref_slice %arg6[%dma_start3A_141, %dma_start3A_143, %dma_start3A_144] : memref<2x120x80xf32, #tpu.memory_space<vmem>> -> memref<1x120x80xf32, #tpu.memory_space<vmem>>
    %dma_start3A_146 = tpu.memref_squeeze %dma_start3A_145 : memref<1x120x80xf32, #tpu.memory_space<vmem>> -> memref<120x80xf32, #tpu.memory_space<vmem>>
    %dma_start3A_147 = arith.constant 0 : i32
    %dma_start3A_148 = arith.constant 0 : i32
    %dma_start3A_149 = tpu.memref_slice %arg2[%add3A_115, %dma_start3A_147, %dma_start3A_148] : memref<64x3000x80xf32, #tpu.memory_space<hbm>> -> memref<1x120x80xf32, #tpu.memory_space<hbm>>
    %dma_start3A_150 = tpu.memref_squeeze %dma_start3A_149 : memref<1x120x80xf32, #tpu.memory_space<hbm>> -> memref<120x80xf32, #tpu.memory_space<hbm>>
    %dma_start3A_151 = tpu.memref_slice %arg10[%dma_start3A_142] : memref<2x!tpu.dma_semaphore, #tpu.memory_space<semaphore_mem>> -> memref<1x!tpu.dma_semaphore, #tpu.memory_space<semaphore_mem>>
    %dma_start3A_152 = tpu.memref_squeeze %dma_start3A_151 : memref<1x!tpu.dma_semaphore, #tpu.memory_space<semaphore_mem>> -> memref<!tpu.dma_semaphore, #tpu.memory_space<semaphore_mem>>
    %dma_start3A_153 = arith.constant 0 : i32
    %dma_start3A_154 = arith.constant 0 : i32
    %dma_start3A_155 = tpu.memref_slice %arg6[%dma_start3A_141, %dma_start3A_153, %dma_start3A_154] : memref<2x120x80xf32, #tpu.memory_space<vmem>> -> memref<1x120x80xf32, #tpu.memory_space<vmem>>
    %dma_start3A_156 = tpu.memref_squeeze %dma_start3A_155 : memref<1x120x80xf32, #tpu.memory_space<vmem>> -> memref<120x80xf32, #tpu.memory_space<vmem>>
    %dma_start3A_157 = arith.constant 0 : i32
    %dma_start3A_158 = arith.constant 0 : i32
    %dma_start3A_159 = tpu.memref_slice %arg2[%add3A_115, %dma_start3A_157, %dma_start3A_158] : memref<64x3000x80xf32, #tpu.memory_space<hbm>> -> memref<1x120x80xf32, #tpu.memory_space<hbm>>
    %dma_start3A_160 = tpu.memref_squeeze %dma_start3A_159 : memref<1x120x80xf32, #tpu.memory_space<hbm>> -> memref<120x80xf32, #tpu.memory_space<hbm>>
    tpu.enqueue_dma source(%dma_start3A_160 : memref<120x80xf32, #tpu.memory_space<hbm>>) target(%dma_start3A_156 : memref<120x80xf32, #tpu.memory_space<vmem>>) target_semaphore(%dma_start3A_152 : memref<!tpu.dma_semaphore, #tpu.memory_space<semaphore_mem>>)
    %dma_start3A_161 = arith.constant 1 : i32
    %dma_start3A_162 = arith.constant 1 : i32
    %dma_start3A_163 = arith.constant 0 : i32
    %dma_start3A_164 = arith.constant 0 : i32
    %dma_start3A_165 = tpu.memref_slice %arg6[%dma_start3A_161, %dma_start3A_163, %dma_start3A_164] : memref<2x120x80xf32, #tpu.memory_space<vmem>> -> memref<1x120x80xf32, #tpu.memory_space<vmem>>
    %dma_start3A_166 = tpu.memref_squeeze %dma_start3A_165 : memref<1x120x80xf32, #tpu.memory_space<vmem>> -> memref<120x80xf32, #tpu.memory_space<vmem>>
    %dma_start3A_167 = arith.constant 120 : i32
    %dma_start3A_168 = arith.constant 0 : i32
    %dma_start3A_169 = tpu.memref_slice %arg2[%add3A_115, %dma_start3A_167, %dma_start3A_168] : memref<64x3000x80xf32, #tpu.memory_space<hbm>> -> memref<1x120x80xf32, #tpu.memory_space<hbm>>
    %dma_start3A_170 = tpu.memref_squeeze %dma_start3A_169 : memref<1x120x80xf32, #tpu.memory_space<hbm>> -> memref<120x80xf32, #tpu.memory_space<hbm>>
    %dma_start3A_171 = tpu.memref_slice %arg10[%dma_start3A_162] : memref<2x!tpu.dma_semaphore, #tpu.memory_space<semaphore_mem>> -> memref<1x!tpu.dma_semaphore, #tpu.memory_space<semaphore_mem>>
    %dma_start3A_172 = tpu.memref_squeeze %dma_start3A_171 : memref<1x!tpu.dma_semaphore, #tpu.memory_space<semaphore_mem>> -> memref<!tpu.dma_semaphore, #tpu.memory_space<semaphore_mem>>
    %dma_start3A_173 = arith.constant 0 : i32
    %dma_start3A_174 = arith.constant 0 : i32
    %dma_start3A_175 = tpu.memref_slice %arg6[%dma_start3A_161, %dma_start3A_173, %dma_start3A_174] : memref<2x120x80xf32, #tpu.memory_space<vmem>> -> memref<1x120x80xf32, #tpu.memory_space<vmem>>
    %dma_start3A_176 = tpu.memref_squeeze %dma_start3A_175 : memref<1x120x80xf32, #tpu.memory_space<vmem>> -> memref<120x80xf32, #tpu.memory_space<vmem>>
    %dma_start3A_177 = arith.constant 120 : i32
    %dma_start3A_178 = arith.constant 0 : i32
    %dma_start3A_179 = tpu.memref_slice %arg2[%add3A_115, %dma_start3A_177, %dma_start3A_178] : memref<64x3000x80xf32, #tpu.memory_space<hbm>> -> memref<1x120x80xf32, #tpu.memory_space<hbm>>
    %dma_start3A_180 = tpu.memref_squeeze %dma_start3A_179 : memref<1x120x80xf32, #tpu.memory_space<hbm>> -> memref<120x80xf32, #tpu.memory_space<hbm>>
    tpu.enqueue_dma source(%dma_start3A_180 : memref<120x80xf32, #tpu.memory_space<hbm>>) target(%dma_start3A_176 : memref<120x80xf32, #tpu.memory_space<vmem>>) target_semaphore(%dma_start3A_172 : memref<!tpu.dma_semaphore, #tpu.memory_space<semaphore_mem>>)
    %scan3A_181 = arith.constant 0 : i32
    %scan3A_182 = arith.constant 0 : i32
    %scan3A_183 = arith.constant 25 : i32
    %scan3A_184 = arith.addi %scan3A_182, %scan3A_183 : i32
    %scan3A_185 = arith.constant 1 : i32
    scf.for %scan3A_227 = %scan3A_182 to %scan3A_184 step %scan3A_185  : i32 {
      %rem3A = arith.constant 2 : i32
      %rem3A_228 = arith.remsi %scan3A_227, %rem3A : i32
      %mul3A_229 = arith.constant 120 : i32
      %mul3A_230 = arith.muli %scan3A_227, %mul3A_229 : i32
      %dma_wait3A_231 = arith.constant 0 : i32
      %dma_wait3A_232 = arith.constant 0 : i32
      %dma_wait3A_233 = tpu.memref_slice %arg6[%rem3A_228, %dma_wait3A_231, %dma_wait3A_232] : memref<2x120x80xf32, #tpu.memory_space<vmem>> -> memref<1x120x80xf32, #tpu.memory_space<vmem>>
      %dma_wait3A_234 = tpu.memref_squeeze %dma_wait3A_233 : memref<1x120x80xf32, #tpu.memory_space<vmem>> -> memref<120x80xf32, #tpu.memory_space<vmem>>
      %dma_wait3A_235 = arith.constant 0 : i32
      %dma_wait3A_236 = tpu.memref_slice %arg2[%add3A_115, %mul3A_230, %dma_wait3A_235] : memref<64x3000x80xf32, #tpu.memory_space<hbm>> -> memref<1x120x80xf32, #tpu.memory_space<hbm>>
      %dma_wait3A_237 = tpu.memref_squeeze %dma_wait3A_236 : memref<1x120x80xf32, #tpu.memory_space<hbm>> -> memref<120x80xf32, #tpu.memory_space<hbm>>
      %dma_wait3A_238 = tpu.memref_slice %arg10[%rem3A_228] : memref<2x!tpu.dma_semaphore, #tpu.memory_space<semaphore_mem>> -> memref<1x!tpu.dma_semaphore, #tpu.memory_space<semaphore_mem>>
      %dma_wait3A_239 = tpu.memref_squeeze %dma_wait3A_238 : memref<1x!tpu.dma_semaphore, #tpu.memory_space<semaphore_mem>> -> memref<!tpu.dma_semaphore, #tpu.memory_space<semaphore_mem>>
      %dma_wait3A_240 = arith.constant 0 : i32
      %dma_wait3A_241 = arith.constant 0 : i32
      %dma_wait3A_242 = tpu.memref_slice %arg6[%rem3A_228, %dma_wait3A_240, %dma_wait3A_241] : memref<2x120x80xf32, #tpu.memory_space<vmem>> -> memref<1x120x80xf32, #tpu.memory_space<vmem>>
      %dma_wait3A_243 = tpu.memref_squeeze %dma_wait3A_242 : memref<1x120x80xf32, #tpu.memory_space<vmem>> -> memref<120x80xf32, #tpu.memory_space<vmem>>
      %dma_wait3A_244 = arith.constant 0 : i32
      %dma_wait3A_245 = tpu.memref_slice %arg2[%add3A_115, %mul3A_230, %dma_wait3A_244] : memref<64x3000x80xf32, #tpu.memory_space<hbm>> -> memref<1x120x80xf32, #tpu.memory_space<hbm>>
      %dma_wait3A_246 = tpu.memref_squeeze %dma_wait3A_245 : memref<1x120x80xf32, #tpu.memory_space<hbm>> -> memref<120x80xf32, #tpu.memory_space<hbm>>
      tpu.wait_dma2 semaphore(%dma_wait3A_239 : memref<!tpu.dma_semaphore, #tpu.memory_space<semaphore_mem>>) src(%dma_wait3A_246 : memref<120x80xf32, #tpu.memory_space<hbm>>) dst(%dma_wait3A_243 : memref<120x80xf32, #tpu.memory_space<vmem>>)
      %ge3A = arith.constant 2 : i32
      %ge3A_247 = arith.cmpi sge, %scan3A_227, %ge3A : i32
      %convert_element_type3A = arith.extui %ge3A_247 : i1 to i32
      %cond3A = arith.constant 0 : i32
      %cond3A_248 = arith.cmpi ne, %convert_element_type3A, %cond3A : i32
      scf.if %cond3A_248 {
        %sub3A = arith.constant 2 : i32
        %sub3A_279 = arith.subi %scan3A_227, %sub3A : i32
        %mul3A_280 = arith.constant 120 : i32
        %mul3A_281 = arith.muli %sub3A_279, %mul3A_280 : i32
        %dma_wait3A_282 = arith.constant 0 : i32
        %dma_wait3A_283 = arith.constant 0 : i32
        %dma_wait3A_284 = tpu.memref_slice %arg7[%rem3A_228, %dma_wait3A_282, %dma_wait3A_283] : memref<2x120x80xf32, #tpu.memory_space<vmem>> -> memref<1x120x80xf32, #tpu.memory_space<vmem>>
        %dma_wait3A_285 = tpu.memref_squeeze %dma_wait3A_284 : memref<1x120x80xf32, #tpu.memory_space<vmem>> -> memref<120x80xf32, #tpu.memory_space<vmem>>
        %dma_wait3A_286 = arith.constant 0 : i32
        %dma_wait3A_287 = tpu.memref_slice %arg5[%add3A_115, %mul3A_281, %dma_wait3A_286] : memref<64x3000x80xf32, #tpu.memory_space<hbm>> -> memref<1x120x80xf32, #tpu.memory_space<hbm>>
        %dma_wait3A_288 = tpu.memref_squeeze %dma_wait3A_287 : memref<1x120x80xf32, #tpu.memory_space<hbm>> -> memref<120x80xf32, #tpu.memory_space<hbm>>
        %dma_wait3A_289 = tpu.memref_slice %arg11[%rem3A_228] : memref<2x!tpu.dma_semaphore, #tpu.memory_space<semaphore_mem>> -> memref<1x!tpu.dma_semaphore, #tpu.memory_space<semaphore_mem>>
        %dma_wait3A_290 = tpu.memref_squeeze %dma_wait3A_289 : memref<1x!tpu.dma_semaphore, #tpu.memory_space<semaphore_mem>> -> memref<!tpu.dma_semaphore, #tpu.memory_space<semaphore_mem>>
        %dma_wait3A_291 = arith.constant 0 : i32
        %dma_wait3A_292 = tpu.memref_slice %arg5[%add3A_115, %mul3A_281, %dma_wait3A_291] : memref<64x3000x80xf32, #tpu.memory_space<hbm>> -> memref<1x120x80xf32, #tpu.memory_space<hbm>>
        %dma_wait3A_293 = tpu.memref_squeeze %dma_wait3A_292 : memref<1x120x80xf32, #tpu.memory_space<hbm>> -> memref<120x80xf32, #tpu.memory_space<hbm>>
        %dma_wait3A_294 = arith.constant 0 : i32
        %dma_wait3A_295 = arith.constant 0 : i32
        %dma_wait3A_296 = tpu.memref_slice %arg7[%rem3A_228, %dma_wait3A_294, %dma_wait3A_295] : memref<2x120x80xf32, #tpu.memory_space<vmem>> -> memref<1x120x80xf32, #tpu.memory_space<vmem>>
        %dma_wait3A_297 = tpu.memref_squeeze %dma_wait3A_296 : memref<1x120x80xf32, #tpu.memory_space<vmem>> -> memref<120x80xf32, #tpu.memory_space<vmem>>
        tpu.wait_dma2 semaphore(%dma_wait3A_290 : memref<!tpu.dma_semaphore, #tpu.memory_space<semaphore_mem>>) src(%dma_wait3A_297 : memref<120x80xf32, #tpu.memory_space<vmem>>) dst(%dma_wait3A_293 : memref<120x80xf32, #tpu.memory_space<hbm>>)
      } else {
      }
      %scan3A_249 = arith.constant 0 : i32
      %scan3A_250 = arith.constant 0 : i32
      %scan3A_251 = arith.constant 15 : i32
      %scan3A_252 = arith.addi %scan3A_250, %scan3A_251 : i32
      %scan3A_253 = arith.constant 1 : i32
      scf.for %scan3A_279 = %scan3A_250 to %scan3A_252 step %scan3A_253  : i32 {
        %mul3A_280 = arith.constant 8 : i32
        %mul3A_281 = arith.muli %scan3A_279, %mul3A_280 : i32
        %mul3A_282 = arith.constant 15 : i32
        %mul3A_283 = arith.muli %scan3A_227, %mul3A_282 : i32
        %add3A_284 = arith.addi %mul3A_283, %scan3A_279 : i32
        %get3A_285 = arith.index_cast %add3A_284 : i32 to index
        %get3A_286 = arith.constant 0 : index
        %get3A_287 = tpu.vector_load %arg9[%get3A_285, %get3A_286] {strides = array<i32>} : memref<375x128xf32, #tpu.memory_space<vmem>>, vector<1x16xf32>,
        %get3A_288 = vector.shape_cast %get3A_287 : vector<1x16xf32> to vector<16xf32>
        %add3A_289 = arith.constant 0 : i32
        %add3A_290 = arith.addi %mul3A_281, %add3A_289 : i32
        %get3A_291 = arith.index_cast %rem3A_228 : i32 to index
        %get3A_292 = arith.index_cast %add3A_290 : i32 to index
        %get3A_293 = arith.constant 0 : index
        %get3A_294 = tpu.vector_load %arg6[%get3A_291, %get3A_292, %get3A_293] {strides = array<i32>} : memref<2x120x80xf32, #tpu.memory_space<vmem>>, vector<1x1x16xf32>,
        %get3A_295 = vector.shape_cast %get3A_294 : vector<1x1x16xf32> to vector<16xf32>
        %mul3A_296 = arith.mulf %get3A_295, %get3A_120 : vector<16xf32>
        %mul3A_297 = arith.mulf %mul3A_296, %get3A_288 : vector<16xf32>
        %add3A_298 = arith.constant 0 : i32
        %add3A_299 = arith.addi %mul3A_281, %add3A_298 : i32
        %swap3A = arith.index_cast %rem3A_228 : i32 to index
        %swap3A_300 = arith.index_cast %add3A_299 : i32 to index
        %swap3A_301 = arith.constant 0 : index
        %swap3A_302 = tpu.vector_load %arg7[%swap3A, %swap3A_300, %swap3A_301] {strides = array<i32>} : memref<2x120x80xf32, #tpu.memory_space<vmem>>, vector<1x1x16xf32>,
        %swap3A_303 = vector.shape_cast %swap3A_302 : vector<1x1x16xf32> to vector<16xf32>
        %swap3A_304 = vector.shape_cast %mul3A_297 : vector<16xf32> to vector<1x1x16xf32>
        tpu.vector_store %arg7[%swap3A, %swap3A_300, %swap3A_301], %swap3A_304 {strides = array<i32>} : memref<2x120x80xf32, #tpu.memory_space<vmem>>, vector<1x1x16xf32>,
        %add3A_305 = arith.constant 0 : i32
        %add3A_306 = arith.addi %mul3A_281, %add3A_305 : i32
        %get3A_307 = arith.index_cast %rem3A_228 : i32 to index
        %get3A_308 = arith.index_cast %add3A_306 : i32 to index
        %get3A_309 = arith.constant 16 : index
        %get3A_310 = tpu.vector_load %arg6[%get3A_307, %get3A_308, %get3A_309] {strides = array<i32>} : memref<2x120x80xf32, #tpu.memory_space<vmem>>, vector<1x1x16xf32>,
        %get3A_311 = vector.shape_cast %get3A_310 : vector<1x1x16xf32> to vector<16xf32>
        %mul3A_312 = arith.mulf %get3A_311, %get3A_125 : vector<16xf32>
        %mul3A_313 = arith.mulf %mul3A_312, %get3A_288 : vector<16xf32>
        %add3A_314 = arith.constant 0 : i32
        %add3A_315 = arith.addi %mul3A_281, %add3A_314 : i32
        %swap3A_316 = arith.index_cast %rem3A_228 : i32 to index
        %swap3A_317 = arith.index_cast %add3A_315 : i32 to index
        %swap3A_318 = arith.constant 16 : index
        %swap3A_319 = tpu.vector_load %arg7[%swap3A_316, %swap3A_317, %swap3A_318] {strides = array<i32>} : memref<2x120x80xf32, #tpu.memory_space<vmem>>, vector<1x1x16xf32>,
        %swap3A_320 = vector.shape_cast %swap3A_319 : vector<1x1x16xf32> to vector<16xf32>
        %swap3A_321 = vector.shape_cast %mul3A_313 : vector<16xf32> to vector<1x1x16xf32>
        tpu.vector_store %arg7[%swap3A_316, %swap3A_317, %swap3A_318], %swap3A_321 {strides = array<i32>} : memref<2x120x80xf32, #tpu.memory_space<vmem>>, vector<1x1x16xf32>,
        %add3A_322 = arith.constant 0 : i32
        %add3A_323 = arith.addi %mul3A_281, %add3A_322 : i32
        %get3A_324 = arith.index_cast %rem3A_228 : i32 to index
        %get3A_325 = arith.index_cast %add3A_323 : i32 to index
        %get3A_326 = arith.constant 32 : index
        %get3A_327 = tpu.vector_load %arg6[%get3A_324, %get3A_325, %get3A_326] {strides = array<i32>} : memref<2x120x80xf32, #tpu.memory_space<vmem>>, vector<1x1x16xf32>,
        %get3A_328 = vector.shape_cast %get3A_327 : vector<1x1x16xf32> to vector<16xf32>
        %mul3A_329 = arith.mulf %get3A_328, %get3A_130 : vector<16xf32>
        %mul3A_330 = arith.mulf %mul3A_329, %get3A_288 : vector<16xf32>
        %add3A_331 = arith.constant 0 : i32
        %add3A_332 = arith.addi %mul3A_281, %add3A_331 : i32
        %swap3A_333 = arith.index_cast %rem3A_228 : i32 to index
        %swap3A_334 = arith.index_cast %add3A_332 : i32 to index
        %swap3A_335 = arith.constant 32 : index
        %swap3A_336 = tpu.vector_load %arg7[%swap3A_333, %swap3A_334, %swap3A_335] {strides = array<i32>} : memref<2x120x80xf32, #tpu.memory_space<vmem>>, vector<1x1x16xf32>,
        %swap3A_337 = vector.shape_cast %swap3A_336 : vector<1x1x16xf32> to vector<16xf32>
        %swap3A_338 = vector.shape_cast %mul3A_330 : vector<16xf32> to vector<1x1x16xf32>
        tpu.vector_store %arg7[%swap3A_333, %swap3A_334, %swap3A_335], %swap3A_338 {strides = array<i32>} : memref<2x120x80xf32, #tpu.memory_space<vmem>>, vector<1x1x16xf32>,
        %add3A_339 = arith.constant 0 : i32
        %add3A_340 = arith.addi %mul3A_281, %add3A_339 : i32
        %get3A_341 = arith.index_cast %rem3A_228 : i32 to index
        %get3A_342 = arith.index_cast %add3A_340 : i32 to index
        %get3A_343 = arith.constant 48 : index
        %get3A_344 = tpu.vector_load %arg6[%get3A_341, %get3A_342, %get3A_343] {strides = array<i32>} : memref<2x120x80xf32, #tpu.memory_space<vmem>>, vector<1x1x16xf32>,
        %get3A_345 = vector.shape_cast %get3A_344 : vector<1x1x16xf32> to vector<16xf32>
        %mul3A_346 = arith.mulf %get3A_345, %get3A_135 : vector<16xf32>
        %mul3A_347 = arith.mulf %mul3A_346, %get3A_288 : vector<16xf32>
        %add3A_348 = arith.constant 0 : i32
        %add3A_349 = arith.addi %mul3A_281, %add3A_348 : i32
        %swap3A_350 = arith.index_cast %rem3A_228 : i32 to index
        %swap3A_351 = arith.index_cast %add3A_349 : i32 to index
        %swap3A_352 = arith.constant 48 : index
        %swap3A_353 = tpu.vector_load %arg7[%swap3A_350, %swap3A_351, %swap3A_352] {strides = array<i32>} : memref<2x120x80xf32, #tpu.memory_space<vmem>>, vector<1x1x16xf32>,
        %swap3A_354 = vector.shape_cast %swap3A_353 : vector<1x1x16xf32> to vector<16xf32>
        %swap3A_355 = vector.shape_cast %mul3A_347 : vector<16xf32> to vector<1x1x16xf32>
        tpu.vector_store %arg7[%swap3A_350, %swap3A_351, %swap3A_352], %swap3A_355 {strides = array<i32>} : memref<2x120x80xf32, #tpu.memory_space<vmem>>, vector<1x1x16xf32>,
        %add3A_356 = arith.constant 0 : i32
        %add3A_357 = arith.addi %mul3A_281, %add3A_356 : i32
        %get3A_358 = arith.index_cast %rem3A_228 : i32 to index
        %get3A_359 = arith.index_cast %add3A_357 : i32 to index
        %get3A_360 = arith.constant 64 : index
        %get3A_361 = tpu.vector_load %arg6[%get3A_358, %get3A_359, %get3A_360] {strides = array<i32>} : memref<2x120x80xf32, #tpu.memory_space<vmem>>, vector<1x1x16xf32>,
        %get3A_362 = vector.shape_cast %get3A_361 : vector<1x1x16xf32> to vector<16xf32>
        %mul3A_363 = arith.mulf %get3A_362, %get3A_140 : vector<16xf32>
        %mul3A_364 = arith.mulf %mul3A_363, %get3A_288 : vector<16xf32>
        %add3A_365 = arith.constant 0 : i32
        %add3A_366 = arith.addi %mul3A_281, %add3A_365 : i32
        %swap3A_367 = arith.index_cast %rem3A_228 : i32 to index
        %swap3A_368 = arith.index_cast %add3A_366 : i32 to index
        %swap3A_369 = arith.constant 64 : index
        %swap3A_370 = tpu.vector_load %arg7[%swap3A_367, %swap3A_368, %swap3A_369] {strides = array<i32>} : memref<2x120x80xf32, #tpu.memory_space<vmem>>, vector<1x1x16xf32>,
        %swap3A_371 = vector.shape_cast %swap3A_370 : vector<1x1x16xf32> to vector<16xf32>
        %swap3A_372 = vector.shape_cast %mul3A_364 : vector<16xf32> to vector<1x1x16xf32>
        tpu.vector_store %arg7[%swap3A_367, %swap3A_368, %swap3A_369], %swap3A_372 {strides = array<i32>} : memref<2x120x80xf32, #tpu.memory_space<vmem>>, vector<1x1x16xf32>,
        %mul3A_373 = arith.constant 15 : i32
        %mul3A_374 = arith.muli %scan3A_227, %mul3A_373 : i32
        %add3A_375 = arith.addi %mul3A_374, %scan3A_279 : i32
        %get3A_376 = arith.index_cast %add3A_375 : i32 to index
        %get3A_377 = arith.constant 16 : index
        %get3A_378 = tpu.vector_load %arg9[%get3A_376, %get3A_377] {strides = array<i32>} : memref<375x128xf32, #tpu.memory_space<vmem>>, vector<1x16xf32>,
        %get3A_379 = vector.shape_cast %get3A_378 : vector<1x16xf32> to vector<16xf32>
        %add3A_380 = arith.constant 1 : i32
        %add3A_381 = arith.addi %mul3A_281, %add3A_380 : i32
        %get3A_382 = arith.index_cast %rem3A_228 : i32 to index
        %get3A_383 = arith.index_cast %add3A_381 : i32 to index
        %get3A_384 = arith.constant 0 : index
        %get3A_385 = tpu.vector_load %arg6[%get3A_382, %get3A_383, %get3A_384] {strides = array<i32>} : memref<2x120x80xf32, #tpu.memory_space<vmem>>, vector<1x1x16xf32>,
        %get3A_386 = vector.shape_cast %get3A_385 : vector<1x1x16xf32> to vector<16xf32>
        %mul3A_387 = arith.mulf %get3A_386, %get3A_120 : vector<16xf32>
        %mul3A_388 = arith.mulf %mul3A_387, %get3A_379 : vector<16xf32>
        %add3A_389 = arith.constant 1 : i32
        %add3A_390 = arith.addi %mul3A_281, %add3A_389 : i32
        %swap3A_391 = arith.index_cast %rem3A_228 : i32 to index
        %swap3A_392 = arith.index_cast %add3A_390 : i32 to index
        %swap3A_393 = arith.constant 0 : index
        %swap3A_394 = tpu.vector_load %arg7[%swap3A_391, %swap3A_392, %swap3A_393] {strides = array<i32>} : memref<2x120x80xf32, #tpu.memory_space<vmem>>, vector<1x1x16xf32>,
        %swap3A_395 = vector.shape_cast %swap3A_394 : vector<1x1x16xf32> to vector<16xf32>
        %swap3A_396 = vector.shape_cast %mul3A_388 : vector<16xf32> to vector<1x1x16xf32>
        tpu.vector_store %arg7[%swap3A_391, %swap3A_392, %swap3A_393], %swap3A_396 {strides = array<i32>} : memref<2x120x80xf32, #tpu.memory_space<vmem>>, vector<1x1x16xf32>,
        %add3A_397 = arith.constant 1 : i32
        %add3A_398 = arith.addi %mul3A_281, %add3A_397 : i32
        %get3A_399 = arith.index_cast %rem3A_228 : i32 to index
        %get3A_400 = arith.index_cast %add3A_398 : i32 to index
        %get3A_401 = arith.constant 16 : index
        %get3A_402 = tpu.vector_load %arg6[%get3A_399, %get3A_400, %get3A_401] {strides = array<i32>} : memref<2x120x80xf32, #tpu.memory_space<vmem>>, vector<1x1x16xf32>,
        %get3A_403 = vector.shape_cast %get3A_402 : vector<1x1x16xf32> to vector<16xf32>
        %mul3A_404 = arith.mulf %get3A_403, %get3A_125 : vector<16xf32>
        %mul3A_405 = arith.mulf %mul3A_404, %get3A_379 : vector<16xf32>
        %add3A_406 = arith.constant 1 : i32
        %add3A_407 = arith.addi %mul3A_281, %add3A_406 : i32
        %swap3A_408 = arith.index_cast %rem3A_228 : i32 to index
        %swap3A_409 = arith.index_cast %add3A_407 : i32 to index
        %swap3A_410 = arith.constant 16 : index
        %swap3A_411 = tpu.vector_load %arg7[%swap3A_408, %swap3A_409, %swap3A_410] {strides = array<i32>} : memref<2x120x80xf32, #tpu.memory_space<vmem>>, vector<1x1x16xf32>,
        %swap3A_412 = vector.shape_cast %swap3A_411 : vector<1x1x16xf32> to vector<16xf32>
        %swap3A_413 = vector.shape_cast %mul3A_405 : vector<16xf32> to vector<1x1x16xf32>
        tpu.vector_store %arg7[%swap3A_408, %swap3A_409, %swap3A_410], %swap3A_413 {strides = array<i32>} : memref<2x120x80xf32, #tpu.memory_space<vmem>>, vector<1x1x16xf32>,
        %add3A_414 = arith.constant 1 : i32
        %add3A_415 = arith.addi %mul3A_281, %add3A_414 : i32
        %get3A_416 = arith.index_cast %rem3A_228 : i32 to index
        %get3A_417 = arith.index_cast %add3A_415 : i32 to index
        %get3A_418 = arith.constant 32 : index
        %get3A_419 = tpu.vector_load %arg6[%get3A_416, %get3A_417, %get3A_418] {strides = array<i32>} : memref<2x120x80xf32, #tpu.memory_space<vmem>>, vector<1x1x16xf32>,
        %get3A_420 = vector.shape_cast %get3A_419 : vector<1x1x16xf32> to vector<16xf32>
        %mul3A_421 = arith.mulf %get3A_420, %get3A_130 : vector<16xf32>
        %mul3A_422 = arith.mulf %mul3A_421, %get3A_379 : vector<16xf32>
        %add3A_423 = arith.constant 1 : i32
        %add3A_424 = arith.addi %mul3A_281, %add3A_423 : i32
        %swap3A_425 = arith.index_cast %rem3A_228 : i32 to index
        %swap3A_426 = arith.index_cast %add3A_424 : i32 to index
        %swap3A_427 = arith.constant 32 : index
        %swap3A_428 = tpu.vector_load %arg7[%swap3A_425, %swap3A_426, %swap3A_427] {strides = array<i32>} : memref<2x120x80xf32, #tpu.memory_space<vmem>>, vector<1x1x16xf32>,
        %swap3A_429 = vector.shape_cast %swap3A_428 : vector<1x1x16xf32> to vector<16xf32>
        %swap3A_430 = vector.shape_cast %mul3A_422 : vector<16xf32> to vector<1x1x16xf32>
        tpu.vector_store %arg7[%swap3A_425, %swap3A_426, %swap3A_427], %swap3A_430 {strides = array<i32>} : memref<2x120x80xf32, #tpu.memory_space<vmem>>, vector<1x1x16xf32>,
        %add3A_431 = arith.constant 1 : i32
        %add3A_432 = arith.addi %mul3A_281, %add3A_431 : i32
        %get3A_433 = arith.index_cast %rem3A_228 : i32 to index
        %get3A_434 = arith.index_cast %add3A_432 : i32 to index
        %get3A_435 = arith.constant 48 : index
        %get3A_436 = tpu.vector_load %arg6[%get3A_433, %get3A_434, %get3A_435] {strides = array<i32>} : memref<2x120x80xf32, #tpu.memory_space<vmem>>, vector<1x1x16xf32>,
        %get3A_437 = vector.shape_cast %get3A_436 : vector<1x1x16xf32> to vector<16xf32>
        %mul3A_438 = arith.mulf %get3A_437, %get3A_135 : vector<16xf32>
        %mul3A_439 = arith.mulf %mul3A_438, %get3A_379 : vector<16xf32>
        %add3A_440 = arith.constant 1 : i32
        %add3A_441 = arith.addi %mul3A_281, %add3A_440 : i32
        %swap3A_442 = arith.index_cast %rem3A_228 : i32 to index
        %swap3A_443 = arith.index_cast %add3A_441 : i32 to index
        %swap3A_444 = arith.constant 48 : index
        %swap3A_445 = tpu.vector_load %arg7[%swap3A_442, %swap3A_443, %swap3A_444] {strides = array<i32>} : memref<2x120x80xf32, #tpu.memory_space<vmem>>, vector<1x1x16xf32>,
        %swap3A_446 = vector.shape_cast %swap3A_445 : vector<1x1x16xf32> to vector<16xf32>
        %swap3A_447 = vector.shape_cast %mul3A_439 : vector<16xf32> to vector<1x1x16xf32>
        tpu.vector_store %arg7[%swap3A_442, %swap3A_443, %swap3A_444], %swap3A_447 {strides = array<i32>} : memref<2x120x80xf32, #tpu.memory_space<vmem>>, vector<1x1x16xf32>,
        %add3A_448 = arith.constant 1 : i32
        %add3A_449 = arith.addi %mul3A_281, %add3A_448 : i32
        %get3A_450 = arith.index_cast %rem3A_228 : i32 to index
        %get3A_451 = arith.index_cast %add3A_449 : i32 to index
        %get3A_452 = arith.constant 64 : index
        %get3A_453 = tpu.vector_load %arg6[%get3A_450, %get3A_451, %get3A_452] {strides = array<i32>} : memref<2x120x80xf32, #tpu.memory_space<vmem>>, vector<1x1x16xf32>,
        %get3A_454 = vector.shape_cast %get3A_453 : vector<1x1x16xf32> to vector<16xf32>
        %mul3A_455 = arith.mulf %get3A_454, %get3A_140 : vector<16xf32>
        %mul3A_456 = arith.mulf %mul3A_455, %get3A_379 : vector<16xf32>
        %add3A_457 = arith.constant 1 : i32
        %add3A_458 = arith.addi %mul3A_281, %add3A_457 : i32
        %swap3A_459 = arith.index_cast %rem3A_228 : i32 to index
        %swap3A_460 = arith.index_cast %add3A_458 : i32 to index
        %swap3A_461 = arith.constant 64 : index
        %swap3A_462 = tpu.vector_load %arg7[%swap3A_459, %swap3A_460, %swap3A_461] {strides = array<i32>} : memref<2x120x80xf32, #tpu.memory_space<vmem>>, vector<1x1x16xf32>,
        %swap3A_463 = vector.shape_cast %swap3A_462 : vector<1x1x16xf32> to vector<16xf32>
        %swap3A_464 = vector.shape_cast %mul3A_456 : vector<16xf32> to vector<1x1x16xf32>
        tpu.vector_store %arg7[%swap3A_459, %swap3A_460, %swap3A_461], %swap3A_464 {strides = array<i32>} : memref<2x120x80xf32, #tpu.memory_space<vmem>>, vector<1x1x16xf32>,
        %mul3A_465 = arith.constant 15 : i32
        %mul3A_466 = arith.muli %scan3A_227, %mul3A_465 : i32
        %add3A_467 = arith.addi %mul3A_466, %scan3A_279 : i32
        %get3A_468 = arith.index_cast %add3A_467 : i32 to index
        %get3A_469 = arith.constant 32 : index
        %get3A_470 = tpu.vector_load %arg9[%get3A_468, %get3A_469] {strides = array<i32>} : memref<375x128xf32, #tpu.memory_space<vmem>>, vector<1x16xf32>,
        %get3A_471 = vector.shape_cast %get3A_470 : vector<1x16xf32> to vector<16xf32>
        %add3A_472 = arith.constant 2 : i32
        %add3A_473 = arith.addi %mul3A_281, %add3A_472 : i32
        %get3A_474 = arith.index_cast %rem3A_228 : i32 to index
        %get3A_475 = arith.index_cast %add3A_473 : i32 to index
        %get3A_476 = arith.constant 0 : index
        %get3A_477 = tpu.vector_load %arg6[%get3A_474, %get3A_475, %get3A_476] {strides = array<i32>} : memref<2x120x80xf32, #tpu.memory_space<vmem>>, vector<1x1x16xf32>,
        %get3A_478 = vector.shape_cast %get3A_477 : vector<1x1x16xf32> to vector<16xf32>
        %mul3A_479 = arith.mulf %get3A_478, %get3A_120 : vector<16xf32>
        %mul3A_480 = arith.mulf %mul3A_479, %get3A_471 : vector<16xf32>
        %add3A_481 = arith.constant 2 : i32
        %add3A_482 = arith.addi %mul3A_281, %add3A_481 : i32
        %swap3A_483 = arith.index_cast %rem3A_228 : i32 to index
        %swap3A_484 = arith.index_cast %add3A_482 : i32 to index
        %swap3A_485 = arith.constant 0 : index
        %swap3A_486 = tpu.vector_load %arg7[%swap3A_483, %swap3A_484, %swap3A_485] {strides = array<i32>} : memref<2x120x80xf32, #tpu.memory_space<vmem>>, vector<1x1x16xf32>,
        %swap3A_487 = vector.shape_cast %swap3A_486 : vector<1x1x16xf32> to vector<16xf32>
        %swap3A_488 = vector.shape_cast %mul3A_480 : vector<16xf32> to vector<1x1x16xf32>
        tpu.vector_store %arg7[%swap3A_483, %swap3A_484, %swap3A_485], %swap3A_488 {strides = array<i32>} : memref<2x120x80xf32, #tpu.memory_space<vmem>>, vector<1x1x16xf32>,
        %add3A_489 = arith.constant 2 : i32
        %add3A_490 = arith.addi %mul3A_281, %add3A_489 : i32
        %get3A_491 = arith.index_cast %rem3A_228 : i32 to index
        %get3A_492 = arith.index_cast %add3A_490 : i32 to index
        %get3A_493 = arith.constant 16 : index
        %get3A_494 = tpu.vector_load %arg6[%get3A_491, %get3A_492, %get3A_493] {strides = array<i32>} : memref<2x120x80xf32, #tpu.memory_space<vmem>>, vector<1x1x16xf32>,
        %get3A_495 = vector.shape_cast %get3A_494 : vector<1x1x16xf32> to vector<16xf32>
        %mul3A_496 = arith.mulf %get3A_495, %get3A_125 : vector<16xf32>
        %mul3A_497 = arith.mulf %mul3A_496, %get3A_471 : vector<16xf32>
        %add3A_498 = arith.constant 2 : i32
        %add3A_499 = arith.addi %mul3A_281, %add3A_498 : i32
        %swap3A_500 = arith.index_cast %rem3A_228 : i32 to index
        %swap3A_501 = arith.index_cast %add3A_499 : i32 to index
        %swap3A_502 = arith.constant 16 : index
        %swap3A_503 = tpu.vector_load %arg7[%swap3A_500, %swap3A_501, %swap3A_502] {strides = array<i32>} : memref<2x120x80xf32, #tpu.memory_space<vmem>>, vector<1x1x16xf32>,
        %swap3A_504 = vector.shape_cast %swap3A_503 : vector<1x1x16xf32> to vector<16xf32>
        %swap3A_505 = vector.shape_cast %mul3A_497 : vector<16xf32> to vector<1x1x16xf32>
        tpu.vector_store %arg7[%swap3A_500, %swap3A_501, %swap3A_502], %swap3A_505 {strides = array<i32>} : memref<2x120x80xf32, #tpu.memory_space<vmem>>, vector<1x1x16xf32>,
        %add3A_506 = arith.constant 2 : i32
        %add3A_507 = arith.addi %mul3A_281, %add3A_506 : i32
        %get3A_508 = arith.index_cast %rem3A_228 : i32 to index
        %get3A_509 = arith.index_cast %add3A_507 : i32 to index
        %get3A_510 = arith.constant 32 : index
        %get3A_511 = tpu.vector_load %arg6[%get3A_508, %get3A_509, %get3A_510] {strides = array<i32>} : memref<2x120x80xf32, #tpu.memory_space<vmem>>, vector<1x1x16xf32>,
        %get3A_512 = vector.shape_cast %get3A_511 : vector<1x1x16xf32> to vector<16xf32>
        %mul3A_513 = arith.mulf %get3A_512, %get3A_130 : vector<16xf32>
        %mul3A_514 = arith.mulf %mul3A_513, %get3A_471 : vector<16xf32>
        %add3A_515 = arith.constant 2 : i32
        %add3A_516 = arith.addi %mul3A_281, %add3A_515 : i32
        %swap3A_517 = arith.index_cast %rem3A_228 : i32 to index
        %swap3A_518 = arith.index_cast %add3A_516 : i32 to index
        %swap3A_519 = arith.constant 32 : index
        %swap3A_520 = tpu.vector_load %arg7[%swap3A_517, %swap3A_518, %swap3A_519] {strides = array<i32>} : memref<2x120x80xf32, #tpu.memory_space<vmem>>, vector<1x1x16xf32>,
        %swap3A_521 = vector.shape_cast %swap3A_520 : vector<1x1x16xf32> to vector<16xf32>
        %swap3A_522 = vector.shape_cast %mul3A_514 : vector<16xf32> to vector<1x1x16xf32>
        tpu.vector_store %arg7[%swap3A_517, %swap3A_518, %swap3A_519], %swap3A_522 {strides = array<i32>} : memref<2x120x80xf32, #tpu.memory_space<vmem>>, vector<1x1x16xf32>,
        %add3A_523 = arith.constant 2 : i32
        %add3A_524 = arith.addi %mul3A_281, %add3A_523 : i32
        %get3A_525 = arith.index_cast %rem3A_228 : i32 to index
        %get3A_526 = arith.index_cast %add3A_524 : i32 to index
        %get3A_527 = arith.constant 48 : index
        %get3A_528 = tpu.vector_load %arg6[%get3A_525, %get3A_526, %get3A_527] {strides = array<i32>} : memref<2x120x80xf32, #tpu.memory_space<vmem>>, vector<1x1x16xf32>,
        %get3A_529 = vector.shape_cast %get3A_528 : vector<1x1x16xf32> to vector<16xf32>
        %mul3A_530 = arith.mulf %get3A_529, %get3A_135 : vector<16xf32>
        %mul3A_531 = arith.mulf %mul3A_530, %get3A_471 : vector<16xf32>
        %add3A_532 = arith.constant 2 : i32
        %add3A_533 = arith.addi %mul3A_281, %add3A_532 : i32
        %swap3A_534 = arith.index_cast %rem3A_228 : i32 to index
        %swap3A_535 = arith.index_cast %add3A_533 : i32 to index
        %swap3A_536 = arith.constant 48 : index
        %swap3A_537 = tpu.vector_load %arg7[%swap3A_534, %swap3A_535, %swap3A_536] {strides = array<i32>} : memref<2x120x80xf32, #tpu.memory_space<vmem>>, vector<1x1x16xf32>,
        %swap3A_538 = vector.shape_cast %swap3A_537 : vector<1x1x16xf32> to vector<16xf32>
        %swap3A_539 = vector.shape_cast %mul3A_531 : vector<16xf32> to vector<1x1x16xf32>
        tpu.vector_store %arg7[%swap3A_534, %swap3A_535, %swap3A_536], %swap3A_539 {strides = array<i32>} : memref<2x120x80xf32, #tpu.memory_space<vmem>>, vector<1x1x16xf32>,
        %add3A_540 = arith.constant 2 : i32
        %add3A_541 = arith.addi %mul3A_281, %add3A_540 : i32
        %get3A_542 = arith.index_cast %rem3A_228 : i32 to index
        %get3A_543 = arith.index_cast %add3A_541 : i32 to index
        %get3A_544 = arith.constant 64 : index
        %get3A_545 = tpu.vector_load %arg6[%get3A_542, %get3A_543, %get3A_544] {strides = array<i32>} : memref<2x120x80xf32, #tpu.memory_space<vmem>>, vector<1x1x16xf32>,
        %get3A_546 = vector.shape_cast %get3A_545 : vector<1x1x16xf32> to vector<16xf32>
        %mul3A_547 = arith.mulf %get3A_546, %get3A_140 : vector<16xf32>
        %mul3A_548 = arith.mulf %mul3A_547, %get3A_471 : vector<16xf32>
        %add3A_549 = arith.constant 2 : i32
        %add3A_550 = arith.addi %mul3A_281, %add3A_549 : i32
        %swap3A_551 = arith.index_cast %rem3A_228 : i32 to index
        %swap3A_552 = arith.index_cast %add3A_550 : i32 to index
        %swap3A_553 = arith.constant 64 : index
        %swap3A_554 = tpu.vector_load %arg7[%swap3A_551, %swap3A_552, %swap3A_553] {strides = array<i32>} : memref<2x120x80xf32, #tpu.memory_space<vmem>>, vector<1x1x16xf32>,
        %swap3A_555 = vector.shape_cast %swap3A_554 : vector<1x1x16xf32> to vector<16xf32>
        %swap3A_556 = vector.shape_cast %mul3A_548 : vector<16xf32> to vector<1x1x16xf32>
        tpu.vector_store %arg7[%swap3A_551, %swap3A_552, %swap3A_553], %swap3A_556 {strides = array<i32>} : memref<2x120x80xf32, #tpu.memory_space<vmem>>, vector<1x1x16xf32>,
        %mul3A_557 = arith.constant 15 : i32
        %mul3A_558 = arith.muli %scan3A_227, %mul3A_557 : i32
        %add3A_559 = arith.addi %mul3A_558, %scan3A_279 : i32
        %get3A_560 = arith.index_cast %add3A_559 : i32 to index
        %get3A_561 = arith.constant 48 : index
        %get3A_562 = tpu.vector_load %arg9[%get3A_560, %get3A_561] {strides = array<i32>} : memref<375x128xf32, #tpu.memory_space<vmem>>, vector<1x16xf32>,
        %get3A_563 = vector.shape_cast %get3A_562 : vector<1x16xf32> to vector<16xf32>
        %add3A_564 = arith.constant 3 : i32
        %add3A_565 = arith.addi %mul3A_281, %add3A_564 : i32
        %get3A_566 = arith.index_cast %rem3A_228 : i32 to index
        %get3A_567 = arith.index_cast %add3A_565 : i32 to index
        %get3A_568 = arith.constant 0 : index
        %get3A_569 = tpu.vector_load %arg6[%get3A_566, %get3A_567, %get3A_568] {strides = array<i32>} : memref<2x120x80xf32, #tpu.memory_space<vmem>>, vector<1x1x16xf32>,
        %get3A_570 = vector.shape_cast %get3A_569 : vector<1x1x16xf32> to vector<16xf32>
        %mul3A_571 = arith.mulf %get3A_570, %get3A_120 : vector<16xf32>
        %mul3A_572 = arith.mulf %mul3A_571, %get3A_563 : vector<16xf32>
        %add3A_573 = arith.constant 3 : i32
        %add3A_574 = arith.addi %mul3A_281, %add3A_573 : i32
        %swap3A_575 = arith.index_cast %rem3A_228 : i32 to index
        %swap3A_576 = arith.index_cast %add3A_574 : i32 to index
        %swap3A_577 = arith.constant 0 : index
        %swap3A_578 = tpu.vector_load %arg7[%swap3A_575, %swap3A_576, %swap3A_577] {strides = array<i32>} : memref<2x120x80xf32, #tpu.memory_space<vmem>>, vector<1x1x16xf32>,
        %swap3A_579 = vector.shape_cast %swap3A_578 : vector<1x1x16xf32> to vector<16xf32>
        %swap3A_580 = vector.shape_cast %mul3A_572 : vector<16xf32> to vector<1x1x16xf32>
        tpu.vector_store %arg7[%swap3A_575, %swap3A_576, %swap3A_577], %swap3A_580 {strides = array<i32>} : memref<2x120x80xf32, #tpu.memory_space<vmem>>, vector<1x1x16xf32>,
        %add3A_581 = arith.constant 3 : i32
        %add3A_582 = arith.addi %mul3A_281, %add3A_581 : i32
        %get3A_583 = arith.index_cast %rem3A_228 : i32 to index
        %get3A_584 = arith.index_cast %add3A_582 : i32 to index
        %get3A_585 = arith.constant 16 : index
        %get3A_586 = tpu.vector_load %arg6[%get3A_583, %get3A_584, %get3A_585] {strides = array<i32>} : memref<2x120x80xf32, #tpu.memory_space<vmem>>, vector<1x1x16xf32>,
        %get3A_587 = vector.shape_cast %get3A_586 : vector<1x1x16xf32> to vector<16xf32>
        %mul3A_588 = arith.mulf %get3A_587, %get3A_125 : vector<16xf32>
        %mul3A_589 = arith.mulf %mul3A_588, %get3A_563 : vector<16xf32>
        %add3A_590 = arith.constant 3 : i32
        %add3A_591 = arith.addi %mul3A_281, %add3A_590 : i32
        %swap3A_592 = arith.index_cast %rem3A_228 : i32 to index
        %swap3A_593 = arith.index_cast %add3A_591 : i32 to index
        %swap3A_594 = arith.constant 16 : index
        %swap3A_595 = tpu.vector_load %arg7[%swap3A_592, %swap3A_593, %swap3A_594] {strides = array<i32>} : memref<2x120x80xf32, #tpu.memory_space<vmem>>, vector<1x1x16xf32>,
        %swap3A_596 = vector.shape_cast %swap3A_595 : vector<1x1x16xf32> to vector<16xf32>
        %swap3A_597 = vector.shape_cast %mul3A_589 : vector<16xf32> to vector<1x1x16xf32>
        tpu.vector_store %arg7[%swap3A_592, %swap3A_593, %swap3A_594], %swap3A_597 {strides = array<i32>} : memref<2x120x80xf32, #tpu.memory_space<vmem>>, vector<1x1x16xf32>,
        %add3A_598 = arith.constant 3 : i32
        %add3A_599 = arith.addi %mul3A_281, %add3A_598 : i32
        %get3A_600 = arith.index_cast %rem3A_228 : i32 to index
        %get3A_601 = arith.index_cast %add3A_599 : i32 to index
        %get3A_602 = arith.constant 32 : index
        %get3A_603 = tpu.vector_load %arg6[%get3A_600, %get3A_601, %get3A_602] {strides = array<i32>} : memref<2x120x80xf32, #tpu.memory_space<vmem>>, vector<1x1x16xf32>,
        %get3A_604 = vector.shape_cast %get3A_603 : vector<1x1x16xf32> to vector<16xf32>
        %mul3A_605 = arith.mulf %get3A_604, %get3A_130 : vector<16xf32>
        %mul3A_606 = arith.mulf %mul3A_605, %get3A_563 : vector<16xf32>
        %add3A_607 = arith.constant 3 : i32
        %add3A_608 = arith.addi %mul3A_281, %add3A_607 : i32
        %swap3A_609 = arith.index_cast %rem3A_228 : i32 to index
        %swap3A_610 = arith.index_cast %add3A_608 : i32 to index
        %swap3A_611 = arith.constant 32 : index
        %swap3A_612 = tpu.vector_load %arg7[%swap3A_609, %swap3A_610, %swap3A_611] {strides = array<i32>} : memref<2x120x80xf32, #tpu.memory_space<vmem>>, vector<1x1x16xf32>,
        %swap3A_613 = vector.shape_cast %swap3A_612 : vector<1x1x16xf32> to vector<16xf32>
        %swap3A_614 = vector.shape_cast %mul3A_606 : vector<16xf32> to vector<1x1x16xf32>
        tpu.vector_store %arg7[%swap3A_609, %swap3A_610, %swap3A_611], %swap3A_614 {strides = array<i32>} : memref<2x120x80xf32, #tpu.memory_space<vmem>>, vector<1x1x16xf32>,
        %add3A_615 = arith.constant 3 : i32
        %add3A_616 = arith.addi %mul3A_281, %add3A_615 : i32
        %get3A_617 = arith.index_cast %rem3A_228 : i32 to index
        %get3A_618 = arith.index_cast %add3A_616 : i32 to index
        %get3A_619 = arith.constant 48 : index
        %get3A_620 = tpu.vector_load %arg6[%get3A_617, %get3A_618, %get3A_619] {strides = array<i32>} : memref<2x120x80xf32, #tpu.memory_space<vmem>>, vector<1x1x16xf32>,
        %get3A_621 = vector.shape_cast %get3A_620 : vector<1x1x16xf32> to vector<16xf32>
        %mul3A_622 = arith.mulf %get3A_621, %get3A_135 : vector<16xf32>
        %mul3A_623 = arith.mulf %mul3A_622, %get3A_563 : vector<16xf32>
        %add3A_624 = arith.constant 3 : i32
        %add3A_625 = arith.addi %mul3A_281, %add3A_624 : i32
        %swap3A_626 = arith.index_cast %rem3A_228 : i32 to index
        %swap3A_627 = arith.index_cast %add3A_625 : i32 to index
        %swap3A_628 = arith.constant 48 : index
        %swap3A_629 = tpu.vector_load %arg7[%swap3A_626, %swap3A_627, %swap3A_628] {strides = array<i32>} : memref<2x120x80xf32, #tpu.memory_space<vmem>>, vector<1x1x16xf32>,
        %swap3A_630 = vector.shape_cast %swap3A_629 : vector<1x1x16xf32> to vector<16xf32>
        %swap3A_631 = vector.shape_cast %mul3A_623 : vector<16xf32> to vector<1x1x16xf32>
        tpu.vector_store %arg7[%swap3A_626, %swap3A_627, %swap3A_628], %swap3A_631 {strides = array<i32>} : memref<2x120x80xf32, #tpu.memory_space<vmem>>, vector<1x1x16xf32>,
        %add3A_632 = arith.constant 3 : i32
        %add3A_633 = arith.addi %mul3A_281, %add3A_632 : i32
        %get3A_634 = arith.index_cast %rem3A_228 : i32 to index
        %get3A_635 = arith.index_cast %add3A_633 : i32 to index
        %get3A_636 = arith.constant 64 : index
        %get3A_637 = tpu.vector_load %arg6[%get3A_634, %get3A_635, %get3A_636] {strides = array<i32>} : memref<2x120x80xf32, #tpu.memory_space<vmem>>, vector<1x1x16xf32>,
        %get3A_638 = vector.shape_cast %get3A_637 : vector<1x1x16xf32> to vector<16xf32>
        %mul3A_639 = arith.mulf %get3A_638, %get3A_140 : vector<16xf32>
        %mul3A_640 = arith.mulf %mul3A_639, %get3A_563 : vector<16xf32>
        %add3A_641 = arith.constant 3 : i32
        %add3A_642 = arith.addi %mul3A_281, %add3A_641 : i32
        %swap3A_643 = arith.index_cast %rem3A_228 : i32 to index
        %swap3A_644 = arith.index_cast %add3A_642 : i32 to index
        %swap3A_645 = arith.constant 64 : index
        %swap3A_646 = tpu.vector_load %arg7[%swap3A_643, %swap3A_644, %swap3A_645] {strides = array<i32>} : memref<2x120x80xf32, #tpu.memory_space<vmem>>, vector<1x1x16xf32>,
        %swap3A_647 = vector.shape_cast %swap3A_646 : vector<1x1x16xf32> to vector<16xf32>
        %swap3A_648 = vector.shape_cast %mul3A_640 : vector<16xf32> to vector<1x1x16xf32>
        tpu.vector_store %arg7[%swap3A_643, %swap3A_644, %swap3A_645], %swap3A_648 {strides = array<i32>} : memref<2x120x80xf32, #tpu.memory_space<vmem>>, vector<1x1x16xf32>,
        %mul3A_649 = arith.constant 15 : i32
        %mul3A_650 = arith.muli %scan3A_227, %mul3A_649 : i32
        %add3A_651 = arith.addi %mul3A_650, %scan3A_279 : i32
        %get3A_652 = arith.index_cast %add3A_651 : i32 to index
        %get3A_653 = arith.constant 64 : index
        %get3A_654 = tpu.vector_load %arg9[%get3A_652, %get3A_653] {strides = array<i32>} : memref<375x128xf32, #tpu.memory_space<vmem>>, vector<1x16xf32>,
        %get3A_655 = vector.shape_cast %get3A_654 : vector<1x16xf32> to vector<16xf32>
        %add3A_656 = arith.constant 4 : i32
        %add3A_657 = arith.addi %mul3A_281, %add3A_656 : i32
        %get3A_658 = arith.index_cast %rem3A_228 : i32 to index
        %get3A_659 = arith.index_cast %add3A_657 : i32 to index
        %get3A_660 = arith.constant 0 : index
        %get3A_661 = tpu.vector_load %arg6[%get3A_658, %get3A_659, %get3A_660] {strides = array<i32>} : memref<2x120x80xf32, #tpu.memory_space<vmem>>, vector<1x1x16xf32>,
        %get3A_662 = vector.shape_cast %get3A_661 : vector<1x1x16xf32> to vector<16xf32>
        %mul3A_663 = arith.mulf %get3A_662, %get3A_120 : vector<16xf32>
        %mul3A_664 = arith.mulf %mul3A_663, %get3A_655 : vector<16xf32>
        %add3A_665 = arith.constant 4 : i32
        %add3A_666 = arith.addi %mul3A_281, %add3A_665 : i32
        %swap3A_667 = arith.index_cast %rem3A_228 : i32 to index
        %swap3A_668 = arith.index_cast %add3A_666 : i32 to index
        %swap3A_669 = arith.constant 0 : index
        %swap3A_670 = tpu.vector_load %arg7[%swap3A_667, %swap3A_668, %swap3A_669] {strides = array<i32>} : memref<2x120x80xf32, #tpu.memory_space<vmem>>, vector<1x1x16xf32>,
        %swap3A_671 = vector.shape_cast %swap3A_670 : vector<1x1x16xf32> to vector<16xf32>
        %swap3A_672 = vector.shape_cast %mul3A_664 : vector<16xf32> to vector<1x1x16xf32>
        tpu.vector_store %arg7[%swap3A_667, %swap3A_668, %swap3A_669], %swap3A_672 {strides = array<i32>} : memref<2x120x80xf32, #tpu.memory_space<vmem>>, vector<1x1x16xf32>,
        %add3A_673 = arith.constant 4 : i32
        %add3A_674 = arith.addi %mul3A_281, %add3A_673 : i32
        %get3A_675 = arith.index_cast %rem3A_228 : i32 to index
        %get3A_676 = arith.index_cast %add3A_674 : i32 to index
        %get3A_677 = arith.constant 16 : index
        %get3A_678 = tpu.vector_load %arg6[%get3A_675, %get3A_676, %get3A_677] {strides = array<i32>} : memref<2x120x80xf32, #tpu.memory_space<vmem>>, vector<1x1x16xf32>,
        %get3A_679 = vector.shape_cast %get3A_678 : vector<1x1x16xf32> to vector<16xf32>
        %mul3A_680 = arith.mulf %get3A_679, %get3A_125 : vector<16xf32>
        %mul3A_681 = arith.mulf %mul3A_680, %get3A_655 : vector<16xf32>
        %add3A_682 = arith.constant 4 : i32
        %add3A_683 = arith.addi %mul3A_281, %add3A_682 : i32
        %swap3A_684 = arith.index_cast %rem3A_228 : i32 to index
        %swap3A_685 = arith.index_cast %add3A_683 : i32 to index
        %swap3A_686 = arith.constant 16 : index
        %swap3A_687 = tpu.vector_load %arg7[%swap3A_684, %swap3A_685, %swap3A_686] {strides = array<i32>} : memref<2x120x80xf32, #tpu.memory_space<vmem>>, vector<1x1x16xf32>,
        %swap3A_688 = vector.shape_cast %swap3A_687 : vector<1x1x16xf32> to vector<16xf32>
        %swap3A_689 = vector.shape_cast %mul3A_681 : vector<16xf32> to vector<1x1x16xf32>
        tpu.vector_store %arg7[%swap3A_684, %swap3A_685, %swap3A_686], %swap3A_689 {strides = array<i32>} : memref<2x120x80xf32, #tpu.memory_space<vmem>>, vector<1x1x16xf32>,
        %add3A_690 = arith.constant 4 : i32
        %add3A_691 = arith.addi %mul3A_281, %add3A_690 : i32
        %get3A_692 = arith.index_cast %rem3A_228 : i32 to index
        %get3A_693 = arith.index_cast %add3A_691 : i32 to index
        %get3A_694 = arith.constant 32 : index
        %get3A_695 = tpu.vector_load %arg6[%get3A_692, %get3A_693, %get3A_694] {strides = array<i32>} : memref<2x120x80xf32, #tpu.memory_space<vmem>>, vector<1x1x16xf32>,
        %get3A_696 = vector.shape_cast %get3A_695 : vector<1x1x16xf32> to vector<16xf32>
        %mul3A_697 = arith.mulf %get3A_696, %get3A_130 : vector<16xf32>
        %mul3A_698 = arith.mulf %mul3A_697, %get3A_655 : vector<16xf32>
        %add3A_699 = arith.constant 4 : i32
        %add3A_700 = arith.addi %mul3A_281, %add3A_699 : i32
        %swap3A_701 = arith.index_cast %rem3A_228 : i32 to index
        %swap3A_702 = arith.index_cast %add3A_700 : i32 to index
        %swap3A_703 = arith.constant 32 : index
        %swap3A_704 = tpu.vector_load %arg7[%swap3A_701, %swap3A_702, %swap3A_703] {strides = array<i32>} : memref<2x120x80xf32, #tpu.memory_space<vmem>>, vector<1x1x16xf32>,
        %swap3A_705 = vector.shape_cast %swap3A_704 : vector<1x1x16xf32> to vector<16xf32>
        %swap3A_706 = vector.shape_cast %mul3A_698 : vector<16xf32> to vector<1x1x16xf32>
        tpu.vector_store %arg7[%swap3A_701, %swap3A_702, %swap3A_703], %swap3A_706 {strides = array<i32>} : memref<2x120x80xf32, #tpu.memory_space<vmem>>, vector<1x1x16xf32>,
        %add3A_707 = arith.constant 4 : i32
        %add3A_708 = arith.addi %mul3A_281, %add3A_707 : i32
        %get3A_709 = arith.index_cast %rem3A_228 : i32 to index
        %get3A_710 = arith.index_cast %add3A_708 : i32 to index
        %get3A_711 = arith.constant 48 : index
        %get3A_712 = tpu.vector_load %arg6[%get3A_709, %get3A_710, %get3A_711] {strides = array<i32>} : memref<2x120x80xf32, #tpu.memory_space<vmem>>, vector<1x1x16xf32>,
        %get3A_713 = vector.shape_cast %get3A_712 : vector<1x1x16xf32> to vector<16xf32>
        %mul3A_714 = arith.mulf %get3A_713, %get3A_135 : vector<16xf32>
        %mul3A_715 = arith.mulf %mul3A_714, %get3A_655 : vector<16xf32>
        %add3A_716 = arith.constant 4 : i32
        %add3A_717 = arith.addi %mul3A_281, %add3A_716 : i32
        %swap3A_718 = arith.index_cast %rem3A_228 : i32 to index
        %swap3A_719 = arith.index_cast %add3A_717 : i32 to index
        %swap3A_720 = arith.constant 48 : index
        %swap3A_721 = tpu.vector_load %arg7[%swap3A_718, %swap3A_719, %swap3A_720] {strides = array<i32>} : memref<2x120x80xf32, #tpu.memory_space<vmem>>, vector<1x1x16xf32>,
        %swap3A_722 = vector.shape_cast %swap3A_721 : vector<1x1x16xf32> to vector<16xf32>
        %swap3A_723 = vector.shape_cast %mul3A_715 : vector<16xf32> to vector<1x1x16xf32>
        tpu.vector_store %arg7[%swap3A_718, %swap3A_719, %swap3A_720], %swap3A_723 {strides = array<i32>} : memref<2x120x80xf32, #tpu.memory_space<vmem>>, vector<1x1x16xf32>,
        %add3A_724 = arith.constant 4 : i32
        %add3A_725 = arith.addi %mul3A_281, %add3A_724 : i32
        %get3A_726 = arith.index_cast %rem3A_228 : i32 to index
        %get3A_727 = arith.index_cast %add3A_725 : i32 to index
        %get3A_728 = arith.constant 64 : index
        %get3A_729 = tpu.vector_load %arg6[%get3A_726, %get3A_727, %get3A_728] {strides = array<i32>} : memref<2x120x80xf32, #tpu.memory_space<vmem>>, vector<1x1x16xf32>,
        %get3A_730 = vector.shape_cast %get3A_729 : vector<1x1x16xf32> to vector<16xf32>
        %mul3A_731 = arith.mulf %get3A_730, %get3A_140 : vector<16xf32>
        %mul3A_732 = arith.mulf %mul3A_731, %get3A_655 : vector<16xf32>
        %add3A_733 = arith.constant 4 : i32
        %add3A_734 = arith.addi %mul3A_281, %add3A_733 : i32
        %swap3A_735 = arith.index_cast %rem3A_228 : i32 to index
        %swap3A_736 = arith.index_cast %add3A_734 : i32 to index
        %swap3A_737 = arith.constant 64 : index
        %swap3A_738 = tpu.vector_load %arg7[%swap3A_735, %swap3A_736, %swap3A_737] {strides = array<i32>} : memref<2x120x80xf32, #tpu.memory_space<vmem>>, vector<1x1x16xf32>,
        %swap3A_739 = vector.shape_cast %swap3A_738 : vector<1x1x16xf32> to vector<16xf32>
        %swap3A_740 = vector.shape_cast %mul3A_732 : vector<16xf32> to vector<1x1x16xf32>
        tpu.vector_store %arg7[%swap3A_735, %swap3A_736, %swap3A_737], %swap3A_740 {strides = array<i32>} : memref<2x120x80xf32, #tpu.memory_space<vmem>>, vector<1x1x16xf32>,
        %mul3A_741 = arith.constant 15 : i32
        %mul3A_742 = arith.muli %scan3A_227, %mul3A_741 : i32
        %add3A_743 = arith.addi %mul3A_742, %scan3A_279 : i32
        %get3A_744 = arith.index_cast %add3A_743 : i32 to index
        %get3A_745 = arith.constant 80 : index
        %get3A_746 = tpu.vector_load %arg9[%get3A_744, %get3A_745] {strides = array<i32>} : memref<375x128xf32, #tpu.memory_space<vmem>>, vector<1x16xf32>,
        %get3A_747 = vector.shape_cast %get3A_746 : vector<1x16xf32> to vector<16xf32>
        %add3A_748 = arith.constant 5 : i32
        %add3A_749 = arith.addi %mul3A_281, %add3A_748 : i32
        %get3A_750 = arith.index_cast %rem3A_228 : i32 to index
        %get3A_751 = arith.index_cast %add3A_749 : i32 to index
        %get3A_752 = arith.constant 0 : index
        %get3A_753 = tpu.vector_load %arg6[%get3A_750, %get3A_751, %get3A_752] {strides = array<i32>} : memref<2x120x80xf32, #tpu.memory_space<vmem>>, vector<1x1x16xf32>,
        %get3A_754 = vector.shape_cast %get3A_753 : vector<1x1x16xf32> to vector<16xf32>
        %mul3A_755 = arith.mulf %get3A_754, %get3A_120 : vector<16xf32>
        %mul3A_756 = arith.mulf %mul3A_755, %get3A_747 : vector<16xf32>
        %add3A_757 = arith.constant 5 : i32
        %add3A_758 = arith.addi %mul3A_281, %add3A_757 : i32
        %swap3A_759 = arith.index_cast %rem3A_228 : i32 to index
        %swap3A_760 = arith.index_cast %add3A_758 : i32 to index
        %swap3A_761 = arith.constant 0 : index
        %swap3A_762 = tpu.vector_load %arg7[%swap3A_759, %swap3A_760, %swap3A_761] {strides = array<i32>} : memref<2x120x80xf32, #tpu.memory_space<vmem>>, vector<1x1x16xf32>,
        %swap3A_763 = vector.shape_cast %swap3A_762 : vector<1x1x16xf32> to vector<16xf32>
        %swap3A_764 = vector.shape_cast %mul3A_756 : vector<16xf32> to vector<1x1x16xf32>
        tpu.vector_store %arg7[%swap3A_759, %swap3A_760, %swap3A_761], %swap3A_764 {strides = array<i32>} : memref<2x120x80xf32, #tpu.memory_space<vmem>>, vector<1x1x16xf32>,
        %add3A_765 = arith.constant 5 : i32
        %add3A_766 = arith.addi %mul3A_281, %add3A_765 : i32
        %get3A_767 = arith.index_cast %rem3A_228 : i32 to index
        %get3A_768 = arith.index_cast %add3A_766 : i32 to index
        %get3A_769 = arith.constant 16 : index
        %get3A_770 = tpu.vector_load %arg6[%get3A_767, %get3A_768, %get3A_769] {strides = array<i32>} : memref<2x120x80xf32, #tpu.memory_space<vmem>>, vector<1x1x16xf32>,
        %get3A_771 = vector.shape_cast %get3A_770 : vector<1x1x16xf32> to vector<16xf32>
        %mul3A_772 = arith.mulf %get3A_771, %get3A_125 : vector<16xf32>
        %mul3A_773 = arith.mulf %mul3A_772, %get3A_747 : vector<16xf32>
        %add3A_774 = arith.constant 5 : i32
        %add3A_775 = arith.addi %mul3A_281, %add3A_774 : i32
        %swap3A_776 = arith.index_cast %rem3A_228 : i32 to index
        %swap3A_777 = arith.index_cast %add3A_775 : i32 to index
        %swap3A_778 = arith.constant 16 : index
        %swap3A_779 = tpu.vector_load %arg7[%swap3A_776, %swap3A_777, %swap3A_778] {strides = array<i32>} : memref<2x120x80xf32, #tpu.memory_space<vmem>>, vector<1x1x16xf32>,
        %swap3A_780 = vector.shape_cast %swap3A_779 : vector<1x1x16xf32> to vector<16xf32>
        %swap3A_781 = vector.shape_cast %mul3A_773 : vector<16xf32> to vector<1x1x16xf32>
        tpu.vector_store %arg7[%swap3A_776, %swap3A_777, %swap3A_778], %swap3A_781 {strides = array<i32>} : memref<2x120x80xf32, #tpu.memory_space<vmem>>, vector<1x1x16xf32>,
        %add3A_782 = arith.constant 5 : i32
        %add3A_783 = arith.addi %mul3A_281, %add3A_782 : i32
        %get3A_784 = arith.index_cast %rem3A_228 : i32 to index
        %get3A_785 = arith.index_cast %add3A_783 : i32 to index
        %get3A_786 = arith.constant 32 : index
        %get3A_787 = tpu.vector_load %arg6[%get3A_784, %get3A_785, %get3A_786] {strides = array<i32>} : memref<2x120x80xf32, #tpu.memory_space<vmem>>, vector<1x1x16xf32>,
        %get3A_788 = vector.shape_cast %get3A_787 : vector<1x1x16xf32> to vector<16xf32>
        %mul3A_789 = arith.mulf %get3A_788, %get3A_130 : vector<16xf32>
        %mul3A_790 = arith.mulf %mul3A_789, %get3A_747 : vector<16xf32>
        %add3A_791 = arith.constant 5 : i32
        %add3A_792 = arith.addi %mul3A_281, %add3A_791 : i32
        %swap3A_793 = arith.index_cast %rem3A_228 : i32 to index
        %swap3A_794 = arith.index_cast %add3A_792 : i32 to index
        %swap3A_795 = arith.constant 32 : index
        %swap3A_796 = tpu.vector_load %arg7[%swap3A_793, %swap3A_794, %swap3A_795] {strides = array<i32>} : memref<2x120x80xf32, #tpu.memory_space<vmem>>, vector<1x1x16xf32>,
        %swap3A_797 = vector.shape_cast %swap3A_796 : vector<1x1x16xf32> to vector<16xf32>
        %swap3A_798 = vector.shape_cast %mul3A_790 : vector<16xf32> to vector<1x1x16xf32>
        tpu.vector_store %arg7[%swap3A_793, %swap3A_794, %swap3A_795], %swap3A_798 {strides = array<i32>} : memref<2x120x80xf32, #tpu.memory_space<vmem>>, vector<1x1x16xf32>,
        %add3A_799 = arith.constant 5 : i32
        %add3A_800 = arith.addi %mul3A_281, %add3A_799 : i32
        %get3A_801 = arith.index_cast %rem3A_228 : i32 to index
        %get3A_802 = arith.index_cast %add3A_800 : i32 to index
        %get3A_803 = arith.constant 48 : index
        %get3A_804 = tpu.vector_load %arg6[%get3A_801, %get3A_802, %get3A_803] {strides = array<i32>} : memref<2x120x80xf32, #tpu.memory_space<vmem>>, vector<1x1x16xf32>,
        %get3A_805 = vector.shape_cast %get3A_804 : vector<1x1x16xf32> to vector<16xf32>
        %mul3A_806 = arith.mulf %get3A_805, %get3A_135 : vector<16xf32>
        %mul3A_807 = arith.mulf %mul3A_806, %get3A_747 : vector<16xf32>
        %add3A_808 = arith.constant 5 : i32
        %add3A_809 = arith.addi %mul3A_281, %add3A_808 : i32
        %swap3A_810 = arith.index_cast %rem3A_228 : i32 to index
        %swap3A_811 = arith.index_cast %add3A_809 : i32 to index
        %swap3A_812 = arith.constant 48 : index
        %swap3A_813 = tpu.vector_load %arg7[%swap3A_810, %swap3A_811, %swap3A_812] {strides = array<i32>} : memref<2x120x80xf32, #tpu.memory_space<vmem>>, vector<1x1x16xf32>,
        %swap3A_814 = vector.shape_cast %swap3A_813 : vector<1x1x16xf32> to vector<16xf32>
        %swap3A_815 = vector.shape_cast %mul3A_807 : vector<16xf32> to vector<1x1x16xf32>
        tpu.vector_store %arg7[%swap3A_810, %swap3A_811, %swap3A_812], %swap3A_815 {strides = array<i32>} : memref<2x120x80xf32, #tpu.memory_space<vmem>>, vector<1x1x16xf32>,
        %add3A_816 = arith.constant 5 : i32
        %add3A_817 = arith.addi %mul3A_281, %add3A_816 : i32
        %get3A_818 = arith.index_cast %rem3A_228 : i32 to index
        %get3A_819 = arith.index_cast %add3A_817 : i32 to index
        %get3A_820 = arith.constant 64 : index
        %get3A_821 = tpu.vector_load %arg6[%get3A_818, %get3A_819, %get3A_820] {strides = array<i32>} : memref<2x120x80xf32, #tpu.memory_space<vmem>>, vector<1x1x16xf32>,
        %get3A_822 = vector.shape_cast %get3A_821 : vector<1x1x16xf32> to vector<16xf32>
        %mul3A_823 = arith.mulf %get3A_822, %get3A_140 : vector<16xf32>
        %mul3A_824 = arith.mulf %mul3A_823, %get3A_747 : vector<16xf32>
        %add3A_825 = arith.constant 5 : i32
        %add3A_826 = arith.addi %mul3A_281, %add3A_825 : i32
        %swap3A_827 = arith.index_cast %rem3A_228 : i32 to index
        %swap3A_828 = arith.index_cast %add3A_826 : i32 to index
        %swap3A_829 = arith.constant 64 : index
        %swap3A_830 = tpu.vector_load %arg7[%swap3A_827, %swap3A_828, %swap3A_829] {strides = array<i32>} : memref<2x120x80xf32, #tpu.memory_space<vmem>>, vector<1x1x16xf32>,
        %swap3A_831 = vector.shape_cast %swap3A_830 : vector<1x1x16xf32> to vector<16xf32>
        %swap3A_832 = vector.shape_cast %mul3A_824 : vector<16xf32> to vector<1x1x16xf32>
        tpu.vector_store %arg7[%swap3A_827, %swap3A_828, %swap3A_829], %swap3A_832 {strides = array<i32>} : memref<2x120x80xf32, #tpu.memory_space<vmem>>, vector<1x1x16xf32>,
        %mul3A_833 = arith.constant 15 : i32
        %mul3A_834 = arith.muli %scan3A_227, %mul3A_833 : i32
        %add3A_835 = arith.addi %mul3A_834, %scan3A_279 : i32
        %get3A_836 = arith.index_cast %add3A_835 : i32 to index
        %get3A_837 = arith.constant 96 : index
        %get3A_838 = tpu.vector_load %arg9[%get3A_836, %get3A_837] {strides = array<i32>} : memref<375x128xf32, #tpu.memory_space<vmem>>, vector<1x16xf32>,
        %get3A_839 = vector.shape_cast %get3A_838 : vector<1x16xf32> to vector<16xf32>
        %add3A_840 = arith.constant 6 : i32
        %add3A_841 = arith.addi %mul3A_281, %add3A_840 : i32
        %get3A_842 = arith.index_cast %rem3A_228 : i32 to index
        %get3A_843 = arith.index_cast %add3A_841 : i32 to index
        %get3A_844 = arith.constant 0 : index
        %get3A_845 = tpu.vector_load %arg6[%get3A_842, %get3A_843, %get3A_844] {strides = array<i32>} : memref<2x120x80xf32, #tpu.memory_space<vmem>>, vector<1x1x16xf32>,
        %get3A_846 = vector.shape_cast %get3A_845 : vector<1x1x16xf32> to vector<16xf32>
        %mul3A_847 = arith.mulf %get3A_846, %get3A_120 : vector<16xf32>
        %mul3A_848 = arith.mulf %mul3A_847, %get3A_839 : vector<16xf32>
        %add3A_849 = arith.constant 6 : i32
        %add3A_850 = arith.addi %mul3A_281, %add3A_849 : i32
        %swap3A_851 = arith.index_cast %rem3A_228 : i32 to index
        %swap3A_852 = arith.index_cast %add3A_850 : i32 to index
        %swap3A_853 = arith.constant 0 : index
        %swap3A_854 = tpu.vector_load %arg7[%swap3A_851, %swap3A_852, %swap3A_853] {strides = array<i32>} : memref<2x120x80xf32, #tpu.memory_space<vmem>>, vector<1x1x16xf32>,
        %swap3A_855 = vector.shape_cast %swap3A_854 : vector<1x1x16xf32> to vector<16xf32>
        %swap3A_856 = vector.shape_cast %mul3A_848 : vector<16xf32> to vector<1x1x16xf32>
        tpu.vector_store %arg7[%swap3A_851, %swap3A_852, %swap3A_853], %swap3A_856 {strides = array<i32>} : memref<2x120x80xf32, #tpu.memory_space<vmem>>, vector<1x1x16xf32>,
        %add3A_857 = arith.constant 6 : i32
        %add3A_858 = arith.addi %mul3A_281, %add3A_857 : i32
        %get3A_859 = arith.index_cast %rem3A_228 : i32 to index
        %get3A_860 = arith.index_cast %add3A_858 : i32 to index
        %get3A_861 = arith.constant 16 : index
        %get3A_862 = tpu.vector_load %arg6[%get3A_859, %get3A_860, %get3A_861] {strides = array<i32>} : memref<2x120x80xf32, #tpu.memory_space<vmem>>, vector<1x1x16xf32>,
        %get3A_863 = vector.shape_cast %get3A_862 : vector<1x1x16xf32> to vector<16xf32>
        %mul3A_864 = arith.mulf %get3A_863, %get3A_125 : vector<16xf32>
        %mul3A_865 = arith.mulf %mul3A_864, %get3A_839 : vector<16xf32>
        %add3A_866 = arith.constant 6 : i32
        %add3A_867 = arith.addi %mul3A_281, %add3A_866 : i32
        %swap3A_868 = arith.index_cast %rem3A_228 : i32 to index
        %swap3A_869 = arith.index_cast %add3A_867 : i32 to index
        %swap3A_870 = arith.constant 16 : index
        %swap3A_871 = tpu.vector_load %arg7[%swap3A_868, %swap3A_869, %swap3A_870] {strides = array<i32>} : memref<2x120x80xf32, #tpu.memory_space<vmem>>, vector<1x1x16xf32>,
        %swap3A_872 = vector.shape_cast %swap3A_871 : vector<1x1x16xf32> to vector<16xf32>
        %swap3A_873 = vector.shape_cast %mul3A_865 : vector<16xf32> to vector<1x1x16xf32>
        tpu.vector_store %arg7[%swap3A_868, %swap3A_869, %swap3A_870], %swap3A_873 {strides = array<i32>} : memref<2x120x80xf32, #tpu.memory_space<vmem>>, vector<1x1x16xf32>,
        %add3A_874 = arith.constant 6 : i32
        %add3A_875 = arith.addi %mul3A_281, %add3A_874 : i32
        %get3A_876 = arith.index_cast %rem3A_228 : i32 to index
        %get3A_877 = arith.index_cast %add3A_875 : i32 to index
        %get3A_878 = arith.constant 32 : index
        %get3A_879 = tpu.vector_load %arg6[%get3A_876, %get3A_877, %get3A_878] {strides = array<i32>} : memref<2x120x80xf32, #tpu.memory_space<vmem>>, vector<1x1x16xf32>,
        %get3A_880 = vector.shape_cast %get3A_879 : vector<1x1x16xf32> to vector<16xf32>
        %mul3A_881 = arith.mulf %get3A_880, %get3A_130 : vector<16xf32>
        %mul3A_882 = arith.mulf %mul3A_881, %get3A_839 : vector<16xf32>
        %add3A_883 = arith.constant 6 : i32
        %add3A_884 = arith.addi %mul3A_281, %add3A_883 : i32
        %swap3A_885 = arith.index_cast %rem3A_228 : i32 to index
        %swap3A_886 = arith.index_cast %add3A_884 : i32 to index
        %swap3A_887 = arith.constant 32 : index
        %swap3A_888 = tpu.vector_load %arg7[%swap3A_885, %swap3A_886, %swap3A_887] {strides = array<i32>} : memref<2x120x80xf32, #tpu.memory_space<vmem>>, vector<1x1x16xf32>,
        %swap3A_889 = vector.shape_cast %swap3A_888 : vector<1x1x16xf32> to vector<16xf32>
        %swap3A_890 = vector.shape_cast %mul3A_882 : vector<16xf32> to vector<1x1x16xf32>
        tpu.vector_store %arg7[%swap3A_885, %swap3A_886, %swap3A_887], %swap3A_890 {strides = array<i32>} : memref<2x120x80xf32, #tpu.memory_space<vmem>>, vector<1x1x16xf32>,
        %add3A_891 = arith.constant 6 : i32
        %add3A_892 = arith.addi %mul3A_281, %add3A_891 : i32
        %get3A_893 = arith.index_cast %rem3A_228 : i32 to index
        %get3A_894 = arith.index_cast %add3A_892 : i32 to index
        %get3A_895 = arith.constant 48 : index
        %get3A_896 = tpu.vector_load %arg6[%get3A_893, %get3A_894, %get3A_895] {strides = array<i32>} : memref<2x120x80xf32, #tpu.memory_space<vmem>>, vector<1x1x16xf32>,
        %get3A_897 = vector.shape_cast %get3A_896 : vector<1x1x16xf32> to vector<16xf32>
        %mul3A_898 = arith.mulf %get3A_897, %get3A_135 : vector<16xf32>
        %mul3A_899 = arith.mulf %mul3A_898, %get3A_839 : vector<16xf32>
        %add3A_900 = arith.constant 6 : i32
        %add3A_901 = arith.addi %mul3A_281, %add3A_900 : i32
        %swap3A_902 = arith.index_cast %rem3A_228 : i32 to index
        %swap3A_903 = arith.index_cast %add3A_901 : i32 to index
        %swap3A_904 = arith.constant 48 : index
        %swap3A_905 = tpu.vector_load %arg7[%swap3A_902, %swap3A_903, %swap3A_904] {strides = array<i32>} : memref<2x120x80xf32, #tpu.memory_space<vmem>>, vector<1x1x16xf32>,
        %swap3A_906 = vector.shape_cast %swap3A_905 : vector<1x1x16xf32> to vector<16xf32>
        %swap3A_907 = vector.shape_cast %mul3A_899 : vector<16xf32> to vector<1x1x16xf32>
        tpu.vector_store %arg7[%swap3A_902, %swap3A_903, %swap3A_904], %swap3A_907 {strides = array<i32>} : memref<2x120x80xf32, #tpu.memory_space<vmem>>, vector<1x1x16xf32>,
        %add3A_908 = arith.constant 6 : i32
        %add3A_909 = arith.addi %mul3A_281, %add3A_908 : i32
        %get3A_910 = arith.index_cast %rem3A_228 : i32 to index
        %get3A_911 = arith.index_cast %add3A_909 : i32 to index
        %get3A_912 = arith.constant 64 : index
        %get3A_913 = tpu.vector_load %arg6[%get3A_910, %get3A_911, %get3A_912] {strides = array<i32>} : memref<2x120x80xf32, #tpu.memory_space<vmem>>, vector<1x1x16xf32>,
        %get3A_914 = vector.shape_cast %get3A_913 : vector<1x1x16xf32> to vector<16xf32>
        %mul3A_915 = arith.mulf %get3A_914, %get3A_140 : vector<16xf32>
        %mul3A_916 = arith.mulf %mul3A_915, %get3A_839 : vector<16xf32>
        %add3A_917 = arith.constant 6 : i32
        %add3A_918 = arith.addi %mul3A_281, %add3A_917 : i32
        %swap3A_919 = arith.index_cast %rem3A_228 : i32 to index
        %swap3A_920 = arith.index_cast %add3A_918 : i32 to index
        %swap3A_921 = arith.constant 64 : index
        %swap3A_922 = tpu.vector_load %arg7[%swap3A_919, %swap3A_920, %swap3A_921] {strides = array<i32>} : memref<2x120x80xf32, #tpu.memory_space<vmem>>, vector<1x1x16xf32>,
        %swap3A_923 = vector.shape_cast %swap3A_922 : vector<1x1x16xf32> to vector<16xf32>
        %swap3A_924 = vector.shape_cast %mul3A_916 : vector<16xf32> to vector<1x1x16xf32>
        tpu.vector_store %arg7[%swap3A_919, %swap3A_920, %swap3A_921], %swap3A_924 {strides = array<i32>} : memref<2x120x80xf32, #tpu.memory_space<vmem>>, vector<1x1x16xf32>,
        %mul3A_925 = arith.constant 15 : i32
        %mul3A_926 = arith.muli %scan3A_227, %mul3A_925 : i32
        %add3A_927 = arith.addi %mul3A_926, %scan3A_279 : i32
        %get3A_928 = arith.index_cast %add3A_927 : i32 to index
        %get3A_929 = arith.constant 112 : index
        %get3A_930 = tpu.vector_load %arg9[%get3A_928, %get3A_929] {strides = array<i32>} : memref<375x128xf32, #tpu.memory_space<vmem>>, vector<1x16xf32>,
        %get3A_931 = vector.shape_cast %get3A_930 : vector<1x16xf32> to vector<16xf32>
        %add3A_932 = arith.constant 7 : i32
        %add3A_933 = arith.addi %mul3A_281, %add3A_932 : i32
        %get3A_934 = arith.index_cast %rem3A_228 : i32 to index
        %get3A_935 = arith.index_cast %add3A_933 : i32 to index
        %get3A_936 = arith.constant 0 : index
        %get3A_937 = tpu.vector_load %arg6[%get3A_934, %get3A_935, %get3A_936] {strides = array<i32>} : memref<2x120x80xf32, #tpu.memory_space<vmem>>, vector<1x1x16xf32>,
        %get3A_938 = vector.shape_cast %get3A_937 : vector<1x1x16xf32> to vector<16xf32>
        %mul3A_939 = arith.mulf %get3A_938, %get3A_120 : vector<16xf32>
        %mul3A_940 = arith.mulf %mul3A_939, %get3A_931 : vector<16xf32>
        %add3A_941 = arith.constant 7 : i32
        %add3A_942 = arith.addi %mul3A_281, %add3A_941 : i32
        %swap3A_943 = arith.index_cast %rem3A_228 : i32 to index
        %swap3A_944 = arith.index_cast %add3A_942 : i32 to index
        %swap3A_945 = arith.constant 0 : index
        %swap3A_946 = tpu.vector_load %arg7[%swap3A_943, %swap3A_944, %swap3A_945] {strides = array<i32>} : memref<2x120x80xf32, #tpu.memory_space<vmem>>, vector<1x1x16xf32>,
        %swap3A_947 = vector.shape_cast %swap3A_946 : vector<1x1x16xf32> to vector<16xf32>
        %swap3A_948 = vector.shape_cast %mul3A_940 : vector<16xf32> to vector<1x1x16xf32>
        tpu.vector_store %arg7[%swap3A_943, %swap3A_944, %swap3A_945], %swap3A_948 {strides = array<i32>} : memref<2x120x80xf32, #tpu.memory_space<vmem>>, vector<1x1x16xf32>,
        %add3A_949 = arith.constant 7 : i32
        %add3A_950 = arith.addi %mul3A_281, %add3A_949 : i32
        %get3A_951 = arith.index_cast %rem3A_228 : i32 to index
        %get3A_952 = arith.index_cast %add3A_950 : i32 to index
        %get3A_953 = arith.constant 16 : index
        %get3A_954 = tpu.vector_load %arg6[%get3A_951, %get3A_952, %get3A_953] {strides = array<i32>} : memref<2x120x80xf32, #tpu.memory_space<vmem>>, vector<1x1x16xf32>,
        %get3A_955 = vector.shape_cast %get3A_954 : vector<1x1x16xf32> to vector<16xf32>
        %mul3A_956 = arith.mulf %get3A_955, %get3A_125 : vector<16xf32>
        %mul3A_957 = arith.mulf %mul3A_956, %get3A_931 : vector<16xf32>
        %add3A_958 = arith.constant 7 : i32
        %add3A_959 = arith.addi %mul3A_281, %add3A_958 : i32
        %swap3A_960 = arith.index_cast %rem3A_228 : i32 to index
        %swap3A_961 = arith.index_cast %add3A_959 : i32 to index
        %swap3A_962 = arith.constant 16 : index
        %swap3A_963 = tpu.vector_load %arg7[%swap3A_960, %swap3A_961, %swap3A_962] {strides = array<i32>} : memref<2x120x80xf32, #tpu.memory_space<vmem>>, vector<1x1x16xf32>,
        %swap3A_964 = vector.shape_cast %swap3A_963 : vector<1x1x16xf32> to vector<16xf32>
        %swap3A_965 = vector.shape_cast %mul3A_957 : vector<16xf32> to vector<1x1x16xf32>
        tpu.vector_store %arg7[%swap3A_960, %swap3A_961, %swap3A_962], %swap3A_965 {strides = array<i32>} : memref<2x120x80xf32, #tpu.memory_space<vmem>>, vector<1x1x16xf32>,
        %add3A_966 = arith.constant 7 : i32
        %add3A_967 = arith.addi %mul3A_281, %add3A_966 : i32
        %get3A_968 = arith.index_cast %rem3A_228 : i32 to index
        %get3A_969 = arith.index_cast %add3A_967 : i32 to index
        %get3A_970 = arith.constant 32 : index
        %get3A_971 = tpu.vector_load %arg6[%get3A_968, %get3A_969, %get3A_970] {strides = array<i32>} : memref<2x120x80xf32, #tpu.memory_space<vmem>>, vector<1x1x16xf32>,
        %get3A_972 = vector.shape_cast %get3A_971 : vector<1x1x16xf32> to vector<16xf32>
        %mul3A_973 = arith.mulf %get3A_972, %get3A_130 : vector<16xf32>
        %mul3A_974 = arith.mulf %mul3A_973, %get3A_931 : vector<16xf32>
        %add3A_975 = arith.constant 7 : i32
        %add3A_976 = arith.addi %mul3A_281, %add3A_975 : i32
        %swap3A_977 = arith.index_cast %rem3A_228 : i32 to index
        %swap3A_978 = arith.index_cast %add3A_976 : i32 to index
        %swap3A_979 = arith.constant 32 : index
        %swap3A_980 = tpu.vector_load %arg7[%swap3A_977, %swap3A_978, %swap3A_979] {strides = array<i32>} : memref<2x120x80xf32, #tpu.memory_space<vmem>>, vector<1x1x16xf32>,
        %swap3A_981 = vector.shape_cast %swap3A_980 : vector<1x1x16xf32> to vector<16xf32>
        %swap3A_982 = vector.shape_cast %mul3A_974 : vector<16xf32> to vector<1x1x16xf32>
        tpu.vector_store %arg7[%swap3A_977, %swap3A_978, %swap3A_979], %swap3A_982 {strides = array<i32>} : memref<2x120x80xf32, #tpu.memory_space<vmem>>, vector<1x1x16xf32>,
        %add3A_983 = arith.constant 7 : i32
        %add3A_984 = arith.addi %mul3A_281, %add3A_983 : i32
        %get3A_985 = arith.index_cast %rem3A_228 : i32 to index
        %get3A_986 = arith.index_cast %add3A_984 : i32 to index
        %get3A_987 = arith.constant 48 : index
        %get3A_988 = tpu.vector_load %arg6[%get3A_985, %get3A_986, %get3A_987] {strides = array<i32>} : memref<2x120x80xf32, #tpu.memory_space<vmem>>, vector<1x1x16xf32>,
        %get3A_989 = vector.shape_cast %get3A_988 : vector<1x1x16xf32> to vector<16xf32>
        %mul3A_990 = arith.mulf %get3A_989, %get3A_135 : vector<16xf32>
        %mul3A_991 = arith.mulf %mul3A_990, %get3A_931 : vector<16xf32>
        %add3A_992 = arith.constant 7 : i32
        %add3A_993 = arith.addi %mul3A_281, %add3A_992 : i32
        %swap3A_994 = arith.index_cast %rem3A_228 : i32 to index
        %swap3A_995 = arith.index_cast %add3A_993 : i32 to index
        %swap3A_996 = arith.constant 48 : index
        %swap3A_997 = tpu.vector_load %arg7[%swap3A_994, %swap3A_995, %swap3A_996] {strides = array<i32>} : memref<2x120x80xf32, #tpu.memory_space<vmem>>, vector<1x1x16xf32>,
        %swap3A_998 = vector.shape_cast %swap3A_997 : vector<1x1x16xf32> to vector<16xf32>
        %swap3A_999 = vector.shape_cast %mul3A_991 : vector<16xf32> to vector<1x1x16xf32>
        tpu.vector_store %arg7[%swap3A_994, %swap3A_995, %swap3A_996], %swap3A_999 {strides = array<i32>} : memref<2x120x80xf32, #tpu.memory_space<vmem>>, vector<1x1x16xf32>,
        %add3A_1000 = arith.constant 7 : i32
        %add3A_1001 = arith.addi %mul3A_281, %add3A_1000 : i32
        %get3A_1002 = arith.index_cast %rem3A_228 : i32 to index
        %get3A_1003 = arith.index_cast %add3A_1001 : i32 to index
        %get3A_1004 = arith.constant 64 : index
        %get3A_1005 = tpu.vector_load %arg6[%get3A_1002, %get3A_1003, %get3A_1004] {strides = array<i32>} : memref<2x120x80xf32, #tpu.memory_space<vmem>>, vector<1x1x16xf32>,
        %get3A_1006 = vector.shape_cast %get3A_1005 : vector<1x1x16xf32> to vector<16xf32>
        %mul3A_1007 = arith.mulf %get3A_1006, %get3A_140 : vector<16xf32>
        %mul3A_1008 = arith.mulf %mul3A_1007, %get3A_931 : vector<16xf32>
        %add3A_1009 = arith.constant 7 : i32
        %add3A_1010 = arith.addi %mul3A_281, %add3A_1009 : i32
        %swap3A_1011 = arith.index_cast %rem3A_228 : i32 to index
        %swap3A_1012 = arith.index_cast %add3A_1010 : i32 to index
        %swap3A_1013 = arith.constant 64 : index
        %swap3A_1014 = tpu.vector_load %arg7[%swap3A_1011, %swap3A_1012, %swap3A_1013] {strides = array<i32>} : memref<2x120x80xf32, #tpu.memory_space<vmem>>, vector<1x1x16xf32>,
        %swap3A_1015 = vector.shape_cast %swap3A_1014 : vector<1x1x16xf32> to vector<16xf32>
        %swap3A_1016 = vector.shape_cast %mul3A_1008 : vector<16xf32> to vector<1x1x16xf32>
        tpu.vector_store %arg7[%swap3A_1011, %swap3A_1012, %swap3A_1013], %swap3A_1016 {strides = array<i32>} : memref<2x120x80xf32, #tpu.memory_space<vmem>>, vector<1x1x16xf32>,
      }
      %scan3A_254 = arith.constant 15 : i32
      %mul3A_255 = arith.constant 120 : i32
      %mul3A_256 = arith.muli %scan3A_227, %mul3A_255 : i32
      %dma_start3A_257 = arith.constant 0 : i32
      %dma_start3A_258 = arith.constant 0 : i32
      %dma_start3A_259 = tpu.memref_slice %arg7[%rem3A_228, %dma_start3A_257, %dma_start3A_258] : memref<2x120x80xf32, #tpu.memory_space<vmem>> -> memref<1x120x80xf32, #tpu.memory_space<vmem>>
      %dma_start3A_260 = tpu.memref_squeeze %dma_start3A_259 : memref<1x120x80xf32, #tpu.memory_space<vmem>> -> memref<120x80xf32, #tpu.memory_space<vmem>>
      %dma_start3A_261 = arith.constant 0 : i32
      %dma_start3A_262 = tpu.memref_slice %arg5[%add3A_115, %mul3A_256, %dma_start3A_261] : memref<64x3000x80xf32, #tpu.memory_space<hbm>> -> memref<1x120x80xf32, #tpu.memory_space<hbm>>
      %dma_start3A_263 = tpu.memref_squeeze %dma_start3A_262 : memref<1x120x80xf32, #tpu.memory_space<hbm>> -> memref<120x80xf32, #tpu.memory_space<hbm>>
      %dma_start3A_264 = tpu.memref_slice %arg11[%rem3A_228] : memref<2x!tpu.dma_semaphore, #tpu.memory_space<semaphore_mem>> -> memref<1x!tpu.dma_semaphore, #tpu.memory_space<semaphore_mem>>
      %dma_start3A_265 = tpu.memref_squeeze %dma_start3A_264 : memref<1x!tpu.dma_semaphore, #tpu.memory_space<semaphore_mem>> -> memref<!tpu.dma_semaphore, #tpu.memory_space<semaphore_mem>>
      %dma_start3A_266 = arith.constant 0 : i32
      %dma_start3A_267 = tpu.memref_slice %arg5[%add3A_115, %mul3A_256, %dma_start3A_266] : memref<64x3000x80xf32, #tpu.memory_space<hbm>> -> memref<1x120x80xf32, #tpu.memory_space<hbm>>
      %dma_start3A_268 = tpu.memref_squeeze %dma_start3A_267 : memref<1x120x80xf32, #tpu.memory_space<hbm>> -> memref<120x80xf32, #tpu.memory_space<hbm>>
      %dma_start3A_269 = arith.constant 0 : i32
      %dma_start3A_270 = arith.constant 0 : i32
      %dma_start3A_271 = tpu.memref_slice %arg7[%rem3A_228, %dma_start3A_269, %dma_start3A_270] : memref<2x120x80xf32, #tpu.memory_space<vmem>> -> memref<1x120x80xf32, #tpu.memory_space<vmem>>
      %dma_start3A_272 = tpu.memref_squeeze %dma_start3A_271 : memref<1x120x80xf32, #tpu.memory_space<vmem>> -> memref<120x80xf32, #tpu.memory_space<vmem>>
      tpu.enqueue_dma source(%dma_start3A_272 : memref<120x80xf32, #tpu.memory_space<vmem>>) target(%dma_start3A_268 : memref<120x80xf32, #tpu.memory_space<hbm>>) target_semaphore(%dma_start3A_265 : memref<!tpu.dma_semaphore, #tpu.memory_space<semaphore_mem>>)
      %add3A_273 = arith.constant 2 : i32
      %add3A_274 = arith.addi %scan3A_227, %add3A_273 : i32
      %lt3A = arith.constant 25 : i32
      %lt3A_275 = arith.cmpi slt, %add3A_274, %lt3A : i32
      %convert_element_type3A_276 = arith.extui %lt3A_275 : i1 to i32
      %cond3A_277 = arith.constant 0 : i32
      %cond3A_278 = arith.cmpi ne, %convert_element_type3A_276, %cond3A_277 : i32
      scf.if %cond3A_278 {
        %add3A_279 = arith.constant 2 : i32
        %add3A_280 = arith.addi %scan3A_227, %add3A_279 : i32
        %mul3A_281 = arith.constant 120 : i32
        %mul3A_282 = arith.muli %add3A_280, %mul3A_281 : i32
        %dma_start3A_283 = arith.constant 0 : i32
        %dma_start3A_284 = arith.constant 0 : i32
        %dma_start3A_285 = tpu.memref_slice %arg6[%rem3A_228, %dma_start3A_283, %dma_start3A_284] : memref<2x120x80xf32, #tpu.memory_space<vmem>> -> memref<1x120x80xf32, #tpu.memory_space<vmem>>
        %dma_start3A_286 = tpu.memref_squeeze %dma_start3A_285 : memref<1x120x80xf32, #tpu.memory_space<vmem>> -> memref<120x80xf32, #tpu.memory_space<vmem>>
        %dma_start3A_287 = arith.constant 0 : i32
        %dma_start3A_288 = tpu.memref_slice %arg2[%add3A_115, %mul3A_282, %dma_start3A_287] : memref<64x3000x80xf32, #tpu.memory_space<hbm>> -> memref<1x120x80xf32, #tpu.memory_space<hbm>>
        %dma_start3A_289 = tpu.memref_squeeze %dma_start3A_288 : memref<1x120x80xf32, #tpu.memory_space<hbm>> -> memref<120x80xf32, #tpu.memory_space<hbm>>
        %dma_start3A_290 = tpu.memref_slice %arg10[%rem3A_228] : memref<2x!tpu.dma_semaphore, #tpu.memory_space<semaphore_mem>> -> memref<1x!tpu.dma_semaphore, #tpu.memory_space<semaphore_mem>>
        %dma_start3A_291 = tpu.memref_squeeze %dma_start3A_290 : memref<1x!tpu.dma_semaphore, #tpu.memory_space<semaphore_mem>> -> memref<!tpu.dma_semaphore, #tpu.memory_space<semaphore_mem>>
        %dma_start3A_292 = arith.constant 0 : i32
        %dma_start3A_293 = arith.constant 0 : i32
        %dma_start3A_294 = tpu.memref_slice %arg6[%rem3A_228, %dma_start3A_292, %dma_start3A_293] : memref<2x120x80xf32, #tpu.memory_space<vmem>> -> memref<1x120x80xf32, #tpu.memory_space<vmem>>
        %dma_start3A_295 = tpu.memref_squeeze %dma_start3A_294 : memref<1x120x80xf32, #tpu.memory_space<vmem>> -> memref<120x80xf32, #tpu.memory_space<vmem>>
        %dma_start3A_296 = arith.constant 0 : i32
        %dma_start3A_297 = tpu.memref_slice %arg2[%add3A_115, %mul3A_282, %dma_start3A_296] : memref<64x3000x80xf32, #tpu.memory_space<hbm>> -> memref<1x120x80xf32, #tpu.memory_space<hbm>>
        %dma_start3A_298 = tpu.memref_squeeze %dma_start3A_297 : memref<1x120x80xf32, #tpu.memory_space<hbm>> -> memref<120x80xf32, #tpu.memory_space<hbm>>
        tpu.enqueue_dma source(%dma_start3A_298 : memref<120x80xf32, #tpu.memory_space<hbm>>) target(%dma_start3A_295 : memref<120x80xf32, #tpu.memory_space<vmem>>) target_semaphore(%dma_start3A_291 : memref<!tpu.dma_semaphore, #tpu.memory_space<semaphore_mem>>)
      } else {
      }
    }
    %scan3A_186 = arith.constant 25 : i32
    %dma_wait3A_187 = arith.constant 1 : i32
    %dma_wait3A_188 = arith.constant 1 : i32
    %dma_wait3A_189 = arith.constant 0 : i32
    %dma_wait3A_190 = arith.constant 0 : i32
    %dma_wait3A_191 = tpu.memref_slice %arg7[%dma_wait3A_187, %dma_wait3A_189, %dma_wait3A_190] : memref<2x120x80xf32, #tpu.memory_space<vmem>> -> memref<1x120x80xf32, #tpu.memory_space<vmem>>
    %dma_wait3A_192 = tpu.memref_squeeze %dma_wait3A_191 : memref<1x120x80xf32, #tpu.memory_space<vmem>> -> memref<120x80xf32, #tpu.memory_space<vmem>>
    %dma_wait3A_193 = arith.constant 2760 : i32
    %dma_wait3A_194 = arith.constant 0 : i32
    %dma_wait3A_195 = tpu.memref_slice %arg5[%add3A_115, %dma_wait3A_193, %dma_wait3A_194] : memref<64x3000x80xf32, #tpu.memory_space<hbm>> -> memref<1x120x80xf32, #tpu.memory_space<hbm>>
    %dma_wait3A_196 = tpu.memref_squeeze %dma_wait3A_195 : memref<1x120x80xf32, #tpu.memory_space<hbm>> -> memref<120x80xf32, #tpu.memory_space<hbm>>
    %dma_wait3A_197 = tpu.memref_slice %arg11[%dma_wait3A_188] : memref<2x!tpu.dma_semaphore, #tpu.memory_space<semaphore_mem>> -> memref<1x!tpu.dma_semaphore, #tpu.memory_space<semaphore_mem>>
    %dma_wait3A_198 = tpu.memref_squeeze %dma_wait3A_197 : memref<1x!tpu.dma_semaphore, #tpu.memory_space<semaphore_mem>> -> memref<!tpu.dma_semaphore, #tpu.memory_space<semaphore_mem>>
    %dma_wait3A_199 = arith.constant 2760 : i32
    %dma_wait3A_200 = arith.constant 0 : i32
    %dma_wait3A_201 = tpu.memref_slice %arg5[%add3A_115, %dma_wait3A_199, %dma_wait3A_200] : memref<64x3000x80xf32, #tpu.memory_space<hbm>> -> memref<1x120x80xf32, #tpu.memory_space<hbm>>
    %dma_wait3A_202 = tpu.memref_squeeze %dma_wait3A_201 : memref<1x120x80xf32, #tpu.memory_space<hbm>> -> memref<120x80xf32, #tpu.memory_space<hbm>>
    %dma_wait3A_203 = arith.constant 0 : i32
    %dma_wait3A_204 = arith.constant 0 : i32
    %dma_wait3A_205 = tpu.memref_slice %arg7[%dma_wait3A_187, %dma_wait3A_203, %dma_wait3A_204] : memref<2x120x80xf32, #tpu.memory_space<vmem>> -> memref<1x120x80xf32, #tpu.memory_space<vmem>>
    %dma_wait3A_206 = tpu.memref_squeeze %dma_wait3A_205 : memref<1x120x80xf32, #tpu.memory_space<vmem>> -> memref<120x80xf32, #tpu.memory_space<vmem>>
    tpu.wait_dma2 semaphore(%dma_wait3A_198 : memref<!tpu.dma_semaphore, #tpu.memory_space<semaphore_mem>>) src(%dma_wait3A_206 : memref<120x80xf32, #tpu.memory_space<vmem>>) dst(%dma_wait3A_202 : memref<120x80xf32, #tpu.memory_space<hbm>>)
    %dma_wait3A_207 = arith.constant 0 : i32
    %dma_wait3A_208 = arith.constant 0 : i32
    %dma_wait3A_209 = arith.constant 0 : i32
    %dma_wait3A_210 = arith.constant 0 : i32
    %dma_wait3A_211 = tpu.memref_slice %arg7[%dma_wait3A_207, %dma_wait3A_209, %dma_wait3A_210] : memref<2x120x80xf32, #tpu.memory_space<vmem>> -> memref<1x120x80xf32, #tpu.memory_space<vmem>>
    %dma_wait3A_212 = tpu.memref_squeeze %dma_wait3A_211 : memref<1x120x80xf32, #tpu.memory_space<vmem>> -> memref<120x80xf32, #tpu.memory_space<vmem>>
    %dma_wait3A_213 = arith.constant 2880 : i32
    %dma_wait3A_214 = arith.constant 0 : i32
    %dma_wait3A_215 = tpu.memref_slice %arg5[%add3A_115, %dma_wait3A_213, %dma_wait3A_214] : memref<64x3000x80xf32, #tpu.memory_space<hbm>> -> memref<1x120x80xf32, #tpu.memory_space<hbm>>
    %dma_wait3A_216 = tpu.memref_squeeze %dma_wait3A_215 : memref<1x120x80xf32, #tpu.memory_space<hbm>> -> memref<120x80xf32, #tpu.memory_space<hbm>>
    %dma_wait3A_217 = tpu.memref_slice %arg11[%dma_wait3A_208] : memref<2x!tpu.dma_semaphore, #tpu.memory_space<semaphore_mem>> -> memref<1x!tpu.dma_semaphore, #tpu.memory_space<semaphore_mem>>
    %dma_wait3A_218 = tpu.memref_squeeze %dma_wait3A_217 : memref<1x!tpu.dma_semaphore, #tpu.memory_space<semaphore_mem>> -> memref<!tpu.dma_semaphore, #tpu.memory_space<semaphore_mem>>
    %dma_wait3A_219 = arith.constant 2880 : i32
    %dma_wait3A_220 = arith.constant 0 : i32
    %dma_wait3A_221 = tpu.memref_slice %arg5[%add3A_115, %dma_wait3A_219, %dma_wait3A_220] : memref<64x3000x80xf32, #tpu.memory_space<hbm>> -> memref<1x120x80xf32, #tpu.memory_space<hbm>>
    %dma_wait3A_222 = tpu.memref_squeeze %dma_wait3A_221 : memref<1x120x80xf32, #tpu.memory_space<hbm>> -> memref<120x80xf32, #tpu.memory_space<hbm>>
    %dma_wait3A_223 = arith.constant 0 : i32
    %dma_wait3A_224 = arith.constant 0 : i32
    %dma_wait3A_225 = tpu.memref_slice %arg7[%dma_wait3A_207, %dma_wait3A_223, %dma_wait3A_224] : memref<2x120x80xf32, #tpu.memory_space<vmem>> -> memref<1x120x80xf32, #tpu.memory_space<vmem>>
    %dma_wait3A_226 = tpu.memref_squeeze %dma_wait3A_225 : memref<1x120x80xf32, #tpu.memory_space<vmem>> -> memref<120x80xf32, #tpu.memory_space<vmem>>
    tpu.wait_dma2 semaphore(%dma_wait3A_218 : memref<!tpu.dma_semaphore, #tpu.memory_space<semaphore_mem>>) src(%dma_wait3A_226 : memref<120x80xf32, #tpu.memory_space<vmem>>) dst(%dma_wait3A_222 : memref<120x80xf32, #tpu.memory_space<hbm>>)
    return
  }
}

</mosaic_0001>

<sc_bundles>
// kernel: kernel.3.cloned.1.call-start
scs
__scs_entry_jumppad:
0x0: {  	(pc) =	sbr.rel $0x88, $3  }
0x1: {  	(tag) =	ssettag $0x0;
	lr =	simm.s32 $0x1  }
0x2: {  	[smem:$0x3FA0] =	sst lr;
	_ =	strace $0xD0000000  }
0x3: {  	_ = 	snop  }
0x4: {  	_ = 	snop  }
0x5: {  	_ = 	snop  }
0x6: {  	_ = 	snop  }
0x7: {  	_ = 	snop  }
__scs_overlays_trampoline_lowered:
0x8: {  	[smem:$0x3FAF] =	sst s0  }
0x9: {  	[smem:$0x3FB0] =	sst s1  }
0xa: {  	[smem:$0x3FB1] =	sst s2  }
0xb: {  	[smem:$0x3FB2] =	sst s3  }
0xc: {  	[smem:$0x3FB3] =	sst s4  }
0xd: {  	[smem:$0x3FB4] =	sst s5  }
0xe: {  	[smem:$0x3FB5] =	sst s6  }
0xf: {  	[smem:$0x3FB6] =	sst s7  }
0x10: {  	[smem:$0x3FB7] =	sst s8  }
0x11: {  	[smem:$0x3FB8] =	sst s9;
	s0 =	simm.s32 @!p0 $0x0  }
0x12: {  	s1 =	sld [smem:$0x3F9E];
	s0 =	simm.s32 @p0 $0x1  }
0x13: {  	[smem:$0x3FB9] =	sst s0;
	s0 =	simm.s32 @!p1 $0x0  }
0x14: {  	s2 =	sld [smem:$0x3F9D];
	s0 =	simm.s32 @p1 $0x1  }
0x15: {  	[smem:$0x3FBA] =	sst s0;
	s0 =	simm.s32 @!p2 $0x0  }
0x16: {  	s3 =	sld [smem:$0x3FDB];
	s0 =	simm.s32 @p2 $0x1  }
0x17: {  	s4 =	simm.s32 $0x1BF5;
	[smem:$0x3FBC] =	sst s0  }
0x18: {  	s0 =	sld [smem:$0x3F9F];
	_ =	swait.ge [sflag:s4], $0x0  }
0x19: {  	s7 =	sld [smem:$0x3FA0]  }
0x1a: {  	s8 =	sadd.s32 $0xFFFFE003, lr  }
0x1b: {  	s9 =	sadd.s32 $0xFFFFFEF7, lr;
	s5 =	simm.s32 $0xFFFFFFFF;
	p2 =	slt.u32 s8, $0xFFFFF086  }
0x1c: {  	p1 =	slt.u32 s9, $0xF7A;
	s5 =	simm.s32 @!p2 $0x0  }
0x1d: {  	s5 =	simm.s32 @p1 $0x1;
	p0 =	seq.s32 s7, s2  }
0x1e: {  	s7 =	smul.u32 @!p0 $0xF7A, s2;
	p2 =	seq.s32 @!p0 s5, $0x0  }
0x1f: {  	s9 =	smul.u32 $0xF7A, s1;
	s8 =	simm.s32 @!p0 $0x1BF5;
	p2 =	por !p2, p0  }
0x20: {  	[sflag:s8] =	ssyncset.s32 @!p0 $0xFFFFF086;
	s6 =	sadd.s32 @!p0 s3, s7;
	s7 =	simm.s32 @!p0 $0x108  }
0x21: {  	s3 =	sadd.s32 s3, s9;
	s6 =	sadd.s32 @!p0 $0x88, s6;
	s7 =	simm.s32 @p2 $0x1082  }
0x22: {  	[simem:s7], [sflag:s8] =	dma.local @!p0 [hbm:s6], $0xF7A  }
0x23: {  	s9 =	sor.u32 $0xD0000000, s2;
	s6 =	simm.s32 $0x108;
	_ =	swait.ge @!p0 [sflag:s8], $0x0  }
0x24: {  	s3 =	sadd.s32 $0x88, s3;
	s6 =	simm.s32 @!p1 $0x1082;
	[sflag:s4] =	ssyncset.s32 $0xFFFFF086  }
0x25: {  	[simem:s6], [sflag:s4] =	dma.local [hbm:s3], $0xF7A  }
0x26: {  	[smem:$0x3FA0] =	sst s1;
	(tag) =	ssettag s2;
	_ =	strace s9  }
0x27: {  	s1 =	sld [smem:$0x3FB0]  }
0x28: {  	s2 =	sld [smem:$0x3FB1]  }
0x29: {  	s4 =	sld [smem:$0x3FB3]  }
0x2a: {  	p0 =	seq.s32 s5, $0x0;
	s5 =	sld [smem:$0x3FB4]  }
0x2b: {  	s6 =	sld [smem:$0x3FB5]  }
0x2c: {  	s7 =	sld [smem:$0x3FB6]  }
0x2d: {  	s3 =	simm.s32 $0x108;
	s8 =	sld [smem:$0x3FB7]  }
0x2e: {  	s3 =	simm.s32 @!p0 $0x1082;
	s9 =	sld [smem:$0x3FB8]  }
0x2f: {  	lr =	sadd.s32 s0, s3;
	s0 =	sld [smem:$0x3FAF]  }
0x30: {  	s3 =	sld [smem:$0x3FB2]  }
0x31: {  	[smem:$0x3FBB] =	sst s10  }
0x32: {  	s10 =	sld [smem:$0x3FB9];
	_ =	sdelay $0x3  }
0x33: {  	p0 =	seq.s32 s10, $0x1;
	s10 =	sld [smem:$0x3FBB];
	_ =	sdelay $0x3  }
0x34: {  	[smem:$0x3FBB] =	sst s10  }
0x35: {  	s10 =	sld [smem:$0x3FBA];
	_ =	sdelay $0x3  }
0x36: {  	p1 =	seq.s32 s10, $0x1;
	s10 =	sld [smem:$0x3FBB];
	_ =	sdelay $0x3  }
0x37: {  	[smem:$0x3FBB] =	sst s10  }
0x38: {  	s10 =	sld [smem:$0x3FBC]  }
0x39: {  	_ = 	snop;
	(pc) =	sbr.ind lr, $3  }
0x3a: {  	_ = 	snop  }
0x3b: {  	_ = 	snop  }
0x3c: {  	p2 =	seq.s32 s10, $0x1;
	s10 =	sld [smem:$0x3FBB]  }
0x3d: {  	_ =	shalt  }
0x3e: {  	_ =	shalt  }
0x3f: {  	_ =	shalt  }
0x40: {  	_ =	shalt  }
0x41: {  	_ =	shalt  }
0x42: {  	_ =	shalt  }
0x43: {  	_ =	shalt  }
0x44: {  	_ =	shalt  }
0x45: {  	_ =	shalt  }
0x46: {  	_ =	shalt  }
0x47: {  	_ =	shalt  }
0x48: {  	_ =	shalt  }
0x49: {  	_ =	shalt  }
0x4a: {  	_ =	shalt  }
0x4b: {  	_ =	shalt  }
0x4c: {  	_ =	shalt  }
0x4d: {  	_ =	shalt  }
0x4e: {  	_ =	shalt  }
0x4f: {  	_ =	shalt  }
0x50: {  	_ =	shalt  }
0x51: {  	_ =	shalt  }
0x52: {  	_ =	shalt  }
0x53: {  	_ =	shalt  }
0x54: {  	_ =	shalt  }
0x55: {  	_ =	shalt  }
0x56: {  	_ =	shalt  }
0x57: {  	_ =	shalt  }
0x58: {  	_ =	shalt  }
0x59: {  	_ =	shalt  }
0x5a: {  	_ =	shalt  }
0x5b: {  	_ =	shalt  }
0x5c: {  	_ =	shalt  }
0x5d: {  	_ =	shalt  }
0x5e: {  	_ =	shalt  }
0x5f: {  	_ =	shalt  }
0x60: {  	_ =	shalt  }
0x61: {  	_ =	shalt  }
0x62: {  	_ =	shalt  }
0x63: {  	_ =	shalt  }
0x64: {  	_ =	shalt  }
0x65: {  	_ =	shalt  }
0x66: {  	_ =	shalt  }
0x67: {  	_ =	shalt  }
0x68: {  	_ =	shalt  }
0x69: {  	_ =	shalt  }
0x6a: {  	_ =	shalt  }
0x6b: {  	_ =	shalt  }
0x6c: {  	_ =	shalt  }
0x6d: {  	_ =	shalt  }
0x6e: {  	_ =	shalt  }
0x6f: {  	_ =	shalt  }
0x70: {  	_ =	shalt  }
0x71: {  	_ =	shalt  }
0x72: {  	_ =	shalt  }
0x73: {  	_ =	shalt  }
0x74: {  	_ =	shalt  }
0x75: {  	_ =	shalt  }
0x76: {  	_ =	shalt  }
0x77: {  	_ =	shalt  }
0x78: {  	_ =	shalt  }
0x79: {  	_ =	shalt  }
0x7a: {  	_ =	shalt  }
0x7b: {  	_ =	shalt  }
0x7c: {  	_ =	shalt  }
0x7d: {  	_ =	shalt  }
0x7e: {  	_ =	shalt  }
0x7f: {  	_ =	shalt  }
0x80: {  	_ =	shalt  }
0x81: {  	_ =	shalt  }
0x82: {  	_ =	shalt  }
0x83: {  	_ =	shalt  }
0x84: {  	_ =	shalt  }
0x85: {  	_ =	shalt  }
0x86: {  	_ =	shalt  }
0x87: {  	_ =	shalt  }
.Lfunc_end0:
.L_simem_size_0:
called_computation_lowered:
.L_overlay_start_0:
0x88: {  	s2 =	sld [smem:$0x3FD9]  }
0x89: {  	s3 =	sld [smem:$0x3FFE];
	_ =	sdelay $0x1  }
0x8a: {  	s1 =	srdreg.scid  }
0x8b: {  	s0 =	sand.u32 $0x1, s1  }
0x8c: {  	s17 =	sshll.u32 s0, $0xA;
	s2 =	sadd.s32 s3, s2  }
0x8d: {  	s2 =	sadd.s32 s2, s17  }
0x8e: {  	[smem:$0x3FC7] =	sst s2  }
0x8f: {  	_ = 	snop  }
0x90: {  	s2 =	sld [smem:$0x3FD0];
	(tm) =	ssettm $0x1  }
0x91: {  	s18 =	sld [smem:$0x3FFB];
	_ =	sdelay $0x3  }
0x92: {  	_ =	strace s18  }
0x93: {  	s3 =	sld [smem:$0x3FFC];
	_ =	sdelay $0x3  }
0x94: {  	_ =	strace s3  }
0x95: {  	s3 =	sld [smem:$0x3FFD];
	_ =	sdelay $0x3  }
0x96: {  	_ =	strace s3  }
0x97: {  	_ =	strace $0x8FFFFFFF  }
0x98: {  	s19 =	sld [smem:$0x3FDB];
	_ =	sdelay $0x1  }
0x99: {  	s4 =	simm.s32 $_scs_section_size  }
0x9a: {  	s5 =	simm.s32 $_size__tile_overlayer_lowered;
	s6 =	simm.s32 $_tile_overlayer_lowered  }
0x9b: {  	s22 =	simm.s32 $0x1BFF;
	s21 =	sshll.u32 s6, $0x1;
	s3 =	sadd.s32 s4, s19  }
0x9c: {  	s7 =	simm.s32 $0x0;
	s20 =	sshll.u32 s5, $0x1;
	s5 =	sadd.s32 s21, s3  }
0x9d: {  	[timem:s7], [sflag:s22] =	dma.local [hbm:s5], s20  }
0x9e: {  	_ =	swait.ge [sflag:s22], s20  }
0x9f: {  	s4 =	ssub.s32 $0x0, s20;
	[sflag:s22] =	ssyncset.done $0x0  }
0xa0: {  	[sflag:s22] =	ssyncadd.s32 s4;
	_ =	sdelay $0x1  }
0xa1: {  	s23 =	simm.s32 $0x1B8B  }
0xa2: {  	_ =	swait.ge [sflag:s23], $0x1  }
0xa3: {  	[sflag:s23] =	ssyncset.done $0x0  }
0xa4: {  	s25 =	simm.s32 $0x1B8E;
	s24 =	sld [smem:$0x3FFE];
	[sflag:s23] =	ssyncadd.s32 $0xFFFFFFFF  }
0xa5: {  	s26 =	simm.s32 $execute0_lowered;
	[smem:$0x3FD2] =	sst s25  }
0xa6: {  	s5 =	sshll.u32 s26, $0x1;
	_ =	strace $0x80000046;
	[dreg:$0x1] =	wrdreg $0xFFFFFFFF  }
0xa7: {  	s28 =	simm.s32 $_size_execute0_lowered;
	s3 =	sadd.s32 s3, s5;
	[dreg:$0x0] =	wrdreg $0x0  }
0xa8: {  	s5 =	sshll.u32 s28, $0x1;
	[dreg:$0x2] =	wrdreg s3  }
0xa9: {  	[dreg:$0x3] =	wrdreg s5  }
0xaa: {  	[dreg:$0x4] =	wrdreg $0xC0  }
0xab: {  	_ =	task [dreg:s7], $0x5FFFF  }
0xac: {  	[dreg:$0x1] =	wrdreg $0xFFFFFFFF  }
0xad: {  	[dreg:$0x0] =	wrdreg $0x60  }
0xae: {  	[dreg:$0x2] =	wrdreg s24  }
0xaf: {  	[dreg:$0x3] =	wrdreg s2  }
0xb0: {  	[dreg:$0x4] =	wrdreg $0x9  }
0xb1: {  	_ =	task.clear_ibuf [dreg:s7], $0x5FFFF;
	_ =	strace $0x90000046  }
0xb2: {  	s29 =	simm.s32 $0x9;
	_ =	strace $0x80000048  }
0xb3: {  	_ =	swait.ge [sflag:s29], $0x1  }
0xb4: {  	[sflag:s29] =	ssyncadd.s32 $0xFFFFFFFF  }
0xb5: {  	_ =	strace $0x90000048  }
0xb6: {  	_ =	sfence  }
0xb7: {  	s30 =	sld [smem:$0x0];
	_ =	sdelay $0x2  }
0xb8: {  	s31 =	sshll.u32 s1, $0xD;
	s1 =	sshrl.u32 s1, $0x2  }
0xb9: {  	s3 =	sand.u32 $0x4000, s31;
	s1 =	sadd.s32 s1, s30  }
0xba: {  	s0 =	sor.u32 s3, s0;
	s1 =	sshll.u32 s1, $0x11  }
0xbb: {  	s0 =	sor.u32 s1, s0  }
0xbc: {  	s0 =	sadd.s32 $0x8F2B, s0  }
0xbd: {  	[sflag:s0] =	ssyncadd.remote.s32 $0x1  }
0xbe: {  	_ =	sfence.sel $0xFFFF  }
0xbf: {  	[dreg:$0x0] =	wrdreg $0xFFFFFFFF;
	(pc) =	sbr.abs _section_cstart, $3  }
0xc0: {  	[dreg:$0x1] =	wrdreg $0xFFFFFFFF  }
0xc1: {  	_ =	task.clear_ibuf [dreg:s7], $0x2FFFF;
	_ =	strace $0x9FFFFFFF  }
0xc2: {  	(tm) =	ssettm $0x7FFFFFFF  }
0xc3: {  	_ =	shalt  }
tec
execute0_lowered:
.L_overlay_start_1:
0x0: {  	(tag) =	ssettag $0x1  }
0x1: {  	s0 =	rddreg [dreg:$0x0]  }
0x2: {  	s1 =	rddreg [dreg:$0x1];
	s2 =	simm.s32 $0x0  }
0x3: {  	s3 =	srdreg.scid;
	s5 =	stileid.u32;
	s18 =	simm.s32 $0xF000  }
0x4: {  	s19 =	simm.s32 $0x5;
	s20 =	simm.s32 $0xF080;
	s21 =	simm.s32 $0x3C00  }
0x5: {  	s22 =	simm.s32 $0x4;
	s23 =	simm.s32 $0x3;
	s24 =	simm.s32 $0x0  }
0x6: {  	[smem:$0x7FF] =	sst s2;
	s4 =	sand.u32 $0x1, s3;
	s3 =	sadd.s32 $0x6E00, s0  }
0x7: {  	s5 =	sshll.u32 s5, $0x2;
	s13 =	sadd.s32 $0x4E00, s0;
	s6 =	sshll.u32 s4, $0x1  }
0x8: {  	_ =	strace $0x80000047;
	s7 =	ssub.s32 $0x2, s4;
	s6 =	sor.u32 s6, s5  }
0x9: {  	s4 =	sadd.s32 $0x2F4E00, s0;
	s30 =	sshrl.u32 s7, $0x1;
	s5 =	smul.u32 $0x5DC00, s6  }
0xa: {  	s8 =	smul.u32 $0x1780, s6;
	s12 =	sor.u32 $0x1, s6;
	s31 =	sshll.u32 s6, $0x4  }
0xb: {  	s0 =	ssub.s32 s7, s30;
	s6 =	smul.u32 $0x5DC00, s12;
	s7 =	sadd.s32 s13, s31  }
0xc: {  	s14 =	smul.u32 $0x1780, s12;
	s16 =	sshll.u32 s12, $0x4;
	s17 =	smax.u32 s0, $0x1  }
0xd: {  	s9 =	sshrl.u32 s5, $0x3;
	[dreg:$0x3] =	wrdreg s7;
	s8 =	sadd.s32 s1, s8  }
0xe: {  	s11 =	sadd.s32 $0x7800, s5;
	s13 =	sadd.s32 s13, s16;
	s15 =	sshrl.u32 s6, $0x3  }
0xf: {  	s9 =	sadd.s32 s3, s9;
	s14 =	sadd.s32 s1, s14;
	s12 =	sadd.s32 s3, s15  }
0x10: {  	s16 =	sadd.s32 $0x7800, s6;
	s10 =	sadd.s32 $0x780, s9;
	s15 =	sadd.s32 $0x780, s12  }
.LBB2_1:
0x11: {  	s0 =	rddreg [dreg:$0x3]  }
0x12: {  	[tilespmem:s18], [sflag:$0x5] =	stream.linear.gather [hbm4b:s0+s2], $0x80, $0x38;
	[tilespmem:$0x1AC80] =	vst v63  }
0x13: {  	_ =	swait.ge [sflag:s19], $0x80  }
0x14: {  	[sflag:s19] =	ssyncset.done $0x0  }
0x15: {  	[sflag:s19] =	ssyncadd.s32 $0xFFFFFF80  }
0x16: {  	[tilespmem:s20], [sflag:$0x5] =	stream.linear.gather [hbm4b:s8+s2], $0xBB80, $0x38;
	[tilespmem:$0x1AC80] =	vst v63  }
0x17: {  	_ =	swait.ge [sflag:s19], $0xBB80  }
0x18: {  	[sflag:s19] =	ssyncset.done $0x0  }
0x19: {  	[sflag:s19] =	ssyncadd.s32 $0xFFFF4480  }
0x1a: {  	v0 =	vld [tilespmem:$0xF000]  }
0x1b: {  	v1 =	vld [tilespmem:$0xF010]  }
0x1c: {  	v2 =	vld [tilespmem:$0xF020]  }
0x1d: {  	v3 =	vld [tilespmem:$0xF030]  }
0x1e: {  	v4 =	vld [tilespmem:$0xF040];
	[tilespmem:s2], [sflag:$0x1] =	stream.linear.gather [hbm4b:s9+s2], $0x3C00, $0x38  }
0x1f: {  	p0 =	por $0x0, $0x0;
	s26 =	simm.s32 $0x0;
	s0 =	simm.s32 $0xF0C0  }
0x20: {  	[tilespmem:s21], [sflag:$0x2] =	stream.linear.gather [hbm4b:s10+s2], $0x3C00, $0x38;
	[tilespmem:$0x1AC80] =	vst v63  }
.LBB2_2:
0x21: {  	s1 =	simm.s32 $0x1  }
0x22: {  	s1 =	simm.s32 @!p0 $0x0  }
0x23: {  	s29 =	sand.u32 $0x1, s26;
	s1 =	smul.u32 $0xF000, s1  }
0x24: {  	s28 =	sadd.s32 $0x1, s29  }
0x25: {  	_ =	swait.ge [sflag:s28], $0x3C00;
	s1 =	sshrl.u32 s1, $0x2  }
0x26: {  	p1 =	slt.u32 s26, $0x2;
	[sflag:s28] =	ssyncset.done $0x0;
	s7 =	sor.u32 $0x200, s1  }
0x27: {  	s25 =	sadd.s32 @!p1 $0x3, s29;
	[sflag:s28] =	ssyncadd.s32 $0xFFFFC400;
	v5 =	vmov s7  }
0x28: {  	_ =	swait.ge @!p1 [sflag:s25], $0x3C00  }
0x29: {  	s31 =	simm.s32 $0x0;
	s1 =	sadd.s32 $0x7A00, s1;
	[sflag:s25] =	ssyncset.done @!p1 $0x0  }
0x2a: {  	s30 =	smul.u32 $0x3C00, s29;
	v6 =	vmov s1;
	[sflag:s25] =	ssyncadd.s32 @!p1 $0xFFFFC400;
	s25 =	smov.u32 s0  }
.LBB2_3:
0x2b: {  	s1 =	sshra.s32 s31, $0x2  }
0x2c: {  	v7 =	vld.idx.msk [tilespmem:v5+s1+$0xFFFFFE00 ss:$0x1], $0xffff;
	_ =	sdelay $0x1  }
0x2d: {  	v8 =	vld [tilespmem:s25+$0xFFFFFFC0];
	_ =	sdelay $0x2  }
0x2e: {  	v7 =	vmul.f32 v7, v0;
	_ =	sdelay $0x1  }
0x2f: {  	v7 =	vmul.f32 v7, v8;
	_ =	sdelay $0x1  }
0x30: {  	[tilespmem:v6+s1+$0xFFFFFE00 ss:$0x1] =	vst.idx.msk $0xffff, v7  }
0x31: {  	v7 =	vld.idx.msk [tilespmem:v5+s1+$0xFFFFFE10 ss:$0x1], $0xffff;
	_ =	sdelay $0x4  }
0x32: {  	v7 =	vmul.f32 v7, v1;
	_ =	sdelay $0x1  }
0x33: {  	v7 =	vmul.f32 v7, v8;
	_ =	sdelay $0x1  }
0x34: {  	[tilespmem:v6+s1+$0xFFFFFE10 ss:$0x1] =	vst.idx.msk $0xffff, v7  }
0x35: {  	v7 =	vld.idx.msk [tilespmem:v5+s1+$0xFFFFFE20 ss:$0x1], $0xffff;
	_ =	sdelay $0x4  }
0x36: {  	v7 =	vmul.f32 v7, v2;
	_ =	sdelay $0x1  }
0x37: {  	v7 =	vmul.f32 v7, v8;
	_ =	sdelay $0x1  }
0x38: {  	[tilespmem:v6+s1+$0xFFFFFE20 ss:$0x1] =	vst.idx.msk $0xffff, v7  }
0x39: {  	v7 =	vld.idx.msk [tilespmem:v5+s1+$0xFFFFFE30 ss:$0x1], $0xffff;
	_ =	sdelay $0x4  }
0x3a: {  	v7 =	vmul.f32 v7, v3;
	_ =	sdelay $0x1  }
0x3b: {  	v7 =	vmul.f32 v7, v8;
	_ =	sdelay $0x1  }
0x3c: {  	[tilespmem:v6+s1+$0xFFFFFE30 ss:$0x1] =	vst.idx.msk $0xffff, v7  }
0x3d: {  	v7 =	vld.idx.msk [tilespmem:v5+s1+$0xFFFFFE40 ss:$0x1], $0xffff;
	_ =	sdelay $0x4  }
0x3e: {  	v7 =	vmul.f32 v7, v4;
	_ =	sdelay $0x1  }
0x3f: {  	v7 =	vmul.f32 v7, v8;
	_ =	sdelay $0x1  }
0x40: {  	[tilespmem:v6+s1+$0xFFFFFE40 ss:$0x1] =	vst.idx.msk $0xffff, v7  }
0x41: {  	v7 =	vld.idx.msk [tilespmem:v5+s1+$0xFFFFFE80 ss:$0x1], $0xffff;
	_ =	sdelay $0x1  }
0x42: {  	v8 =	vld [tilespmem:s25+$0xFFFFFFD0];
	_ =	sdelay $0x2  }
0x43: {  	v7 =	vmul.f32 v7, v0;
	_ =	sdelay $0x1  }
0x44: {  	v7 =	vmul.f32 v7, v8;
	_ =	sdelay $0x1  }
0x45: {  	[tilespmem:v6+s1+$0xFFFFFE80 ss:$0x1] =	vst.idx.msk $0xffff, v7  }
0x46: {  	v7 =	vld.idx.msk [tilespmem:v5+s1+$0xFFFFFE90 ss:$0x1], $0xffff;
	_ =	sdelay $0x4  }
0x47: {  	v7 =	vmul.f32 v7, v1;
	_ =	sdelay $0x1  }
0x48: {  	v7 =	vmul.f32 v7, v8;
	_ =	sdelay $0x1  }
0x49: {  	[tilespmem:v6+s1+$0xFFFFFE90 ss:$0x1] =	vst.idx.msk $0xffff, v7  }
0x4a: {  	v7 =	vld.idx.msk [tilespmem:v5+s1+$0xFFFFFEA0 ss:$0x1], $0xffff;
	_ =	sdelay $0x4  }
0x4b: {  	v7 =	vmul.f32 v7, v2;
	_ =	sdelay $0x1  }
0x4c: {  	v7 =	vmul.f32 v7, v8;
	_ =	sdelay $0x1  }
0x4d: {  	[tilespmem:v6+s1+$0xFFFFFEA0 ss:$0x1] =	vst.idx.msk $0xffff, v7  }
0x4e: {  	v7 =	vld.idx.msk [tilespmem:v5+s1+$0xFFFFFEB0 ss:$0x1], $0xffff;
	_ =	sdelay $0x4  }
0x4f: {  	v7 =	vmul.f32 v7, v3;
	_ =	sdelay $0x1  }
0x50: {  	v7 =	vmul.f32 v7, v8;
	_ =	sdelay $0x1  }
0x51: {  	[tilespmem:v6+s1+$0xFFFFFEB0 ss:$0x1] =	vst.idx.msk $0xffff, v7  }
0x52: {  	v7 =	vld.idx.msk [tilespmem:v5+s1+$0xFFFFFEC0 ss:$0x1], $0xffff;
	_ =	sdelay $0x4  }
0x53: {  	v7 =	vmul.f32 v7, v4;
	_ =	sdelay $0x1  }
0x54: {  	v7 =	vmul.f32 v7, v8;
	_ =	sdelay $0x1  }
0x55: {  	[tilespmem:v6+s1+$0xFFFFFEC0 ss:$0x1] =	vst.idx.msk $0xffff, v7  }
0x56: {  	v7 =	vld.idx.msk [tilespmem:v5+s1+$0xFFFFFF00 ss:$0x1], $0xffff;
	_ =	sdelay $0x1  }
0x57: {  	v8 =	vld [tilespmem:s25+$0xFFFFFFE0];
	_ =	sdelay $0x2  }
0x58: {  	v7 =	vmul.f32 v7, v0;
	_ =	sdelay $0x1  }
0x59: {  	v7 =	vmul.f32 v7, v8;
	_ =	sdelay $0x1  }
0x5a: {  	[tilespmem:v6+s1+$0xFFFFFF00 ss:$0x1] =	vst.idx.msk $0xffff, v7  }
0x5b: {  	v7 =	vld.idx.msk [tilespmem:v5+s1+$0xFFFFFF10 ss:$0x1], $0xffff;
	_ =	sdelay $0x4  }
0x5c: {  	v7 =	vmul.f32 v7, v1;
	_ =	sdelay $0x1  }
0x5d: {  	v7 =	vmul.f32 v7, v8;
	_ =	sdelay $0x1  }
0x5e: {  	[tilespmem:v6+s1+$0xFFFFFF10 ss:$0x1] =	vst.idx.msk $0xffff, v7  }
0x5f: {  	v7 =	vld.idx.msk [tilespmem:v5+s1+$0xFFFFFF20 ss:$0x1], $0xffff;
	_ =	sdelay $0x4  }
0x60: {  	v7 =	vmul.f32 v7, v2;
	_ =	sdelay $0x1  }
0x61: {  	v7 =	vmul.f32 v7, v8;
	_ =	sdelay $0x1  }
0x62: {  	[tilespmem:v6+s1+$0xFFFFFF20 ss:$0x1] =	vst.idx.msk $0xffff, v7  }
0x63: {  	v7 =	vld.idx.msk [tilespmem:v5+s1+$0xFFFFFF30 ss:$0x1], $0xffff;
	_ =	sdelay $0x4  }
0x64: {  	v7 =	vmul.f32 v7, v3;
	_ =	sdelay $0x1  }
0x65: {  	v7 =	vmul.f32 v7, v8;
	_ =	sdelay $0x1  }
0x66: {  	[tilespmem:v6+s1+$0xFFFFFF30 ss:$0x1] =	vst.idx.msk $0xffff, v7  }
0x67: {  	v7 =	vld.idx.msk [tilespmem:v5+s1+$0xFFFFFF40 ss:$0x1], $0xffff;
	_ =	sdelay $0x4  }
0x68: {  	v7 =	vmul.f32 v7, v4;
	_ =	sdelay $0x1  }
0x69: {  	v7 =	vmul.f32 v7, v8;
	_ =	sdelay $0x1  }
0x6a: {  	[tilespmem:v6+s1+$0xFFFFFF40 ss:$0x1] =	vst.idx.msk $0xffff, v7  }
0x6b: {  	v7 =	vld.idx.msk [tilespmem:v5+s1+$0xFFFFFF80 ss:$0x1], $0xffff;
	_ =	sdelay $0x1  }
0x6c: {  	v8 =	vld [tilespmem:s25+$0xFFFFFFF0];
	_ =	sdelay $0x2  }
0x6d: {  	v7 =	vmul.f32 v7, v0;
	_ =	sdelay $0x1  }
0x6e: {  	v7 =	vmul.f32 v7, v8;
	_ =	sdelay $0x1  }
0x6f: {  	[tilespmem:v6+s1+$0xFFFFFF80 ss:$0x1] =	vst.idx.msk $0xffff, v7  }
0x70: {  	v7 =	vld.idx.msk [tilespmem:v5+s1+$0xFFFFFF90 ss:$0x1], $0xffff;
	_ =	sdelay $0x4  }
0x71: {  	v7 =	vmul.f32 v7, v1;
	_ =	sdelay $0x1  }
0x72: {  	v7 =	vmul.f32 v7, v8;
	_ =	sdelay $0x1  }
0x73: {  	[tilespmem:v6+s1+$0xFFFFFF90 ss:$0x1] =	vst.idx.msk $0xffff, v7  }
0x74: {  	v7 =	vld.idx.msk [tilespmem:v5+s1+$0xFFFFFFA0 ss:$0x1], $0xffff;
	_ =	sdelay $0x4  }
0x75: {  	v7 =	vmul.f32 v7, v2;
	_ =	sdelay $0x1  }
0x76: {  	v7 =	vmul.f32 v7, v8;
	_ =	sdelay $0x1  }
0x77: {  	[tilespmem:v6+s1+$0xFFFFFFA0 ss:$0x1] =	vst.idx.msk $0xffff, v7  }
0x78: {  	v7 =	vld.idx.msk [tilespmem:v5+s1+$0xFFFFFFB0 ss:$0x1], $0xffff;
	_ =	sdelay $0x4  }
0x79: {  	v7 =	vmul.f32 v7, v3;
	_ =	sdelay $0x1  }
0x7a: {  	v7 =	vmul.f32 v7, v8;
	_ =	sdelay $0x1  }
0x7b: {  	[tilespmem:v6+s1+$0xFFFFFFB0 ss:$0x1] =	vst.idx.msk $0xffff, v7  }
0x7c: {  	v7 =	vld.idx.msk [tilespmem:v5+s1+$0xFFFFFFC0 ss:$0x1], $0xffff;
	_ =	sdelay $0x4  }
0x7d: {  	v7 =	vmul.f32 v7, v4;
	_ =	sdelay $0x1  }
0x7e: {  	v7 =	vmul.f32 v7, v8;
	_ =	sdelay $0x1  }
0x7f: {  	[tilespmem:v6+s1+$0xFFFFFFC0 ss:$0x1] =	vst.idx.msk $0xffff, v7  }
0x80: {  	v7 =	vld.idx.msk [tilespmem:v5+s1+$0x0 ss:$0x1], $0xffff;
	_ =	sdelay $0x1  }
0x81: {  	v8 =	vld [tilespmem:s25+$0x0];
	_ =	sdelay $0x2  }
0x82: {  	v7 =	vmul.f32 v7, v0;
	_ =	sdelay $0x1  }
0x83: {  	v7 =	vmul.f32 v7, v8;
	_ =	sdelay $0x1  }
0x84: {  	[tilespmem:v6+s1+$0x0 ss:$0x1] =	vst.idx.msk $0xffff, v7  }
0x85: {  	v7 =	vld.idx.msk [tilespmem:v5+s1+$0x10 ss:$0x1], $0xffff;
	_ =	sdelay $0x4  }
0x86: {  	v7 =	vmul.f32 v7, v1;
	_ =	sdelay $0x1  }
0x87: {  	v7 =	vmul.f32 v7, v8;
	_ =	sdelay $0x1  }
0x88: {  	[tilespmem:v6+s1+$0x10 ss:$0x1] =	vst.idx.msk $0xffff, v7  }
0x89: {  	v7 =	vld.idx.msk [tilespmem:v5+s1+$0x20 ss:$0x1], $0xffff;
	_ =	sdelay $0x4  }
0x8a: {  	v7 =	vmul.f32 v7, v2;
	_ =	sdelay $0x1  }
0x8b: {  	v7 =	vmul.f32 v7, v8;
	_ =	sdelay $0x1  }
0x8c: {  	[tilespmem:v6+s1+$0x20 ss:$0x1] =	vst.idx.msk $0xffff, v7  }
0x8d: {  	v7 =	vld.idx.msk [tilespmem:v5+s1+$0x30 ss:$0x1], $0xffff;
	_ =	sdelay $0x4  }
0x8e: {  	v7 =	vmul.f32 v7, v3;
	_ =	sdelay $0x1  }
0x8f: {  	v7 =	vmul.f32 v7, v8;
	_ =	sdelay $0x1  }
0x90: {  	[tilespmem:v6+s1+$0x30 ss:$0x1] =	vst.idx.msk $0xffff, v7  }
0x91: {  	v7 =	vld.idx.msk [tilespmem:v5+s1+$0x40 ss:$0x1], $0xffff;
	_ =	sdelay $0x4  }
0x92: {  	v7 =	vmul.f32 v7, v4;
	_ =	sdelay $0x1  }
0x93: {  	v7 =	vmul.f32 v7, v8;
	_ =	sdelay $0x1  }
0x94: {  	[tilespmem:v6+s1+$0x40 ss:$0x1] =	vst.idx.msk $0xffff, v7  }
0x95: {  	v7 =	vld.idx.msk [tilespmem:v5+s1+$0x80 ss:$0x1], $0xffff;
	_ =	sdelay $0x1  }
0x96: {  	v8 =	vld [tilespmem:s25+$0x10];
	_ =	sdelay $0x2  }
0x97: {  	v7 =	vmul.f32 v7, v0;
	_ =	sdelay $0x1  }
0x98: {  	v7 =	vmul.f32 v7, v8;
	_ =	sdelay $0x1  }
0x99: {  	[tilespmem:v6+s1+$0x80 ss:$0x1] =	vst.idx.msk $0xffff, v7  }
0x9a: {  	v7 =	vld.idx.msk [tilespmem:v5+s1+$0x90 ss:$0x1], $0xffff;
	_ =	sdelay $0x4  }
0x9b: {  	v7 =	vmul.f32 v7, v1;
	_ =	sdelay $0x1  }
0x9c: {  	v7 =	vmul.f32 v7, v8;
	_ =	sdelay $0x1  }
0x9d: {  	[tilespmem:v6+s1+$0x90 ss:$0x1] =	vst.idx.msk $0xffff, v7  }
0x9e: {  	v7 =	vld.idx.msk [tilespmem:v5+s1+$0xA0 ss:$0x1], $0xffff;
	_ =	sdelay $0x4  }
0x9f: {  	v7 =	vmul.f32 v7, v2;
	_ =	sdelay $0x1  }
0xa0: {  	v7 =	vmul.f32 v7, v8;
	_ =	sdelay $0x1  }
0xa1: {  	[tilespmem:v6+s1+$0xA0 ss:$0x1] =	vst.idx.msk $0xffff, v7  }
0xa2: {  	v7 =	vld.idx.msk [tilespmem:v5+s1+$0xB0 ss:$0x1], $0xffff;
	_ =	sdelay $0x4  }
0xa3: {  	v7 =	vmul.f32 v7, v3;
	_ =	sdelay $0x1  }
0xa4: {  	v7 =	vmul.f32 v7, v8;
	_ =	sdelay $0x1  }
0xa5: {  	[tilespmem:v6+s1+$0xB0 ss:$0x1] =	vst.idx.msk $0xffff, v7  }
0xa6: {  	v7 =	vld.idx.msk [tilespmem:v5+s1+$0xC0 ss:$0x1], $0xffff;
	_ =	sdelay $0x4  }
0xa7: {  	v7 =	vmul.f32 v7, v4;
	_ =	sdelay $0x1  }
0xa8: {  	v7 =	vmul.f32 v7, v8;
	_ =	sdelay $0x1  }
0xa9: {  	[tilespmem:v6+s1+$0xC0 ss:$0x1] =	vst.idx.msk $0xffff, v7  }
0xaa: {  	v7 =	vld.idx.msk [tilespmem:v5+s1+$0x100 ss:$0x1], $0xffff;
	_ =	sdelay $0x1  }
0xab: {  	v8 =	vld [tilespmem:s25+$0x20];
	_ =	sdelay $0x2  }
0xac: {  	v7 =	vmul.f32 v7, v0;
	_ =	sdelay $0x1  }
0xad: {  	v7 =	vmul.f32 v7, v8;
	_ =	sdelay $0x1  }
0xae: {  	[tilespmem:v6+s1+$0x100 ss:$0x1] =	vst.idx.msk $0xffff, v7  }
0xaf: {  	v7 =	vld.idx.msk [tilespmem:v5+s1+$0x110 ss:$0x1], $0xffff;
	_ =	sdelay $0x4  }
0xb0: {  	v7 =	vmul.f32 v7, v1;
	_ =	sdelay $0x1  }
0xb1: {  	v7 =	vmul.f32 v7, v8;
	_ =	sdelay $0x1  }
0xb2: {  	[tilespmem:v6+s1+$0x110 ss:$0x1] =	vst.idx.msk $0xffff, v7  }
0xb3: {  	v7 =	vld.idx.msk [tilespmem:v5+s1+$0x120 ss:$0x1], $0xffff;
	_ =	sdelay $0x4  }
0xb4: {  	v7 =	vmul.f32 v7, v2;
	_ =	sdelay $0x1  }
0xb5: {  	v7 =	vmul.f32 v7, v8;
	_ =	sdelay $0x1  }
0xb6: {  	[tilespmem:v6+s1+$0x120 ss:$0x1] =	vst.idx.msk $0xffff, v7  }
0xb7: {  	v7 =	vld.idx.msk [tilespmem:v5+s1+$0x130 ss:$0x1], $0xffff;
	_ =	sdelay $0x4  }
0xb8: {  	v7 =	vmul.f32 v7, v3;
	_ =	sdelay $0x1  }
0xb9: {  	v7 =	vmul.f32 v7, v8;
	_ =	sdelay $0x1  }
0xba: {  	[tilespmem:v6+s1+$0x130 ss:$0x1] =	vst.idx.msk $0xffff, v7  }
0xbb: {  	v7 =	vld.idx.msk [tilespmem:v5+s1+$0x140 ss:$0x1], $0xffff;
	_ =	sdelay $0x4  }
0xbc: {  	v7 =	vmul.f32 v7, v4;
	_ =	sdelay $0x1  }
0xbd: {  	v7 =	vmul.f32 v7, v8;
	_ =	sdelay $0x1  }
0xbe: {  	[tilespmem:v6+s1+$0x140 ss:$0x1] =	vst.idx.msk $0xffff, v7  }
0xbf: {  	v7 =	vld.idx.msk [tilespmem:v5+s1+$0x180 ss:$0x1], $0xffff;
	_ =	sdelay $0x1  }
0xc0: {  	v8 =	vld [tilespmem:s25+$0x30];
	_ =	sdelay $0x2  }
0xc1: {  	v7 =	vmul.f32 v7, v0;
	_ =	sdelay $0x1  }
0xc2: {  	v7 =	vmul.f32 v7, v8;
	_ =	sdelay $0x1  }
0xc3: {  	[tilespmem:v6+s1+$0x180 ss:$0x1] =	vst.idx.msk $0xffff, v7  }
0xc4: {  	v7 =	vld.idx.msk [tilespmem:v5+s1+$0x190 ss:$0x1], $0xffff;
	_ =	sdelay $0x4  }
0xc5: {  	v7 =	vmul.f32 v7, v1;
	_ =	sdelay $0x1  }
0xc6: {  	v7 =	vmul.f32 v7, v8;
	_ =	sdelay $0x1  }
0xc7: {  	[tilespmem:v6+s1+$0x190 ss:$0x1] =	vst.idx.msk $0xffff, v7  }
0xc8: {  	v7 =	vld.idx.msk [tilespmem:v5+s1+$0x1A0 ss:$0x1], $0xffff;
	_ =	sdelay $0x4  }
0xc9: {  	v7 =	vmul.f32 v7, v2;
	_ =	sdelay $0x1  }
0xca: {  	v7 =	vmul.f32 v7, v8;
	_ =	sdelay $0x1  }
0xcb: {  	[tilespmem:v6+s1+$0x1A0 ss:$0x1] =	vst.idx.msk $0xffff, v7  }
0xcc: {  	v7 =	vld.idx.msk [tilespmem:v5+s1+$0x1B0 ss:$0x1], $0xffff;
	_ =	sdelay $0x4  }
0xcd: {  	v7 =	vmul.f32 v7, v3;
	_ =	sdelay $0x1  }
0xce: {  	v7 =	vmul.f32 v7, v8;
	_ =	sdelay $0x1  }
0xcf: {  	[tilespmem:v6+s1+$0x1B0 ss:$0x1] =	vst.idx.msk $0xffff, v7  }
0xd0: {  	v7 =	vld.idx.msk [tilespmem:v5+s1+$0x1C0 ss:$0x1], $0xffff;
	_ =	sdelay $0x3  }
0xd1: {  	p1 =	sne.s32 s31, $0xE000  }
.Ltmp0:
0xd2: {  	v7 =	vmul.f32 v7, v4;
	(pc) =	sbr.rel @p1 .LBB2_3-.Ltmp0, $3  }
0xd3: {  	_ = 	snop  }
0xd4: {  	v7 =	vmul.f32 v7, v8;
	_ =	sdelay $0x1  }
0xd5: {  	s31 =	sadd.s32 $0x1000, s31;
	s25 =	sadd.s32 $0x80, s25;
	[tilespmem:v6+s1+$0x1C0 ss:$0x1] =	vst.idx.msk $0xffff, v7  }
0xd6: {  	s1 =	smul.u32 $0x3C00, s26;
	_ =	sdelay $0x1  }
0xd7: {  	p1 =	sgt.u32 s26, $0x16;
	s7 =	sadd.s32 s5, s1  }
0xd8: {  	s25 =	sadd.s32 $0x3, s29;
	s1 =	sadd.s32 @!p1 s1, s11;
	s7 =	sshrl.u32 s7, $0x3  }
0xd9: {  	s31 =	sadd.s32 $0x7800, s30;
	s1 =	sshrl.u32 @!p1 s1, $0x3;
	s7 =	sadd.s32 s4, s7  }
0xda: {  	[hbm4b:s7+s2] =	stream.linear.scatter [tilespmem:s31], [sflag:s25], $0x3C00, $0x38;
	[tilespmem:$0x1AC80] =	vst v63  }
0xdb: {  	s26 =	sadd.s32 $0x1, s26;
	s1 =	sadd.s32 @!p1 s3, s1;
	s7 =	simm.s32 @!p1 $0x0  }
0xdc: {  	[tilespmem:s30], [sflag:s28] =	stream.linear.gather @!p1 [hbm4b:s1+s7], $0x3C00, $0x38;
	[tilespmem:$0x1AC80] =	vst v63  }
0xdd: {  	p1 =	sne.s32 s26, $0x19  }
.Ltmp1:
0xde: {  	_ = 	snop;
	(pc) =	sbr.rel @p1 .LBB2_2-.Ltmp1, $2  }
0xdf: {  	_ =	sdelay $0x2  }
0xe0: {  	p0 =	por !p0, !p0;
	s0 =	sadd.s32 $0x780, s0  }
0xe1: {  	_ =	swait.ge [sflag:s22], $0x3C00  }
0xe2: {  	[sflag:s22] =	ssyncset.done $0x0  }
0xe3: {  	[sflag:s22] =	ssyncadd.s32 $0xFFFFC400  }
0xe4: {  	_ =	swait.ge [sflag:s23], $0x3C00  }
0xe5: {  	[sflag:s23] =	ssyncset.done $0x0  }
0xe6: {  	s25 =	simm.s32 $0x0;
	[sflag:s23] =	ssyncadd.s32 $0xFFFFC400  }
0xe7: {  	[tilespmem:s18], [sflag:$0x5] =	stream.linear.gather [hbm4b:s13+s25], $0x80, $0x38;
	[tilespmem:$0x1AC80] =	vst v63  }
0xe8: {  	_ =	swait.ge [sflag:s19], $0x80  }
0xe9: {  	[sflag:s19] =	ssyncset.done $0x0  }
0xea: {  	[sflag:s19] =	ssyncadd.s32 $0xFFFFFF80  }
0xeb: {  	[tilespmem:s20], [sflag:$0x5] =	stream.linear.gather [hbm4b:s14+s25], $0xBB80, $0x38;
	[tilespmem:$0x1AC80] =	vst v63  }
0xec: {  	_ =	swait.ge [sflag:s19], $0xBB80  }
0xed: {  	[sflag:s19] =	ssyncset.done $0x0  }
0xee: {  	[sflag:s19] =	ssyncadd.s32 $0xFFFF4480  }
0xef: {  	v0 =	vld [tilespmem:$0xF000]  }
0xf0: {  	v1 =	vld [tilespmem:$0xF010]  }
0xf1: {  	v2 =	vld [tilespmem:$0xF020]  }
0xf2: {  	v3 =	vld [tilespmem:$0xF030]  }
0xf3: {  	v4 =	vld [tilespmem:$0xF040];
	[tilespmem:s25], [sflag:$0x1] =	stream.linear.gather [hbm4b:s12+s25], $0x3C00, $0x38  }
0xf4: {  	p0 =	por $0x0, $0x0;
	s26 =	simm.s32 $0xF0C0  }
0xf5: {  	[tilespmem:s21], [sflag:$0x2] =	stream.linear.gather [hbm4b:s15+s25], $0x3C00, $0x38;
	[tilespmem:$0x1AC80] =	vst v63  }
.LBB2_6:
0xf6: {  	s0 =	simm.s32 $0x1  }
0xf7: {  	s0 =	simm.s32 @!p0 $0x0  }
0xf8: {  	s29 =	sand.u32 $0x1, s25;
	s0 =	smul.u32 $0xF000, s0  }
0xf9: {  	s28 =	sadd.s32 $0x1, s29  }
0xfa: {  	_ =	swait.ge [sflag:s28], $0x3C00;
	s0 =	sshrl.u32 s0, $0x2  }
0xfb: {  	p1 =	slt.u32 s25, $0x2;
	[sflag:s28] =	ssyncset.done $0x0;
	s7 =	sor.u32 $0x200, s0  }
0xfc: {  	s1 =	sadd.s32 @!p1 $0x3, s29;
	[sflag:s28] =	ssyncadd.s32 $0xFFFFC400;
	v5 =	vmov s7  }
0xfd: {  	_ =	swait.ge @!p1 [sflag:s1], $0x3C00  }
0xfe: {  	s31 =	smov.u32 s26;
	s0 =	sadd.s32 $0x7A00, s0;
	[sflag:s1] =	ssyncset.done @!p1 $0x0  }
0xff: {  	s30 =	smul.u32 $0x3C00, s29;
	v6 =	vmov s0;
	s0 =	simm.s32 $0x0;
	[sflag:s1] =	ssyncadd.s32 @!p1 $0xFFFFC400  }
.LBB2_7:
0x100: {  	s1 =	sshra.s32 s0, $0x2  }
0x101: {  	v7 =	vld.idx.msk [tilespmem:v5+s1+$0xFFFFFE00 ss:$0x1], $0xffff;
	_ =	sdelay $0x1  }
0x102: {  	v8 =	vld [tilespmem:s31+$0xFFFFFFC0];
	_ =	sdelay $0x2  }
0x103: {  	v7 =	vmul.f32 v7, v0;
	_ =	sdelay $0x1  }
0x104: {  	v7 =	vmul.f32 v7, v8;
	_ =	sdelay $0x1  }
0x105: {  	[tilespmem:v6+s1+$0xFFFFFE00 ss:$0x1] =	vst.idx.msk $0xffff, v7  }
0x106: {  	v7 =	vld.idx.msk [tilespmem:v5+s1+$0xFFFFFE10 ss:$0x1], $0xffff;
	_ =	sdelay $0x4  }
0x107: {  	v7 =	vmul.f32 v7, v1;
	_ =	sdelay $0x1  }
0x108: {  	v7 =	vmul.f32 v7, v8;
	_ =	sdelay $0x1  }
0x109: {  	[tilespmem:v6+s1+$0xFFFFFE10 ss:$0x1] =	vst.idx.msk $0xffff, v7  }
0x10a: {  	v7 =	vld.idx.msk [tilespmem:v5+s1+$0xFFFFFE20 ss:$0x1], $0xffff;
	_ =	sdelay $0x4  }
0x10b: {  	v7 =	vmul.f32 v7, v2;
	_ =	sdelay $0x1  }
0x10c: {  	v7 =	vmul.f32 v7, v8;
	_ =	sdelay $0x1  }
0x10d: {  	[tilespmem:v6+s1+$0xFFFFFE20 ss:$0x1] =	vst.idx.msk $0xffff, v7  }
0x10e: {  	v7 =	vld.idx.msk [tilespmem:v5+s1+$0xFFFFFE30 ss:$0x1], $0xffff;
	_ =	sdelay $0x4  }
0x10f: {  	v7 =	vmul.f32 v7, v3;
	_ =	sdelay $0x1  }
0x110: {  	v7 =	vmul.f32 v7, v8;
	_ =	sdelay $0x1  }
0x111: {  	[tilespmem:v6+s1+$0xFFFFFE30 ss:$0x1] =	vst.idx.msk $0xffff, v7  }
0x112: {  	v7 =	vld.idx.msk [tilespmem:v5+s1+$0xFFFFFE40 ss:$0x1], $0xffff;
	_ =	sdelay $0x4  }
0x113: {  	v7 =	vmul.f32 v7, v4;
	_ =	sdelay $0x1  }
0x114: {  	v7 =	vmul.f32 v7, v8;
	_ =	sdelay $0x1  }
0x115: {  	[tilespmem:v6+s1+$0xFFFFFE40 ss:$0x1] =	vst.idx.msk $0xffff, v7  }
0x116: {  	v7 =	vld.idx.msk [tilespmem:v5+s1+$0xFFFFFE80 ss:$0x1], $0xffff;
	_ =	sdelay $0x1  }
0x117: {  	v8 =	vld [tilespmem:s31+$0xFFFFFFD0];
	_ =	sdelay $0x2  }
0x118: {  	v7 =	vmul.f32 v7, v0;
	_ =	sdelay $0x1  }
0x119: {  	v7 =	vmul.f32 v7, v8;
	_ =	sdelay $0x1  }
0x11a: {  	[tilespmem:v6+s1+$0xFFFFFE80 ss:$0x1] =	vst.idx.msk $0xffff, v7  }
0x11b: {  	v7 =	vld.idx.msk [tilespmem:v5+s1+$0xFFFFFE90 ss:$0x1], $0xffff;
	_ =	sdelay $0x4  }
0x11c: {  	v7 =	vmul.f32 v7, v1;
	_ =	sdelay $0x1  }
0x11d: {  	v7 =	vmul.f32 v7, v8;
	_ =	sdelay $0x1  }
0x11e: {  	[tilespmem:v6+s1+$0xFFFFFE90 ss:$0x1] =	vst.idx.msk $0xffff, v7  }
0x11f: {  	v7 =	vld.idx.msk [tilespmem:v5+s1+$0xFFFFFEA0 ss:$0x1], $0xffff;
	_ =	sdelay $0x4  }
0x120: {  	v7 =	vmul.f32 v7, v2;
	_ =	sdelay $0x1  }
0x121: {  	v7 =	vmul.f32 v7, v8;
	_ =	sdelay $0x1  }
0x122: {  	[tilespmem:v6+s1+$0xFFFFFEA0 ss:$0x1] =	vst.idx.msk $0xffff, v7  }
0x123: {  	v7 =	vld.idx.msk [tilespmem:v5+s1+$0xFFFFFEB0 ss:$0x1], $0xffff;
	_ =	sdelay $0x4  }
0x124: {  	v7 =	vmul.f32 v7, v3;
	_ =	sdelay $0x1  }
0x125: {  	v7 =	vmul.f32 v7, v8;
	_ =	sdelay $0x1  }
0x126: {  	[tilespmem:v6+s1+$0xFFFFFEB0 ss:$0x1] =	vst.idx.msk $0xffff, v7  }
0x127: {  	v7 =	vld.idx.msk [tilespmem:v5+s1+$0xFFFFFEC0 ss:$0x1], $0xffff;
	_ =	sdelay $0x4  }
0x128: {  	v7 =	vmul.f32 v7, v4;
	_ =	sdelay $0x1  }
0x129: {  	v7 =	vmul.f32 v7, v8;
	_ =	sdelay $0x1  }
0x12a: {  	[tilespmem:v6+s1+$0xFFFFFEC0 ss:$0x1] =	vst.idx.msk $0xffff, v7  }
0x12b: {  	v7 =	vld.idx.msk [tilespmem:v5+s1+$0xFFFFFF00 ss:$0x1], $0xffff;
	_ =	sdelay $0x1  }
0x12c: {  	v8 =	vld [tilespmem:s31+$0xFFFFFFE0];
	_ =	sdelay $0x2  }
0x12d: {  	v7 =	vmul.f32 v7, v0;
	_ =	sdelay $0x1  }
0x12e: {  	v7 =	vmul.f32 v7, v8;
	_ =	sdelay $0x1  }
0x12f: {  	[tilespmem:v6+s1+$0xFFFFFF00 ss:$0x1] =	vst.idx.msk $0xffff, v7  }
0x130: {  	v7 =	vld.idx.msk [tilespmem:v5+s1+$0xFFFFFF10 ss:$0x1], $0xffff;
	_ =	sdelay $0x4  }
0x131: {  	v7 =	vmul.f32 v7, v1;
	_ =	sdelay $0x1  }
0x132: {  	v7 =	vmul.f32 v7, v8;
	_ =	sdelay $0x1  }
0x133: {  	[tilespmem:v6+s1+$0xFFFFFF10 ss:$0x1] =	vst.idx.msk $0xffff, v7  }
0x134: {  	v7 =	vld.idx.msk [tilespmem:v5+s1+$0xFFFFFF20 ss:$0x1], $0xffff;
	_ =	sdelay $0x4  }
0x135: {  	v7 =	vmul.f32 v7, v2;
	_ =	sdelay $0x1  }
0x136: {  	v7 =	vmul.f32 v7, v8;
	_ =	sdelay $0x1  }
0x137: {  	[tilespmem:v6+s1+$0xFFFFFF20 ss:$0x1] =	vst.idx.msk $0xffff, v7  }
0x138: {  	v7 =	vld.idx.msk [tilespmem:v5+s1+$0xFFFFFF30 ss:$0x1], $0xffff;
	_ =	sdelay $0x4  }
0x139: {  	v7 =	vmul.f32 v7, v3;
	_ =	sdelay $0x1  }
0x13a: {  	v7 =	vmul.f32 v7, v8;
	_ =	sdelay $0x1  }
0x13b: {  	[tilespmem:v6+s1+$0xFFFFFF30 ss:$0x1] =	vst.idx.msk $0xffff, v7  }
0x13c: {  	v7 =	vld.idx.msk [tilespmem:v5+s1+$0xFFFFFF40 ss:$0x1], $0xffff;
	_ =	sdelay $0x4  }
0x13d: {  	v7 =	vmul.f32 v7, v4;
	_ =	sdelay $0x1  }
0x13e: {  	v7 =	vmul.f32 v7, v8;
	_ =	sdelay $0x1  }
0x13f: {  	[tilespmem:v6+s1+$0xFFFFFF40 ss:$0x1] =	vst.idx.msk $0xffff, v7  }
0x140: {  	v7 =	vld.idx.msk [tilespmem:v5+s1+$0xFFFFFF80 ss:$0x1], $0xffff;
	_ =	sdelay $0x1  }
0x141: {  	v8 =	vld [tilespmem:s31+$0xFFFFFFF0];
	_ =	sdelay $0x2  }
0x142: {  	v7 =	vmul.f32 v7, v0;
	_ =	sdelay $0x1  }
0x143: {  	v7 =	vmul.f32 v7, v8;
	_ =	sdelay $0x1  }
0x144: {  	[tilespmem:v6+s1+$0xFFFFFF80 ss:$0x1] =	vst.idx.msk $0xffff, v7  }
0x145: {  	v7 =	vld.idx.msk [tilespmem:v5+s1+$0xFFFFFF90 ss:$0x1], $0xffff;
	_ =	sdelay $0x4  }
0x146: {  	v7 =	vmul.f32 v7, v1;
	_ =	sdelay $0x1  }
0x147: {  	v7 =	vmul.f32 v7, v8;
	_ =	sdelay $0x1  }
0x148: {  	[tilespmem:v6+s1+$0xFFFFFF90 ss:$0x1] =	vst.idx.msk $0xffff, v7  }
0x149: {  	v7 =	vld.idx.msk [tilespmem:v5+s1+$0xFFFFFFA0 ss:$0x1], $0xffff;
	_ =	sdelay $0x4  }
0x14a: {  	v7 =	vmul.f32 v7, v2;
	_ =	sdelay $0x1  }
0x14b: {  	v7 =	vmul.f32 v7, v8;
	_ =	sdelay $0x1  }
0x14c: {  	[tilespmem:v6+s1+$0xFFFFFFA0 ss:$0x1] =	vst.idx.msk $0xffff, v7  }
0x14d: {  	v7 =	vld.idx.msk [tilespmem:v5+s1+$0xFFFFFFB0 ss:$0x1], $0xffff;
	_ =	sdelay $0x4  }
0x14e: {  	v7 =	vmul.f32 v7, v3;
	_ =	sdelay $0x1  }
0x14f: {  	v7 =	vmul.f32 v7, v8;
	_ =	sdelay $0x1  }
0x150: {  	[tilespmem:v6+s1+$0xFFFFFFB0 ss:$0x1] =	vst.idx.msk $0xffff, v7  }
0x151: {  	v7 =	vld.idx.msk [tilespmem:v5+s1+$0xFFFFFFC0 ss:$0x1], $0xffff;
	_ =	sdelay $0x4  }
0x152: {  	v7 =	vmul.f32 v7, v4;
	_ =	sdelay $0x1  }
0x153: {  	v7 =	vmul.f32 v7, v8;
	_ =	sdelay $0x1  }
0x154: {  	[tilespmem:v6+s1+$0xFFFFFFC0 ss:$0x1] =	vst.idx.msk $0xffff, v7  }
0x155: {  	v7 =	vld.idx.msk [tilespmem:v5+s1+$0x0 ss:$0x1], $0xffff;
	_ =	sdelay $0x1  }
0x156: {  	v8 =	vld [tilespmem:s31+$0x0];
	_ =	sdelay $0x2  }
0x157: {  	v7 =	vmul.f32 v7, v0;
	_ =	sdelay $0x1  }
0x158: {  	v7 =	vmul.f32 v7, v8;
	_ =	sdelay $0x1  }
0x159: {  	[tilespmem:v6+s1+$0x0 ss:$0x1] =	vst.idx.msk $0xffff, v7  }
0x15a: {  	v7 =	vld.idx.msk [tilespmem:v5+s1+$0x10 ss:$0x1], $0xffff;
	_ =	sdelay $0x4  }
0x15b: {  	v7 =	vmul.f32 v7, v1;
	_ =	sdelay $0x1  }
0x15c: {  	v7 =	vmul.f32 v7, v8;
	_ =	sdelay $0x1  }
0x15d: {  	[tilespmem:v6+s1+$0x10 ss:$0x1] =	vst.idx.msk $0xffff, v7  }
0x15e: {  	v7 =	vld.idx.msk [tilespmem:v5+s1+$0x20 ss:$0x1], $0xffff;
	_ =	sdelay $0x4  }
0x15f: {  	v7 =	vmul.f32 v7, v2;
	_ =	sdelay $0x1  }
0x160: {  	v7 =	vmul.f32 v7, v8;
	_ =	sdelay $0x1  }
0x161: {  	[tilespmem:v6+s1+$0x20 ss:$0x1] =	vst.idx.msk $0xffff, v7  }
0x162: {  	v7 =	vld.idx.msk [tilespmem:v5+s1+$0x30 ss:$0x1], $0xffff;
	_ =	sdelay $0x4  }
0x163: {  	v7 =	vmul.f32 v7, v3;
	_ =	sdelay $0x1  }
0x164: {  	v7 =	vmul.f32 v7, v8;
	_ =	sdelay $0x1  }
0x165: {  	[tilespmem:v6+s1+$0x30 ss:$0x1] =	vst.idx.msk $0xffff, v7  }
0x166: {  	v7 =	vld.idx.msk [tilespmem:v5+s1+$0x40 ss:$0x1], $0xffff;
	_ =	sdelay $0x4  }
0x167: {  	v7 =	vmul.f32 v7, v4;
	_ =	sdelay $0x1  }
0x168: {  	v7 =	vmul.f32 v7, v8;
	_ =	sdelay $0x1  }
0x169: {  	[tilespmem:v6+s1+$0x40 ss:$0x1] =	vst.idx.msk $0xffff, v7  }
0x16a: {  	v7 =	vld.idx.msk [tilespmem:v5+s1+$0x80 ss:$0x1], $0xffff;
	_ =	sdelay $0x1  }
0x16b: {  	v8 =	vld [tilespmem:s31+$0x10];
	_ =	sdelay $0x2  }
0x16c: {  	v7 =	vmul.f32 v7, v0;
	_ =	sdelay $0x1  }
0x16d: {  	v7 =	vmul.f32 v7, v8;
	_ =	sdelay $0x1  }
0x16e: {  	[tilespmem:v6+s1+$0x80 ss:$0x1] =	vst.idx.msk $0xffff, v7  }
0x16f: {  	v7 =	vld.idx.msk [tilespmem:v5+s1+$0x90 ss:$0x1], $0xffff;
	_ =	sdelay $0x4  }
0x170: {  	v7 =	vmul.f32 v7, v1;
	_ =	sdelay $0x1  }
0x171: {  	v7 =	vmul.f32 v7, v8;
	_ =	sdelay $0x1  }
0x172: {  	[tilespmem:v6+s1+$0x90 ss:$0x1] =	vst.idx.msk $0xffff, v7  }
0x173: {  	v7 =	vld.idx.msk [tilespmem:v5+s1+$0xA0 ss:$0x1], $0xffff;
	_ =	sdelay $0x4  }
0x174: {  	v7 =	vmul.f32 v7, v2;
	_ =	sdelay $0x1  }
0x175: {  	v7 =	vmul.f32 v7, v8;
	_ =	sdelay $0x1  }
0x176: {  	[tilespmem:v6+s1+$0xA0 ss:$0x1] =	vst.idx.msk $0xffff, v7  }
0x177: {  	v7 =	vld.idx.msk [tilespmem:v5+s1+$0xB0 ss:$0x1], $0xffff;
	_ =	sdelay $0x4  }
0x178: {  	v7 =	vmul.f32 v7, v3;
	_ =	sdelay $0x1  }
0x179: {  	v7 =	vmul.f32 v7, v8;
	_ =	sdelay $0x1  }
0x17a: {  	[tilespmem:v6+s1+$0xB0 ss:$0x1] =	vst.idx.msk $0xffff, v7  }
0x17b: {  	v7 =	vld.idx.msk [tilespmem:v5+s1+$0xC0 ss:$0x1], $0xffff;
	_ =	sdelay $0x4  }
0x17c: {  	v7 =	vmul.f32 v7, v4;
	_ =	sdelay $0x1  }
0x17d: {  	v7 =	vmul.f32 v7, v8;
	_ =	sdelay $0x1  }
0x17e: {  	[tilespmem:v6+s1+$0xC0 ss:$0x1] =	vst.idx.msk $0xffff, v7  }
0x17f: {  	v7 =	vld.idx.msk [tilespmem:v5+s1+$0x100 ss:$0x1], $0xffff;
	_ =	sdelay $0x1  }
0x180: {  	v8 =	vld [tilespmem:s31+$0x20];
	_ =	sdelay $0x2  }
0x181: {  	v7 =	vmul.f32 v7, v0;
	_ =	sdelay $0x1  }
0x182: {  	v7 =	vmul.f32 v7, v8;
	_ =	sdelay $0x1  }
0x183: {  	[tilespmem:v6+s1+$0x100 ss:$0x1] =	vst.idx.msk $0xffff, v7  }
0x184: {  	v7 =	vld.idx.msk [tilespmem:v5+s1+$0x110 ss:$0x1], $0xffff;
	_ =	sdelay $0x4  }
0x185: {  	v7 =	vmul.f32 v7, v1;
	_ =	sdelay $0x1  }
0x186: {  	v7 =	vmul.f32 v7, v8;
	_ =	sdelay $0x1  }
0x187: {  	[tilespmem:v6+s1+$0x110 ss:$0x1] =	vst.idx.msk $0xffff, v7  }
0x188: {  	v7 =	vld.idx.msk [tilespmem:v5+s1+$0x120 ss:$0x1], $0xffff;
	_ =	sdelay $0x4  }
0x189: {  	v7 =	vmul.f32 v7, v2;
	_ =	sdelay $0x1  }
0x18a: {  	v7 =	vmul.f32 v7, v8;
	_ =	sdelay $0x1  }
0x18b: {  	[tilespmem:v6+s1+$0x120 ss:$0x1] =	vst.idx.msk $0xffff, v7  }
0x18c: {  	v7 =	vld.idx.msk [tilespmem:v5+s1+$0x130 ss:$0x1], $0xffff;
	_ =	sdelay $0x4  }
0x18d: {  	v7 =	vmul.f32 v7, v3;
	_ =	sdelay $0x1  }
0x18e: {  	v7 =	vmul.f32 v7, v8;
	_ =	sdelay $0x1  }
0x18f: {  	[tilespmem:v6+s1+$0x130 ss:$0x1] =	vst.idx.msk $0xffff, v7  }
0x190: {  	v7 =	vld.idx.msk [tilespmem:v5+s1+$0x140 ss:$0x1], $0xffff;
	_ =	sdelay $0x4  }
0x191: {  	v7 =	vmul.f32 v7, v4;
	_ =	sdelay $0x1  }
0x192: {  	v7 =	vmul.f32 v7, v8;
	_ =	sdelay $0x1  }
0x193: {  	[tilespmem:v6+s1+$0x140 ss:$0x1] =	vst.idx.msk $0xffff, v7  }
0x194: {  	v7 =	vld.idx.msk [tilespmem:v5+s1+$0x180 ss:$0x1], $0xffff;
	_ =	sdelay $0x1  }
0x195: {  	v8 =	vld [tilespmem:s31+$0x30];
	_ =	sdelay $0x2  }
0x196: {  	v7 =	vmul.f32 v7, v0;
	_ =	sdelay $0x1  }
0x197: {  	v7 =	vmul.f32 v7, v8;
	_ =	sdelay $0x1  }
0x198: {  	[tilespmem:v6+s1+$0x180 ss:$0x1] =	vst.idx.msk $0xffff, v7  }
0x199: {  	v7 =	vld.idx.msk [tilespmem:v5+s1+$0x190 ss:$0x1], $0xffff;
	_ =	sdelay $0x4  }
0x19a: {  	v7 =	vmul.f32 v7, v1;
	_ =	sdelay $0x1  }
0x19b: {  	v7 =	vmul.f32 v7, v8;
	_ =	sdelay $0x1  }
0x19c: {  	[tilespmem:v6+s1+$0x190 ss:$0x1] =	vst.idx.msk $0xffff, v7  }
0x19d: {  	v7 =	vld.idx.msk [tilespmem:v5+s1+$0x1A0 ss:$0x1], $0xffff;
	_ =	sdelay $0x4  }
0x19e: {  	v7 =	vmul.f32 v7, v2;
	_ =	sdelay $0x1  }
0x19f: {  	v7 =	vmul.f32 v7, v8;
	_ =	sdelay $0x1  }
0x1a0: {  	[tilespmem:v6+s1+$0x1A0 ss:$0x1] =	vst.idx.msk $0xffff, v7  }
0x1a1: {  	v7 =	vld.idx.msk [tilespmem:v5+s1+$0x1B0 ss:$0x1], $0xffff;
	_ =	sdelay $0x4  }
0x1a2: {  	v7 =	vmul.f32 v7, v3;
	_ =	sdelay $0x1  }
0x1a3: {  	v7 =	vmul.f32 v7, v8;
	_ =	sdelay $0x1  }
0x1a4: {  	[tilespmem:v6+s1+$0x1B0 ss:$0x1] =	vst.idx.msk $0xffff, v7  }
0x1a5: {  	v7 =	vld.idx.msk [tilespmem:v5+s1+$0x1C0 ss:$0x1], $0xffff;
	_ =	sdelay $0x3  }
0x1a6: {  	p1 =	sne.s32 s0, $0xE000  }
.Ltmp2:
0x1a7: {  	v7 =	vmul.f32 v7, v4;
	(pc) =	sbr.rel @p1 .LBB2_7-.Ltmp2, $3  }
0x1a8: {  	_ = 	snop  }
0x1a9: {  	v7 =	vmul.f32 v7, v8;
	_ =	sdelay $0x1  }
0x1aa: {  	s0 =	sadd.s32 $0x1000, s0;
	s31 =	sadd.s32 $0x80, s31;
	[tilespmem:v6+s1+$0x1C0 ss:$0x1] =	vst.idx.msk $0xffff, v7  }
0x1ab: {  	s0 =	smul.u32 $0x3C00, s25;
	_ =	sdelay $0x1  }
0x1ac: {  	p1 =	sgt.u32 s25, $0x16;
	s1 =	sadd.s32 s6, s0  }
0x1ad: {  	s7 =	sadd.s32 $0x3, s29;
	s0 =	sadd.s32 @!p1 s0, s16;
	s1 =	sshrl.u32 s1, $0x3  }
0x1ae: {  	s31 =	sadd.s32 $0x7800, s30;
	s0 =	sshrl.u32 @!p1 s0, $0x3;
	s1 =	sadd.s32 s4, s1  }
0x1af: {  	[hbm4b:s1+s2] =	stream.linear.scatter [tilespmem:s31], [sflag:s7], $0x3C00, $0x38;
	[tilespmem:$0x1AC80] =	vst v63  }
0x1b0: {  	s25 =	sadd.s32 $0x1, s25;
	s0 =	sadd.s32 @!p1 s3, s0;
	s1 =	simm.s32 @!p1 $0x0  }
0x1b1: {  	[tilespmem:s30], [sflag:s28] =	stream.linear.gather @!p1 [hbm4b:s0+s1], $0x3C00, $0x38;
	[tilespmem:$0x1AC80] =	vst v63  }
0x1b2: {  	p1 =	sne.s32 s25, $0x19  }
.Ltmp3:
0x1b3: {  	_ = 	snop;
	(pc) =	sbr.rel @p1 .LBB2_6-.Ltmp3, $2  }
0x1b4: {  	_ =	sdelay $0x2  }
0x1b5: {  	p0 =	por !p0, !p0;
	s26 =	sadd.s32 $0x780, s26  }
0x1b6: {  	s24 =	sadd.s32 $0x1, s24  }
0x1b7: {  	_ =	swait.ge [sflag:s22], $0x3C00;
	p0 =	sne.s32 s24, s17  }
.Ltmp4:
0x1b8: {  	[sflag:s22] =	ssyncset.done $0x0;
	(pc) =	sbr.rel @p0 .LBB2_1-.Ltmp4, $4  }
0x1b9: {  	[sflag:s22] =	ssyncadd.s32 $0xFFFFC400  }
0x1ba: {  	_ =	swait.ge [sflag:s23], $0x3C00  }
0x1bb: {  	[sflag:s23] =	ssyncset.done $0x0  }
0x1bc: {  	[sflag:s23] =	ssyncadd.s32 $0xFFFFC400  }
0x1bd: {  	_ =	sfence.sel $0x180000  }
0x1be: {  	[bflag:$0x0] =	sbarrier.arrive $0xFFFF  }
0x1bf: {  	_ =	strace $0x90000047  }
0x1c0: {  	s0 =	stileid.u32;
	[bflag:$0x2] =	sbarrier.arrive $0xFFFF  }
0x1c1: {  	p0 =	sne.s32 s0, $0x0;
	s0 =	rddreg [dreg:$0x2]  }
0x1c2: {  	s0 =	sadd.s32 @!p0 $0x100000, s0  }
0x1c3: {  	[sflag:s0] =	ssyncadd.tile.s32 @!p0 $0x1;
	_ =	shalt  }
.Lfunc_end2:
_tile_overlayer_lowered:
.L_overlay_start_2:
0x1c4: {  	(tag) =	ssettag $0x2  }
0x1c5: {  	s0 =	rddreg [dreg:$0x0];
	s2 =	stileid.u32  }
0x1c6: {  	s1 =	rddreg [dreg:$0x1];
	p0 =	sne.s32 s2, $0x0  }
0x1c7: {  	s3 =	rddreg [dreg:$0x2];
	[bflag:$0x3] =	sbarrier.arrive $0xFFFF;
	s2 =	simm.s32 @!p0 $0x1C05  }
0x1c8: {  	[timem:s3], [sflag:s2] =	dma.local @!p0 [hbm:s0], s1  }
0x1c9: {  	s0 =	simm.s32 @!p0 $0x5  }
0x1ca: {  	_ =	swait.ge @!p0 [sflag:s0], s1  }
0x1cb: {  	s1 =	ssub.s32 @!p0 $0x0, s1;
	[sflag:s0] =	ssyncset.done @!p0 $0x0  }
0x1cc: {  	[sflag:s0] =	ssyncadd.s32 @!p0 s1  }
0x1cd: {  	[bflag:$0x3] =	sbarrier.arrive $0xFFFF  }
0x1ce: {  	_ =	shalt  }

</sc_bundles>
